<compile_context>
chip_gen: v7x
topology: tpu7x:2x2x1
jax: 0.10.2.dev20260603
libtpu: 0.0.44.dev20260713+nightly
codegen_flags: <defaults>
</compile_context>

<pallas_src>
import functools

import jax
import jax.numpy as jnp
from jax import lax
from jax.experimental import pallas as pl
from jax.experimental.pallas import tpu as pltpu
from jax.experimental.pallas import tpu_sc as plsc

N, E, D, G = 10000, 320000, 128, 16
NC, NS = 2, 16
NW = NC * NS
WIN = 128
NWIN = ((-(-E // (NW * WIN)) + 7) // 8) * 8
EPW = NWIN * WIN
E_PAD = EPW * NW
N_DUMMY = 16
N_PAD = N + N_DUMMY
ROWS_PER_TILE = 624
ROW_TAIL_OFF = ROWS_PER_TILE * NS
ROW_TAIL = N - ROW_TAIL_OFF


CH = 16
NCH = NWIN // CH


def _sc_scatter_body(h, srcp, dstp, zeros0, out,
                     sidx, didx, rows0, rows1, acc, semA, semB, semI):
    c = lax.axis_index("c")
    s = lax.axis_index("s")
    wid = c * NS + s
    rs = s * ROWS_PER_TILE
    base_row = wid * NWIN

    def stage_chunk(k, buf):
        pltpu.async_copy(srcp.at[pl.ds(base_row + k * CH, CH)],
                         sidx.at[buf], semI)
        pltpu.async_copy(dstp.at[pl.ds(base_row + k * CH, CH)],
                         didx.at[buf], semI)

    def wait_chunk():
        pltpu.make_async_copy(srcp.at[pl.ds(0, CH)], sidx.at[0], semI).wait()
        pltpu.make_async_copy(dstp.at[pl.ds(0, CH)], didx.at[0], semI).wait()

    stage_chunk(0, 0)

    pltpu.sync_copy(zeros0.at[pl.ds(rs, ROWS_PER_TILE)],
                    acc.at[pl.ds(rs, ROWS_PER_TILE)])

    @pl.when(s == NS - 1)
    def _():
        pltpu.sync_copy(zeros0.at[pl.ds(ROW_TAIL_OFF, ROW_TAIL)],
                        acc.at[pl.ds(ROW_TAIL_OFF, ROW_TAIL)])

    wait_chunk()
    pltpu.async_copy(h.at[sidx.at[0, 0]], rows0, semA)

    plsc.subcore_barrier()

    def body(jj, carry):
        j0 = 2 * jj
        k = j0 // CH
        kb = lax.rem(k, 2)
        nb = lax.rem(k + 1, 2)
        s0 = lax.rem(j0, CH)
        jc = lax.rem(jj, CH // 2)

        @pl.when(jc == 0)
        def _():
            @pl.when(k + 1 < NCH)
            def _():
                stage_chunk(k + 1, nb)

        pltpu.async_copy(h.at[sidx.at[kb, s0 + 1]], rows1, semB)
        pltpu.make_async_copy(h.at[pl.ds(0, WIN)], rows0, semA).wait()
        pltpu.sync_copy(rows0, acc.at[didx.at[kb, s0]], add=True)

        @pl.when(jc == CH // 2 - 1)
        def _():
            @pl.when(k + 1 < NCH)
            def _():
                wait_chunk()
                pltpu.async_copy(h.at[sidx.at[nb, 0]], rows0, semA)

        @pl.when(jc != CH // 2 - 1)
        def _():
            pltpu.async_copy(h.at[sidx.at[kb, s0 + 2]], rows0, semA)

        pltpu.make_async_copy(h.at[pl.ds(0, WIN)], rows1, semB).wait()
        pltpu.sync_copy(rows1, acc.at[didx.at[kb, s0 + 1]], add=True)
        return carry

    lax.fori_loop(0, NWIN // 2, body, 0)

    plsc.subcore_barrier()
    pltpu.sync_copy(acc.at[pl.ds(rs, ROWS_PER_TILE)],
                    out.at[c, pl.ds(rs, ROWS_PER_TILE)])

    @pl.when(s == NS - 1)
    def _():
        pltpu.sync_copy(acc.at[pl.ds(ROW_TAIL_OFF, ROW_TAIL)],
                        out.at[c, pl.ds(ROW_TAIL_OFF, ROW_TAIL)])


@functools.cache
def _get_sc_scatter():
    return pl.kernel(
        _sc_scatter_body,
        out_type=jax.ShapeDtypeStruct((NC, N, D), jnp.float32),
        mesh=plsc.VectorSubcoreMesh(core_axis_name="c", subcore_axis_name="s",
                                    num_cores=NC, num_subcores=NS),
        scratch_types=[
            pltpu.VMEM((2, CH, WIN), jnp.int32),
            pltpu.VMEM((2, CH, WIN), jnp.int32),
            pltpu.VMEM((WIN, D), jnp.float32),
            pltpu.VMEM((WIN, D), jnp.float32),
            pltpu.VMEM_SHARED((N_PAD, D), jnp.float32),
            pltpu.SemaphoreType.DMA,
            pltpu.SemaphoreType.DMA,
            pltpu.SemaphoreType.DMA,
        ],
    )


_NB = 10
_BS = N // _NB
_DN = (((1,), (1,)), ((), ()))


def _conv_body(p_ref, h_ref, wr_ref, wo_ref, b_ref, o_ref):
    agg = p_ref[0] + p_ref[1]
    o_ref[...] = jnp.maximum(
        lax.dot_general(agg, wr_ref[...], _DN,
                        preferred_element_type=jnp.float32)
        + b_ref[...]
        + lax.dot_general(h_ref[...], wo_ref[...], _DN,
                          preferred_element_type=jnp.float32),
        0.0)


def _conv_relu(parts, h, Wr, Wo, b):
    return pl.pallas_call(
        _conv_body,
        grid=(_NB,),
        in_specs=[
            pl.BlockSpec((NC, _BS, D), lambda i: (0, i, 0)),
            pl.BlockSpec((_BS, D), lambda i: (i, 0)),
            pl.BlockSpec((D, D), lambda i: (0, 0)),
            pl.BlockSpec((D, D), lambda i: (0, 0)),
            pl.BlockSpec((1, D), lambda i: (0, 0)),
        ],
        out_specs=pl.BlockSpec((_BS, D), lambda i: (i, 0)),
        out_shape=jax.ShapeDtypeStruct((N, D), jnp.float32),
    )(parts, h, Wr, Wo, b.reshape(1, D))


def _final_body(p_ref, h_ref, wr_ref, wo_ref, b_ref, batch_ref,
                w1_ref, b1_ref, w2_ref, b2_ref, out_ref, pooled_ref):
    i = pl.program_id(0)
    agg = p_ref[0] + p_ref[1]
    h3 = (lax.dot_general(agg, wr_ref[...], _DN,
                          preferred_element_type=jnp.float32)
          + b_ref[...]
          + lax.dot_general(h_ref[...], wo_ref[...], _DN,
                            preferred_element_type=jnp.float32))
    bvec = batch_ref[...]
    neg = jnp.float32(-jnp.inf)
    cols = []
    for g in range(G):
        hg = jnp.where(bvec == g, h3, neg)
        cols.append(jnp.max(hg, axis=0))
    cur = jnp.stack(cols, axis=0)

    @pl.when(i == 0)
    def _():
        pooled_ref[...] = cur

    @pl.when(i > 0)
    def _():
        pooled_ref[...] = jnp.maximum(pooled_ref[...], cur)

    @pl.when(i == _NB - 1)
    def _():
        t1 = lax.dot_general(pooled_ref[...], w1_ref[...], _DN,
                             preferred_element_type=jnp.float32)
        t1 = jnp.maximum(t1 + b1_ref[...], 0.0)
        t2 = lax.dot_general(t1, w2_ref[...], _DN,
                             preferred_element_type=jnp.float32)
        out_ref[...] = t2[:, 0:1] + b2_ref[...]


def _final_stage(parts, h, Wr, Wo, b, batch2d, W1p, b1p, W2p, b2):
    return pl.pallas_call(
        _final_body,
        grid=(_NB,),
        in_specs=[
            pl.BlockSpec((NC, _BS, D), lambda i: (0, i, 0)),
            pl.BlockSpec((_BS, D), lambda i: (i, 0)),
            pl.BlockSpec((D, D), lambda i: (0, 0)),
            pl.BlockSpec((D, D), lambda i: (0, 0)),
            pl.BlockSpec((1, D), lambda i: (0, 0)),
            pl.BlockSpec((_BS, 1), lambda i: (i, 0)),
            pl.BlockSpec((8, D), lambda i: (0, 0)),
            pl.BlockSpec((1, 8), lambda i: (0, 0)),
            pl.BlockSpec((8, 8), lambda i: (0, 0)),
            pl.BlockSpec((1, 1), lambda i: (0, 0)),
        ],
        out_specs=pl.BlockSpec((G, 1), lambda i: (0, 0)),
        out_shape=jax.ShapeDtypeStruct((G, 1), jnp.float32),
        scratch_shapes=[pltpu.VMEM((G, D), jnp.float32)],
    )(parts, h, Wr, Wo, b.reshape(1, D), batch2d, W1p, b1p, W2p,
      b2.reshape(1, 1))


def kernel(x, edge_index, batch,
           W_rel1, W_root1, b1, W_rel2, W_root2, b2, W_rel3, W_root3, b3,
           mlp_W1, mlp_b1, mlp_W2, mlp_b2):
    src = edge_index[0]
    dst = edge_index[1]
    pad = E_PAD - E
    src_p = jnp.concatenate(
        [src, jnp.zeros((pad,), jnp.int32)]).reshape(E_PAD // WIN, WIN)
    dst_p = jnp.concatenate(
        [dst, N + (jnp.arange(pad, dtype=jnp.int32) % N_DUMMY)]
    ).reshape(E_PAD // WIN, WIN)
    zeros = jnp.zeros((N, D), jnp.float32)
    batch2d = batch.reshape(N, 1)

    W1p = jnp.zeros((8, D), jnp.float32).at[:5].set(mlp_W1)
    b1p = jnp.zeros((1, 8), jnp.float32).at[0, :5].set(mlp_b1)
    W2p = jnp.zeros((8, 8), jnp.float32).at[0, :5].set(mlp_W2[0])

    sc_scatter = _get_sc_scatter()
    parts = sc_scatter(x, src_p, dst_p, zeros)
    h = _conv_relu(parts, x, W_rel1, W_root1, b1)
    parts = sc_scatter(h, src_p, dst_p, zeros)
    h = _conv_relu(parts, h, W_rel2, W_root2, b2)
    parts = sc_scatter(h, src_p, dst_p, zeros)
    return _final_stage(parts, h, W_rel3, W_root3, b3, batch2d,
                        W1p, b1p, W2p, mlp_b2)

# --- scband reference (transcript-rebuilt; emitter-appended) ---
"""Pipeline reference for scband-gnn-71983651881217 (READ-ONLY COPY).

The authoritative reference and input builder live on the scoring server;
editing this copy changes nothing except your own understanding.
"""

import jax, jax.numpy as jnp
import numpy as np

N, E, D, G = 10000, 320000, 128, 16

def setup_inputs(seed: int = 0) -> dict:
    key = jax.random.key(seed)
    ks = jax.random.split(key, 16)
    x = jax.random.normal(ks[0], (N, D), dtype=jnp.float32)
    edge_index = jax.random.randint(ks[1], (2, E), 0, N, dtype=jnp.int32)
    batch = jnp.sort(jax.random.randint(ks[2], (N,), 0, G, dtype=jnp.int32))
    s = 1.0 / np.sqrt(D)
    params = {}
    for i, base in enumerate([3, 6, 9]):
        li = i + 1
        params[f'W_rel{li}'] = jax.random.uniform(ks[base], (D, D), jnp.float32, -s, s)
        params[f'W_root{li}'] = jax.random.uniform(ks[base+1], (D, D), jnp.float32, -s, s)
        params[f'b{li}'] = jax.random.uniform(ks[base+2], (D,), jnp.float32, -s, s)
    s1 = 1.0 / np.sqrt(D)
    params['mlp_W1'] = jax.random.uniform(ks[12], (5, D), jnp.float32, -s1, s1)
    params['mlp_b1'] = jax.random.uniform(ks[13], (5,), jnp.float32, -s1, s1)
    s2 = 1.0 / np.sqrt(5.0)
    params['mlp_W2'] = jax.random.uniform(ks[14], (1, 5), jnp.float32, -s2, s2)
    params['mlp_b2'] = jax.random.uniform(ks[15], (1,), jnp.float32, -s2, s2)
    return {'x': x, 'edge_index': edge_index, 'batch': batch, **params}

def reference(x, edge_index, batch, W_rel1, W_root1, b1, W_rel2, W_root2, b2, W_rel3, W_root3, b3, mlp_W1, mlp_b1, mlp_W2, mlp_b2):
    src = edge_index[0]
    dst = edge_index[1]
    def graph_conv(h, Wr, Wroot, b):
        # PyG GraphConv (aggr='add'): lin_rel(sum_{j in N(i)} x_j) + lin_root(x_i)
        msgs = h[src]
        agg = jax.ops.segment_sum(msgs, dst, num_segments=N)
        return agg @ Wr.T + b + h @ Wroot.T
    h = jax.nn.relu(graph_conv(x, W_rel1, W_root1, b1))
    h = jax.nn.relu(graph_conv(h, W_rel2, W_root2, b2))
    h = graph_conv(h, W_rel3, W_root3, b3)
    pooled = jax.ops.segment_max(h, batch, num_segments=G)
    h2 = jax.nn.relu(pooled @ mlp_W1.T + mlp_b1)
    out = h2 @ mlp_W2.T + mlp_b2
    return out

if __name__ == "__main__":
    import jax
    _d = setup_inputs()
    print(jax.jit(kernel)(*tuple(_d.values())))

</pallas_src>

<mosaic_0001>
#map = affine_map<(d0, d1) -> (0, 0)>
#map1 = affine_map<(d0, d1) -> (0, 0, 0)>
module attributes {stable_mosaic.version = 14 : i64} {
  func.func @_sc_scatter_body(%arg0: i32, %arg1: i32, %arg2: memref<10000x128xf32, #tpu.memory_space<hbm>>, %arg3: memref<2560x128xi32, #tpu.memory_space<hbm>>, %arg4: memref<2560x128xi32, #tpu.memory_space<hbm>>, %arg5: memref<10000x128xf32, #tpu.memory_space<hbm>>, %arg6: memref<2x10000x128xf32, #tpu.memory_space<hbm>>, %arg7: memref<2x16x128xi32, #tpu.memory_space<vmem>>, %arg8: memref<2x16x128xi32, #tpu.memory_space<vmem>>, %arg9: memref<128x128xf32, #tpu.memory_space<vmem>>, %arg10: memref<128x128xf32, #tpu.memory_space<vmem>>, %arg11: memref<10016x128xf32, #tpu.memory_space<vmem_shared>>, %arg12: memref<!tpu.dma_semaphore, #tpu.memory_space<semaphore_mem>>, %arg13: memref<!tpu.dma_semaphore, #tpu.memory_space<semaphore_mem>>, %arg14: memref<!tpu.dma_semaphore, #tpu.memory_space<semaphore_mem>>) attributes {dimension_semantics = [#tpu.dimension_semantics<core_parallel>, #tpu.dimension_semantics<subcore_parallel>], iteration_bounds = array<i64: 2, 16>, scalar_prefetch = 0 : i64, scratch_operands = 8 : i64, tpu.core_type = #tpu.core_type<sc_vector_subcore>, window_params = [{transform_indices = #map}, {transform_indices = #map}, {transform_indices = #map}, {transform_indices = #map}, {transform_indices = #map1}]} {
    %mul3A = arith.constant 16 : i32
    %mul3A_0 = arith.muli %arg0, %mul3A : i32
    %add3A = arith.addi %mul3A_0, %arg1 : i32
    %mul3A_1 = arith.constant 624 : i32
    %mul3A_2 = arith.muli %arg1, %mul3A_1 : i32
    %mul3A_3 = arith.constant 80 : i32
    %mul3A_4 = arith.muli %add3A, %mul3A_3 : i32
    %add3A_5 = arith.constant 0 : i32
    %add3A_6 = arith.addi %mul3A_4, %add3A_5 : i32
    %dma_start3A = arith.constant 0 : i32
    %dma_start3A_7 = arith.constant 0 : i32
    %dma_start3A_8 = arith.constant 0 : i32
    %dma_start3A_9 = tpu.memref_slice %arg7[%dma_start3A, %dma_start3A_7, %dma_start3A_8] : memref<2x16x128xi32, #tpu.memory_space<vmem>> -> memref<1x16x128xi32, #tpu.memory_space<vmem>>
    %dma_start3A_10 = tpu.memref_squeeze %dma_start3A_9 : memref<1x16x128xi32, #tpu.memory_space<vmem>> -> memref<16x128xi32, #tpu.memory_space<vmem>>
    %dma_start3A_11 = arith.constant 0 : i32
    %dma_start3A_12 = tpu.memref_slice %arg3[%add3A_6, %dma_start3A_11] : memref<2560x128xi32, #tpu.memory_space<hbm>> -> memref<16x128xi32, #tpu.memory_space<hbm>>
    %dma_start3A_13 = arith.constant 0 : i32
    %dma_start3A_14 = arith.constant 0 : i32
    %dma_start3A_15 = tpu.memref_slice %arg7[%dma_start3A, %dma_start3A_13, %dma_start3A_14] : memref<2x16x128xi32, #tpu.memory_space<vmem>> -> memref<1x16x128xi32, #tpu.memory_space<vmem>>
    %dma_start3A_16 = tpu.memref_squeeze %dma_start3A_15 : memref<1x16x128xi32, #tpu.memory_space<vmem>> -> memref<16x128xi32, #tpu.memory_space<vmem>>
    %dma_start3A_17 = arith.constant 0 : i32
    %dma_start3A_18 = tpu.memref_slice %arg3[%add3A_6, %dma_start3A_17] : memref<2560x128xi32, #tpu.memory_space<hbm>> -> memref<16x128xi32, #tpu.memory_space<hbm>>
    tpu.enqueue_dma source(%dma_start3A_18 : memref<16x128xi32, #tpu.memory_space<hbm>>) target(%dma_start3A_16 : memref<16x128xi32, #tpu.memory_space<vmem>>) target_semaphore(%arg14 : memref<!tpu.dma_semaphore, #tpu.memory_space<semaphore_mem>>)
    %add3A_19 = arith.constant 0 : i32
    %add3A_20 = arith.addi %mul3A_4, %add3A_19 : i32
    %dma_start3A_21 = arith.constant 0 : i32
    %dma_start3A_22 = arith.constant 0 : i32
    %dma_start3A_23 = arith.constant 0 : i32
    %dma_start3A_24 = tpu.memref_slice %arg8[%dma_start3A_21, %dma_start3A_22, %dma_start3A_23] : memref<2x16x128xi32, #tpu.memory_space<vmem>> -> memref<1x16x128xi32, #tpu.memory_space<vmem>>
    %dma_start3A_25 = tpu.memref_squeeze %dma_start3A_24 : memref<1x16x128xi32, #tpu.memory_space<vmem>> -> memref<16x128xi32, #tpu.memory_space<vmem>>
    %dma_start3A_26 = arith.constant 0 : i32
    %dma_start3A_27 = tpu.memref_slice %arg4[%add3A_20, %dma_start3A_26] : memref<2560x128xi32, #tpu.memory_space<hbm>> -> memref<16x128xi32, #tpu.memory_space<hbm>>
    %dma_start3A_28 = arith.constant 0 : i32
    %dma_start3A_29 = arith.constant 0 : i32
    %dma_start3A_30 = tpu.memref_slice %arg8[%dma_start3A_21, %dma_start3A_28, %dma_start3A_29] : memref<2x16x128xi32, #tpu.memory_space<vmem>> -> memref<1x16x128xi32, #tpu.memory_space<vmem>>
    %dma_start3A_31 = tpu.memref_squeeze %dma_start3A_30 : memref<1x16x128xi32, #tpu.memory_space<vmem>> -> memref<16x128xi32, #tpu.memory_space<vmem>>
    %dma_start3A_32 = arith.constant 0 : i32
    %dma_start3A_33 = tpu.memref_slice %arg4[%add3A_20, %dma_start3A_32] : memref<2560x128xi32, #tpu.memory_space<hbm>> -> memref<16x128xi32, #tpu.memory_space<hbm>>
    tpu.enqueue_dma source(%dma_start3A_33 : memref<16x128xi32, #tpu.memory_space<hbm>>) target(%dma_start3A_31 : memref<16x128xi32, #tpu.memory_space<vmem>>) target_semaphore(%arg14 : memref<!tpu.dma_semaphore, #tpu.memory_space<semaphore_mem>>)
    "tpu.region"() ({
      %run_scoped3A = tpu.sem_alloc : memref<!tpu.dma_semaphore, #tpu.memory_space<semaphore_mem>>
      %dma_start3A_84 = arith.constant 0 : i32
      %dma_start3A_85 = tpu.memref_slice %arg11[%mul3A_2, %dma_start3A_84] : memref<10016x128xf32, #tpu.memory_space<vmem_shared>> -> memref<624x128xf32, #tpu.memory_space<vmem_shared>>
      %dma_start3A_86 = arith.constant 0 : i32
      %dma_start3A_87 = tpu.memref_slice %arg5[%mul3A_2, %dma_start3A_86] : memref<10000x128xf32, #tpu.memory_space<hbm>> -> memref<624x128xf32, #tpu.memory_space<hbm>>
      tpu.enqueue_dma source(%dma_start3A_87 : memref<624x128xf32, #tpu.memory_space<hbm>>) target(%dma_start3A_85 : memref<624x128xf32, #tpu.memory_space<vmem_shared>>) target_semaphore(%run_scoped3A : memref<!tpu.dma_semaphore, #tpu.memory_space<semaphore_mem>>)
      %dma_wait3A_88 = arith.constant 0 : i32
      %dma_wait3A_89 = tpu.memref_slice %arg11[%mul3A_2, %dma_wait3A_88] : memref<10016x128xf32, #tpu.memory_space<vmem_shared>> -> memref<624x128xf32, #tpu.memory_space<vmem_shared>>
      %dma_wait3A_90 = arith.constant 0 : i32
      %dma_wait3A_91 = tpu.memref_slice %arg5[%mul3A_2, %dma_wait3A_90] : memref<10000x128xf32, #tpu.memory_space<hbm>> -> memref<624x128xf32, #tpu.memory_space<hbm>>
      tpu.wait_dma2 semaphore(%run_scoped3A : memref<!tpu.dma_semaphore, #tpu.memory_space<semaphore_mem>>) src(%dma_wait3A_91 : memref<624x128xf32, #tpu.memory_space<hbm>>) dst(%dma_wait3A_89 : memref<624x128xf32, #tpu.memory_space<vmem_shared>>)
      tpu.yield
    }) : () -> ()
    %eq3A = arith.constant 15 : i32
    %eq3A_34 = arith.cmpi eq, %arg1, %eq3A : i32
    %convert_element_type3A = arith.extui %eq3A_34 : i1 to i32
    %cond3A = arith.constant 0 : i32
    %cond3A_35 = arith.cmpi ne, %convert_element_type3A, %cond3A : i32
    scf.if %cond3A_35 {
      "tpu.region"() ({
        %run_scoped3A = tpu.sem_alloc : memref<!tpu.dma_semaphore, #tpu.memory_space<semaphore_mem>>
        %dma_start3A_84 = arith.constant 9984 : i32
        %dma_start3A_85 = arith.constant 0 : i32
        %dma_start3A_86 = tpu.memref_slice %arg11[%dma_start3A_84, %dma_start3A_85] : memref<10016x128xf32, #tpu.memory_space<vmem_shared>> -> memref<16x128xf32, #tpu.memory_space<vmem_shared>>
        %dma_start3A_87 = arith.constant 9984 : i32
        %dma_start3A_88 = arith.constant 0 : i32
        %dma_start3A_89 = tpu.memref_slice %arg5[%dma_start3A_87, %dma_start3A_88] : memref<10000x128xf32, #tpu.memory_space<hbm>> -> memref<16x128xf32, #tpu.memory_space<hbm>>
        tpu.enqueue_dma source(%dma_start3A_89 : memref<16x128xf32, #tpu.memory_space<hbm>>) target(%dma_start3A_86 : memref<16x128xf32, #tpu.memory_space<vmem_shared>>) target_semaphore(%run_scoped3A : memref<!tpu.dma_semaphore, #tpu.memory_space<semaphore_mem>>)
        %dma_wait3A_90 = arith.constant 9984 : i32
        %dma_wait3A_91 = arith.constant 0 : i32
        %dma_wait3A_92 = tpu.memref_slice %arg11[%dma_wait3A_90, %dma_wait3A_91] : memref<10016x128xf32, #tpu.memory_space<vmem_shared>> -> memref<16x128xf32, #tpu.memory_space<vmem_shared>>
        %dma_wait3A_93 = arith.constant 9984 : i32
        %dma_wait3A_94 = arith.constant 0 : i32
        %dma_wait3A_95 = tpu.memref_slice %arg5[%dma_wait3A_93, %dma_wait3A_94] : memref<10000x128xf32, #tpu.memory_space<hbm>> -> memref<16x128xf32, #tpu.memory_space<hbm>>
        tpu.wait_dma2 semaphore(%run_scoped3A : memref<!tpu.dma_semaphore, #tpu.memory_space<semaphore_mem>>) src(%dma_wait3A_95 : memref<16x128xf32, #tpu.memory_space<hbm>>) dst(%dma_wait3A_92 : memref<16x128xf32, #tpu.memory_space<vmem_shared>>)
        tpu.yield
      }) : () -> ()
    } else {
    }
    %dma_wait3A = arith.constant 0 : i32
    %dma_wait3A_36 = arith.constant 0 : i32
    %dma_wait3A_37 = arith.constant 0 : i32
    %dma_wait3A_38 = tpu.memref_slice %arg7[%dma_wait3A, %dma_wait3A_36, %dma_wait3A_37] : memref<2x16x128xi32, #tpu.memory_space<vmem>> -> memref<1x16x128xi32, #tpu.memory_space<vmem>>
    %dma_wait3A_39 = tpu.memref_squeeze %dma_wait3A_38 : memref<1x16x128xi32, #tpu.memory_space<vmem>> -> memref<16x128xi32, #tpu.memory_space<vmem>>
    %dma_wait3A_40 = arith.constant 0 : i32
    %dma_wait3A_41 = arith.constant 0 : i32
    %dma_wait3A_42 = tpu.memref_slice %arg3[%dma_wait3A_40, %dma_wait3A_41] : memref<2560x128xi32, #tpu.memory_space<hbm>> -> memref<16x128xi32, #tpu.memory_space<hbm>>
    %dma_wait3A_43 = arith.constant 0 : i32
    %dma_wait3A_44 = arith.constant 0 : i32
    %dma_wait3A_45 = tpu.memref_slice %arg7[%dma_wait3A, %dma_wait3A_43, %dma_wait3A_44] : memref<2x16x128xi32, #tpu.memory_space<vmem>> -> memref<1x16x128xi32, #tpu.memory_space<vmem>>
    %dma_wait3A_46 = tpu.memref_squeeze %dma_wait3A_45 : memref<1x16x128xi32, #tpu.memory_space<vmem>> -> memref<16x128xi32, #tpu.memory_space<vmem>>
    %dma_wait3A_47 = arith.constant 0 : i32
    %dma_wait3A_48 = arith.constant 0 : i32
    %dma_wait3A_49 = tpu.memref_slice %arg3[%dma_wait3A_47, %dma_wait3A_48] : memref<2560x128xi32, #tpu.memory_space<hbm>> -> memref<16x128xi32, #tpu.memory_space<hbm>>
    tpu.wait_dma2 semaphore(%arg14 : memref<!tpu.dma_semaphore, #tpu.memory_space<semaphore_mem>>) src(%dma_wait3A_49 : memref<16x128xi32, #tpu.memory_space<hbm>>) dst(%dma_wait3A_46 : memref<16x128xi32, #tpu.memory_space<vmem>>)
    %dma_wait3A_50 = arith.constant 0 : i32
    %dma_wait3A_51 = arith.constant 0 : i32
    %dma_wait3A_52 = arith.constant 0 : i32
    %dma_wait3A_53 = tpu.memref_slice %arg8[%dma_wait3A_50, %dma_wait3A_51, %dma_wait3A_52] : memref<2x16x128xi32, #tpu.memory_space<vmem>> -> memref<1x16x128xi32, #tpu.memory_space<vmem>>
    %dma_wait3A_54 = tpu.memref_squeeze %dma_wait3A_53 : memref<1x16x128xi32, #tpu.memory_space<vmem>> -> memref<16x128xi32, #tpu.memory_space<vmem>>
    %dma_wait3A_55 = arith.constant 0 : i32
    %dma_wait3A_56 = arith.constant 0 : i32
    %dma_wait3A_57 = tpu.memref_slice %arg4[%dma_wait3A_55, %dma_wait3A_56] : memref<2560x128xi32, #tpu.memory_space<hbm>> -> memref<16x128xi32, #tpu.memory_space<hbm>>
    %dma_wait3A_58 = arith.constant 0 : i32
    %dma_wait3A_59 = arith.constant 0 : i32
    %dma_wait3A_60 = tpu.memref_slice %arg8[%dma_wait3A_50, %dma_wait3A_58, %dma_wait3A_59] : memref<2x16x128xi32, #tpu.memory_space<vmem>> -> memref<1x16x128xi32, #tpu.memory_space<vmem>>
    %dma_wait3A_61 = tpu.memref_squeeze %dma_wait3A_60 : memref<1x16x128xi32, #tpu.memory_space<vmem>> -> memref<16x128xi32, #tpu.memory_space<vmem>>
    %dma_wait3A_62 = arith.constant 0 : i32
    %dma_wait3A_63 = arith.constant 0 : i32
    %dma_wait3A_64 = tpu.memref_slice %arg4[%dma_wait3A_62, %dma_wait3A_63] : memref<2560x128xi32, #tpu.memory_space<hbm>> -> memref<16x128xi32, #tpu.memory_space<hbm>>
    tpu.wait_dma2 semaphore(%arg14 : memref<!tpu.dma_semaphore, #tpu.memory_space<semaphore_mem>>) src(%dma_wait3A_64 : memref<16x128xi32, #tpu.memory_space<hbm>>) dst(%dma_wait3A_61 : memref<16x128xi32, #tpu.memory_space<vmem>>)
    %dma_start3A_65 = arith.constant 0 : i32
    %dma_start3A_66 = arith.constant 0 : i32
    %dma_start3A_67 = arith.constant 0 : i32
    %dma_start3A_68 = tpu.memref_slice %arg7[%dma_start3A_65, %dma_start3A_66, %dma_start3A_67] : memref<2x16x128xi32, #tpu.memory_space<vmem>> -> memref<1x1x128xi32, #tpu.memory_space<vmem>>
    %dma_start3A_69 = tpu.memref_squeeze %dma_start3A_68 : memref<1x1x128xi32, #tpu.memory_space<vmem>> -> memref<128xi32, #tpu.memory_space<vmem>>
    %dma_start3A_70 = arith.constant 0 : i32
    %dma_start3A_71 = arith.constant 0 : i32
    %dma_start3A_72 = tpu.memref_slice %arg2[%dma_start3A_70, %dma_start3A_71] : memref<10000x128xf32, #tpu.memory_space<hbm>> -> memref<10000x128xf32, #tpu.memory_space<hbm>>
    tpu.enqueue_indirect_dma source(%dma_start3A_72 : memref<10000x128xf32, #tpu.memory_space<hbm>>) target(%arg9 : memref<128x128xf32, #tpu.memory_space<vmem>>) offsets(%dma_start3A_69 : memref<128xi32, #tpu.memory_space<vmem>>) semaphore(%arg12 : memref<!tpu.dma_semaphore, #tpu.memory_space<semaphore_mem>>)
    %barrier3A = arith.constant 0 : index
    tpu.barrier barrier_id(%barrier3A)
    %scan3A = arith.constant 0 : i32
    %scan3A_73 = arith.constant 0 : i32
    %scan3A_74 = arith.constant 40 : i32
    %scan3A_75 = arith.addi %scan3A_73, %scan3A_74 : i32
    %scan3A_76 = arith.constant 1 : i32
    scf.for %scan3A_84 = %scan3A_73 to %scan3A_75 step %scan3A_76  : i32 {
      %mul3A_85 = arith.constant 2 : i32
      %mul3A_86 = arith.muli %mul3A_85, %scan3A_84 : i32
      %jit3A = arith.constant 16 : i32
      %div3A = arith.divsi %mul3A_86, %jit3A : i32
      %sign3A = arith.constant 0 : i32
      %sign3A_87 = arith.cmpi sgt, %mul3A_86, %sign3A : i32
      %sign3A_88 = arith.extui %sign3A_87 : i1 to i32
      %sign3A_89 = arith.constant 0 : i32
      %sign3A_90 = arith.cmpi slt, %mul3A_86, %sign3A_89 : i32
      %sign3A_91 = arith.extui %sign3A_90 : i1 to i32
      %sign3A_92 = arith.subi %sign3A_88, %sign3A_91 : i32
      %sign3A_93 = arith.constant 0 : i32
      %sign3A_94 = arith.cmpi sgt, %jit3A, %sign3A_93 : i32
      %sign3A_95 = arith.extui %sign3A_94 : i1 to i32
      %sign3A_96 = arith.constant 0 : i32
      %sign3A_97 = arith.cmpi slt, %jit3A, %sign3A_96 : i32
      %sign3A_98 = arith.extui %sign3A_97 : i1 to i32
      %sign3A_99 = arith.subi %sign3A_95, %sign3A_98 : i32
      %ne3A = arith.cmpi ne, %sign3A_92, %sign3A_99 : i32
      %rem3A = arith.remsi %mul3A_86, %jit3A : i32
      %ne3A_100 = arith.constant 0 : i32
      %ne3A_101 = arith.cmpi ne, %rem3A, %ne3A_100 : i32
      %and3A = arith.andi %ne3A, %ne3A_101 : i1
      %sub3A = arith.constant 1 : i32
      %sub3A_102 = arith.subi %div3A, %sub3A : i32
      %select_n3A = arith.select %and3A, %sub3A_102, %div3A : i32
      %rem3A_103 = arith.constant 2 : i32
      %rem3A_104 = arith.remsi %select_n3A, %rem3A_103 : i32
      %add3A_105 = arith.constant 1 : i32
      %add3A_106 = arith.addi %select_n3A, %add3A_105 : i32
      %rem3A_107 = arith.constant 2 : i32
      %rem3A_108 = arith.remsi %add3A_106, %rem3A_107 : i32
      %rem3A_109 = arith.constant 16 : i32
      %rem3A_110 = arith.remsi %mul3A_86, %rem3A_109 : i32
      %rem3A_111 = arith.constant 8 : i32
      %rem3A_112 = arith.remsi %scan3A_84, %rem3A_111 : i32
      %eq3A_113 = arith.constant 0 : i32
      %eq3A_114 = arith.cmpi eq, %rem3A_112, %eq3A_113 : i32
      %convert_element_type3A_115 = arith.extui %eq3A_114 : i1 to i32
      %cond3A_116 = arith.constant 0 : i32
      %cond3A_117 = arith.cmpi ne, %convert_element_type3A_115, %cond3A_116 : i32
      scf.if %cond3A_117 {
        %add3A_150 = arith.constant 1 : i32
        %add3A_151 = arith.addi %select_n3A, %add3A_150 : i32
        %lt3A = arith.constant 5 : i32
        %lt3A_152 = arith.cmpi slt, %add3A_151, %lt3A : i32
        %convert_element_type3A_153 = arith.extui %lt3A_152 : i1 to i32
        %cond3A_154 = arith.constant 0 : i32
        %cond3A_155 = arith.cmpi ne, %convert_element_type3A_153, %cond3A_154 : i32
        scf.if %cond3A_155 {
          %add3A_156 = arith.constant 1 : i32
          %add3A_157 = arith.addi %select_n3A, %add3A_156 : i32
          %mul3A_158 = arith.constant 16 : i32
          %mul3A_159 = arith.muli %add3A_157, %mul3A_158 : i32
          %add3A_160 = arith.addi %mul3A_4, %mul3A_159 : i32
          %dma_start3A_161 = arith.constant 0 : i32
          %dma_start3A_162 = arith.constant 0 : i32
          %dma_start3A_163 = tpu.memref_slice %arg7[%rem3A_108, %dma_start3A_161, %dma_start3A_162] : memref<2x16x128xi32, #tpu.memory_space<vmem>> -> memref<1x16x128xi32, #tpu.memory_space<vmem>>
          %dma_start3A_164 = tpu.memref_squeeze %dma_start3A_163 : memref<1x16x128xi32, #tpu.memory_space<vmem>> -> memref<16x128xi32, #tpu.memory_space<vmem>>
          %dma_start3A_165 = arith.constant 0 : i32
          %dma_start3A_166 = tpu.memref_slice %arg3[%add3A_160, %dma_start3A_165] : memref<2560x128xi32, #tpu.memory_space<hbm>> -> memref<16x128xi32, #tpu.memory_space<hbm>>
          %dma_start3A_167 = arith.constant 0 : i32
          %dma_start3A_168 = arith.constant 0 : i32
          %dma_start3A_169 = tpu.memref_slice %arg7[%rem3A_108, %dma_start3A_167, %dma_start3A_168] : memref<2x16x128xi32, #tpu.memory_space<vmem>> -> memref<1x16x128xi32, #tpu.memory_space<vmem>>
          %dma_start3A_170 = tpu.memref_squeeze %dma_start3A_169 : memref<1x16x128xi32, #tpu.memory_space<vmem>> -> memref<16x128xi32, #tpu.memory_space<vmem>>
          %dma_start3A_171 = arith.constant 0 : i32
          %dma_start3A_172 = tpu.memref_slice %arg3[%add3A_160, %dma_start3A_171] : memref<2560x128xi32, #tpu.memory_space<hbm>> -> memref<16x128xi32, #tpu.memory_space<hbm>>
          tpu.enqueue_dma source(%dma_start3A_172 : memref<16x128xi32, #tpu.memory_space<hbm>>) target(%dma_start3A_170 : memref<16x128xi32, #tpu.memory_space<vmem>>) target_semaphore(%arg14 : memref<!tpu.dma_semaphore, #tpu.memory_space<semaphore_mem>>)
          %mul3A_173 = arith.constant 16 : i32
          %mul3A_174 = arith.muli %add3A_157, %mul3A_173 : i32
          %add3A_175 = arith.addi %mul3A_4, %mul3A_174 : i32
          %dma_start3A_176 = arith.constant 0 : i32
          %dma_start3A_177 = arith.constant 0 : i32
          %dma_start3A_178 = tpu.memref_slice %arg8[%rem3A_108, %dma_start3A_176, %dma_start3A_177] : memref<2x16x128xi32, #tpu.memory_space<vmem>> -> memref<1x16x128xi32, #tpu.memory_space<vmem>>
          %dma_start3A_179 = tpu.memref_squeeze %dma_start3A_178 : memref<1x16x128xi32, #tpu.memory_space<vmem>> -> memref<16x128xi32, #tpu.memory_space<vmem>>
          %dma_start3A_180 = arith.constant 0 : i32
          %dma_start3A_181 = tpu.memref_slice %arg4[%add3A_175, %dma_start3A_180] : memref<2560x128xi32, #tpu.memory_space<hbm>> -> memref<16x128xi32, #tpu.memory_space<hbm>>
          %dma_start3A_182 = arith.constant 0 : i32
          %dma_start3A_183 = arith.constant 0 : i32
          %dma_start3A_184 = tpu.memref_slice %arg8[%rem3A_108, %dma_start3A_182, %dma_start3A_183] : memref<2x16x128xi32, #tpu.memory_space<vmem>> -> memref<1x16x128xi32, #tpu.memory_space<vmem>>
          %dma_start3A_185 = tpu.memref_squeeze %dma_start3A_184 : memref<1x16x128xi32, #tpu.memory_space<vmem>> -> memref<16x128xi32, #tpu.memory_space<vmem>>
          %dma_start3A_186 = arith.constant 0 : i32
          %dma_start3A_187 = tpu.memref_slice %arg4[%add3A_175, %dma_start3A_186] : memref<2560x128xi32, #tpu.memory_space<hbm>> -> memref<16x128xi32, #tpu.memory_space<hbm>>
          tpu.enqueue_dma source(%dma_start3A_187 : memref<16x128xi32, #tpu.memory_space<hbm>>) target(%dma_start3A_185 : memref<16x128xi32, #tpu.memory_space<vmem>>) target_semaphore(%arg14 : memref<!tpu.dma_semaphore, #tpu.memory_space<semaphore_mem>>)
        } else {
        }
      } else {
      }
      %add3A_118 = arith.constant 1 : i32
      %add3A_119 = arith.addi %rem3A_110, %add3A_118 : i32
      %dma_start3A_120 = arith.constant 0 : i32
      %dma_start3A_121 = tpu.memref_slice %arg7[%rem3A_104, %add3A_119, %dma_start3A_120] : memref<2x16x128xi32, #tpu.memory_space<vmem>> -> memref<1x1x128xi32, #tpu.memory_space<vmem>>
      %dma_start3A_122 = tpu.memref_squeeze %dma_start3A_121 : memref<1x1x128xi32, #tpu.memory_space<vmem>> -> memref<128xi32, #tpu.memory_space<vmem>>
      %dma_start3A_123 = arith.constant 0 : i32
      %dma_start3A_124 = arith.constant 0 : i32
      %dma_start3A_125 = tpu.memref_slice %arg2[%dma_start3A_123, %dma_start3A_124] : memref<10000x128xf32, #tpu.memory_space<hbm>> -> memref<10000x128xf32, #tpu.memory_space<hbm>>
      tpu.enqueue_indirect_dma source(%dma_start3A_125 : memref<10000x128xf32, #tpu.memory_space<hbm>>) target(%arg10 : memref<128x128xf32, #tpu.memory_space<vmem>>) offsets(%dma_start3A_122 : memref<128xi32, #tpu.memory_space<vmem>>) semaphore(%arg13 : memref<!tpu.dma_semaphore, #tpu.memory_space<semaphore_mem>>)
      %dma_wait3A_126 = arith.constant 0 : i32
      %dma_wait3A_127 = arith.constant 0 : i32
      %dma_wait3A_128 = tpu.memref_slice %arg2[%dma_wait3A_126, %dma_wait3A_127] : memref<10000x128xf32, #tpu.memory_space<hbm>> -> memref<128x128xf32, #tpu.memory_space<hbm>>
      %dma_wait3A_129 = arith.constant 0 : i32
      %dma_wait3A_130 = arith.constant 0 : i32
      %dma_wait3A_131 = tpu.memref_slice %arg2[%dma_wait3A_129, %dma_wait3A_130] : memref<10000x128xf32, #tpu.memory_space<hbm>> -> memref<128x128xf32, #tpu.memory_space<hbm>>
      tpu.wait_dma2 semaphore(%arg12 : memref<!tpu.dma_semaphore, #tpu.memory_space<semaphore_mem>>) src(%dma_wait3A_131 : memref<128x128xf32, #tpu.memory_space<hbm>>) dst(%arg9 : memref<128x128xf32, #tpu.memory_space<vmem>>)
      "tpu.region"() ({
        %run_scoped3A = tpu.sem_alloc : memref<!tpu.dma_semaphore, #tpu.memory_space<semaphore_mem>>
        %dma_start3A_150 = arith.constant 0 : i32
        %dma_start3A_151 = tpu.memref_slice %arg8[%rem3A_104, %rem3A_110, %dma_start3A_150] : memref<2x16x128xi32, #tpu.memory_space<vmem>> -> memref<1x1x128xi32, #tpu.memory_space<vmem>>
        %dma_start3A_152 = tpu.memref_squeeze %dma_start3A_151 : memref<1x1x128xi32, #tpu.memory_space<vmem>> -> memref<128xi32, #tpu.memory_space<vmem>>
        %dma_start3A_153 = arith.constant 0 : i32
        %dma_start3A_154 = arith.constant 0 : i32
        %dma_start3A_155 = tpu.memref_slice %arg11[%dma_start3A_153, %dma_start3A_154] : memref<10016x128xf32, #tpu.memory_space<vmem_shared>> -> memref<10016x128xf32, #tpu.memory_space<vmem_shared>>
        tpu.enqueue_indirect_dma source(%arg9 : memref<128x128xf32, #tpu.memory_space<vmem>>) target(%dma_start3A_155 : memref<10016x128xf32, #tpu.memory_space<vmem_shared>>) offsets(%dma_start3A_152 : memref<128xi32, #tpu.memory_space<vmem>>) semaphore(%run_scoped3A : memref<!tpu.dma_semaphore, #tpu.memory_space<semaphore_mem>>) {add = true}
        %dma_wait3A_156 = arith.constant 0 : i32
        %dma_wait3A_157 = tpu.memref_slice %arg8[%rem3A_104, %rem3A_110, %dma_wait3A_156] : memref<2x16x128xi32, #tpu.memory_space<vmem>> -> memref<1x1x128xi32, #tpu.memory_space<vmem>>
        %dma_wait3A_158 = tpu.memref_squeeze %dma_wait3A_157 : memref<1x1x128xi32, #tpu.memory_space<vmem>> -> memref<128xi32, #tpu.memory_space<vmem>>
        %dma_wait3A_159 = arith.constant 0 : i32
        %dma_wait3A_160 = arith.constant 0 : i32
        %dma_wait3A_161 = tpu.memref_slice %arg11[%dma_wait3A_159, %dma_wait3A_160] : memref<10016x128xf32, #tpu.memory_space<vmem_shared>> -> memref<10016x128xf32, #tpu.memory_space<vmem_shared>>
        tpu.wait_indirect_dma semaphore(%run_scoped3A : memref<!tpu.dma_semaphore, #tpu.memory_space<semaphore_mem>>) src(%arg9 : memref<128x128xf32, #tpu.memory_space<vmem>>) dst(%dma_wait3A_161 : memref<10016x128xf32, #tpu.memory_space<vmem_shared>>)
        tpu.yield
      }) : () -> ()
      %eq3A_132 = arith.constant 7 : i32
      %eq3A_133 = arith.cmpi eq, %rem3A_112, %eq3A_132 : i32
      %convert_element_type3A_134 = arith.extui %eq3A_133 : i1 to i32
      %cond3A_135 = arith.constant 0 : i32
      %cond3A_136 = arith.cmpi ne, %convert_element_type3A_134, %cond3A_135 : i32
      scf.if %cond3A_136 {
        %add3A_150 = arith.constant 1 : i32
        %add3A_151 = arith.addi %select_n3A, %add3A_150 : i32
        %lt3A = arith.constant 5 : i32
        %lt3A_152 = arith.cmpi slt, %add3A_151, %lt3A : i32
        %convert_element_type3A_153 = arith.extui %lt3A_152 : i1 to i32
        %cond3A_154 = arith.constant 0 : i32
        %cond3A_155 = arith.cmpi ne, %convert_element_type3A_153, %cond3A_154 : i32
        scf.if %cond3A_155 {
          %dma_wait3A_156 = arith.constant 0 : i32
          %dma_wait3A_157 = arith.constant 0 : i32
          %dma_wait3A_158 = arith.constant 0 : i32
          %dma_wait3A_159 = tpu.memref_slice %arg7[%dma_wait3A_156, %dma_wait3A_157, %dma_wait3A_158] : memref<2x16x128xi32, #tpu.memory_space<vmem>> -> memref<1x16x128xi32, #tpu.memory_space<vmem>>
          %dma_wait3A_160 = tpu.memref_squeeze %dma_wait3A_159 : memref<1x16x128xi32, #tpu.memory_space<vmem>> -> memref<16x128xi32, #tpu.memory_space<vmem>>
          %dma_wait3A_161 = arith.constant 0 : i32
          %dma_wait3A_162 = arith.constant 0 : i32
          %dma_wait3A_163 = tpu.memref_slice %arg3[%dma_wait3A_161, %dma_wait3A_162] : memref<2560x128xi32, #tpu.memory_space<hbm>> -> memref<16x128xi32, #tpu.memory_space<hbm>>
          %dma_wait3A_164 = arith.constant 0 : i32
          %dma_wait3A_165 = arith.constant 0 : i32
          %dma_wait3A_166 = tpu.memref_slice %arg7[%dma_wait3A_156, %dma_wait3A_164, %dma_wait3A_165] : memref<2x16x128xi32, #tpu.memory_space<vmem>> -> memref<1x16x128xi32, #tpu.memory_space<vmem>>
          %dma_wait3A_167 = tpu.memref_squeeze %dma_wait3A_166 : memref<1x16x128xi32, #tpu.memory_space<vmem>> -> memref<16x128xi32, #tpu.memory_space<vmem>>
          %dma_wait3A_168 = arith.constant 0 : i32
          %dma_wait3A_169 = arith.constant 0 : i32
          %dma_wait3A_170 = tpu.memref_slice %arg3[%dma_wait3A_168, %dma_wait3A_169] : memref<2560x128xi32, #tpu.memory_space<hbm>> -> memref<16x128xi32, #tpu.memory_space<hbm>>
          tpu.wait_dma2 semaphore(%arg14 : memref<!tpu.dma_semaphore, #tpu.memory_space<semaphore_mem>>) src(%dma_wait3A_170 : memref<16x128xi32, #tpu.memory_space<hbm>>) dst(%dma_wait3A_167 : memref<16x128xi32, #tpu.memory_space<vmem>>)
          %dma_wait3A_171 = arith.constant 0 : i32
          %dma_wait3A_172 = arith.constant 0 : i32
          %dma_wait3A_173 = arith.constant 0 : i32
          %dma_wait3A_174 = tpu.memref_slice %arg8[%dma_wait3A_171, %dma_wait3A_172, %dma_wait3A_173] : memref<2x16x128xi32, #tpu.memory_space<vmem>> -> memref<1x16x128xi32, #tpu.memory_space<vmem>>
          %dma_wait3A_175 = tpu.memref_squeeze %dma_wait3A_174 : memref<1x16x128xi32, #tpu.memory_space<vmem>> -> memref<16x128xi32, #tpu.memory_space<vmem>>
          %dma_wait3A_176 = arith.constant 0 : i32
          %dma_wait3A_177 = arith.constant 0 : i32
          %dma_wait3A_178 = tpu.memref_slice %arg4[%dma_wait3A_176, %dma_wait3A_177] : memref<2560x128xi32, #tpu.memory_space<hbm>> -> memref<16x128xi32, #tpu.memory_space<hbm>>
          %dma_wait3A_179 = arith.constant 0 : i32
          %dma_wait3A_180 = arith.constant 0 : i32
          %dma_wait3A_181 = tpu.memref_slice %arg8[%dma_wait3A_171, %dma_wait3A_179, %dma_wait3A_180] : memref<2x16x128xi32, #tpu.memory_space<vmem>> -> memref<1x16x128xi32, #tpu.memory_space<vmem>>
          %dma_wait3A_182 = tpu.memref_squeeze %dma_wait3A_181 : memref<1x16x128xi32, #tpu.memory_space<vmem>> -> memref<16x128xi32, #tpu.memory_space<vmem>>
          %dma_wait3A_183 = arith.constant 0 : i32
          %dma_wait3A_184 = arith.constant 0 : i32
          %dma_wait3A_185 = tpu.memref_slice %arg4[%dma_wait3A_183, %dma_wait3A_184] : memref<2560x128xi32, #tpu.memory_space<hbm>> -> memref<16x128xi32, #tpu.memory_space<hbm>>
          tpu.wait_dma2 semaphore(%arg14 : memref<!tpu.dma_semaphore, #tpu.memory_space<semaphore_mem>>) src(%dma_wait3A_185 : memref<16x128xi32, #tpu.memory_space<hbm>>) dst(%dma_wait3A_182 : memref<16x128xi32, #tpu.memory_space<vmem>>)
          %dma_start3A_186 = arith.constant 0 : i32
          %dma_start3A_187 = arith.constant 0 : i32
          %dma_start3A_188 = tpu.memref_slice %arg7[%rem3A_108, %dma_start3A_186, %dma_start3A_187] : memref<2x16x128xi32, #tpu.memory_space<vmem>> -> memref<1x1x128xi32, #tpu.memory_space<vmem>>
          %dma_start3A_189 = tpu.memref_squeeze %dma_start3A_188 : memref<1x1x128xi32, #tpu.memory_space<vmem>> -> memref<128xi32, #tpu.memory_space<vmem>>
          %dma_start3A_190 = arith.constant 0 : i32
          %dma_start3A_191 = arith.constant 0 : i32
          %dma_start3A_192 = tpu.memref_slice %arg2[%dma_start3A_190, %dma_start3A_191] : memref<10000x128xf32, #tpu.memory_space<hbm>> -> memref<10000x128xf32, #tpu.memory_space<hbm>>
          tpu.enqueue_indirect_dma source(%dma_start3A_192 : memref<10000x128xf32, #tpu.memory_space<hbm>>) target(%arg9 : memref<128x128xf32, #tpu.memory_space<vmem>>) offsets(%dma_start3A_189 : memref<128xi32, #tpu.memory_space<vmem>>) semaphore(%arg12 : memref<!tpu.dma_semaphore, #tpu.memory_space<semaphore_mem>>)
        } else {
        }
      } else {
      }
      %ne3A_137 = arith.constant 7 : i32
      %ne3A_138 = arith.cmpi ne, %rem3A_112, %ne3A_137 : i32
      %convert_element_type3A_139 = arith.extui %ne3A_138 : i1 to i32
      %cond3A_140 = arith.constant 0 : i32
      %cond3A_141 = arith.cmpi ne, %convert_element_type3A_139, %cond3A_140 : i32
      scf.if %cond3A_141 {
        %add3A_150 = arith.constant 2 : i32
        %add3A_151 = arith.addi %rem3A_110, %add3A_150 : i32
        %dma_start3A_152 = arith.constant 0 : i32
        %dma_start3A_153 = tpu.memref_slice %arg7[%rem3A_104, %add3A_151, %dma_start3A_152] : memref<2x16x128xi32, #tpu.memory_space<vmem>> -> memref<1x1x128xi32, #tpu.memory_space<vmem>>
        %dma_start3A_154 = tpu.memref_squeeze %dma_start3A_153 : memref<1x1x128xi32, #tpu.memory_space<vmem>> -> memref<128xi32, #tpu.memory_space<vmem>>
        %dma_start3A_155 = arith.constant 0 : i32
        %dma_start3A_156 = arith.constant 0 : i32
        %dma_start3A_157 = tpu.memref_slice %arg2[%dma_start3A_155, %dma_start3A_156] : memref<10000x128xf32, #tpu.memory_space<hbm>> -> memref<10000x128xf32, #tpu.memory_space<hbm>>
        tpu.enqueue_indirect_dma source(%dma_start3A_157 : memref<10000x128xf32, #tpu.memory_space<hbm>>) target(%arg9 : memref<128x128xf32, #tpu.memory_space<vmem>>) offsets(%dma_start3A_154 : memref<128xi32, #tpu.memory_space<vmem>>) semaphore(%arg12 : memref<!tpu.dma_semaphore, #tpu.memory_space<semaphore_mem>>)
      } else {
      }
      %dma_wait3A_142 = arith.constant 0 : i32
      %dma_wait3A_143 = arith.constant 0 : i32
      %dma_wait3A_144 = tpu.memref_slice %arg2[%dma_wait3A_142, %dma_wait3A_143] : memref<10000x128xf32, #tpu.memory_space<hbm>> -> memref<128x128xf32, #tpu.memory_space<hbm>>
      %dma_wait3A_145 = arith.constant 0 : i32
      %dma_wait3A_146 = arith.constant 0 : i32
      %dma_wait3A_147 = tpu.memref_slice %arg2[%dma_wait3A_145, %dma_wait3A_146] : memref<10000x128xf32, #tpu.memory_space<hbm>> -> memref<128x128xf32, #tpu.memory_space<hbm>>
      tpu.wait_dma2 semaphore(%arg13 : memref<!tpu.dma_semaphore, #tpu.memory_space<semaphore_mem>>) src(%dma_wait3A_147 : memref<128x128xf32, #tpu.memory_space<hbm>>) dst(%arg10 : memref<128x128xf32, #tpu.memory_space<vmem>>)
      %add3A_148 = arith.constant 1 : i32
      %add3A_149 = arith.addi %rem3A_110, %add3A_148 : i32
      "tpu.region"() ({
        %run_scoped3A = tpu.sem_alloc : memref<!tpu.dma_semaphore, #tpu.memory_space<semaphore_mem>>
        %dma_start3A_150 = arith.constant 0 : i32
        %dma_start3A_151 = tpu.memref_slice %arg8[%rem3A_104, %add3A_149, %dma_start3A_150] : memref<2x16x128xi32, #tpu.memory_space<vmem>> -> memref<1x1x128xi32, #tpu.memory_space<vmem>>
        %dma_start3A_152 = tpu.memref_squeeze %dma_start3A_151 : memref<1x1x128xi32, #tpu.memory_space<vmem>> -> memref<128xi32, #tpu.memory_space<vmem>>
        %dma_start3A_153 = arith.constant 0 : i32
        %dma_start3A_154 = arith.constant 0 : i32
        %dma_start3A_155 = tpu.memref_slice %arg11[%dma_start3A_153, %dma_start3A_154] : memref<10016x128xf32, #tpu.memory_space<vmem_shared>> -> memref<10016x128xf32, #tpu.memory_space<vmem_shared>>
        tpu.enqueue_indirect_dma source(%arg10 : memref<128x128xf32, #tpu.memory_space<vmem>>) target(%dma_start3A_155 : memref<10016x128xf32, #tpu.memory_space<vmem_shared>>) offsets(%dma_start3A_152 : memref<128xi32, #tpu.memory_space<vmem>>) semaphore(%run_scoped3A : memref<!tpu.dma_semaphore, #tpu.memory_space<semaphore_mem>>) {add = true}
        %dma_wait3A_156 = arith.constant 0 : i32
        %dma_wait3A_157 = tpu.memref_slice %arg8[%rem3A_104, %add3A_149, %dma_wait3A_156] : memref<2x16x128xi32, #tpu.memory_space<vmem>> -> memref<1x1x128xi32, #tpu.memory_space<vmem>>
        %dma_wait3A_158 = tpu.memref_squeeze %dma_wait3A_157 : memref<1x1x128xi32, #tpu.memory_space<vmem>> -> memref<128xi32, #tpu.memory_space<vmem>>
        %dma_wait3A_159 = arith.constant 0 : i32
        %dma_wait3A_160 = arith.constant 0 : i32
        %dma_wait3A_161 = tpu.memref_slice %arg11[%dma_wait3A_159, %dma_wait3A_160] : memref<10016x128xf32, #tpu.memory_space<vmem_shared>> -> memref<10016x128xf32, #tpu.memory_space<vmem_shared>>
        tpu.wait_indirect_dma semaphore(%run_scoped3A : memref<!tpu.dma_semaphore, #tpu.memory_space<semaphore_mem>>) src(%arg10 : memref<128x128xf32, #tpu.memory_space<vmem>>) dst(%dma_wait3A_161 : memref<10016x128xf32, #tpu.memory_space<vmem_shared>>)
        tpu.yield
      }) : () -> ()
    }
    %scan3A_77 = arith.constant 40 : i32
    %barrier3A_78 = arith.constant 0 : index
    tpu.barrier barrier_id(%barrier3A_78)
    "tpu.region"() ({
      %run_scoped3A = tpu.sem_alloc : memref<!tpu.dma_semaphore, #tpu.memory_space<semaphore_mem>>
      %dma_start3A_84 = arith.constant 0 : i32
      %dma_start3A_85 = tpu.memref_slice %arg6[%arg0, %mul3A_2, %dma_start3A_84] : memref<2x10000x128xf32, #tpu.memory_space<hbm>> -> memref<1x624x128xf32, #tpu.memory_space<hbm>>
      %dma_start3A_86 = tpu.memref_squeeze %dma_start3A_85 : memref<1x624x128xf32, #tpu.memory_space<hbm>> -> memref<624x128xf32, #tpu.memory_space<hbm>>
      %dma_start3A_87 = arith.constant 0 : i32
      %dma_start3A_88 = tpu.memref_slice %arg11[%mul3A_2, %dma_start3A_87] : memref<10016x128xf32, #tpu.memory_space<vmem_shared>> -> memref<624x128xf32, #tpu.memory_space<vmem_shared>>
      tpu.enqueue_dma source(%dma_start3A_88 : memref<624x128xf32, #tpu.memory_space<vmem_shared>>) target(%dma_start3A_86 : memref<624x128xf32, #tpu.memory_space<hbm>>) target_semaphore(%run_scoped3A : memref<!tpu.dma_semaphore, #tpu.memory_space<semaphore_mem>>)
      %dma_wait3A_89 = arith.constant 0 : i32
      %dma_wait3A_90 = tpu.memref_slice %arg6[%arg0, %mul3A_2, %dma_wait3A_89] : memref<2x10000x128xf32, #tpu.memory_space<hbm>> -> memref<1x624x128xf32, #tpu.memory_space<hbm>>
      %dma_wait3A_91 = tpu.memref_squeeze %dma_wait3A_90 : memref<1x624x128xf32, #tpu.memory_space<hbm>> -> memref<624x128xf32, #tpu.memory_space<hbm>>
      %dma_wait3A_92 = arith.constant 0 : i32
      %dma_wait3A_93 = tpu.memref_slice %arg11[%mul3A_2, %dma_wait3A_92] : memref<10016x128xf32, #tpu.memory_space<vmem_shared>> -> memref<624x128xf32, #tpu.memory_space<vmem_shared>>
      tpu.wait_dma2 semaphore(%run_scoped3A : memref<!tpu.dma_semaphore, #tpu.memory_space<semaphore_mem>>) src(%dma_wait3A_93 : memref<624x128xf32, #tpu.memory_space<vmem_shared>>) dst(%dma_wait3A_91 : memref<624x128xf32, #tpu.memory_space<hbm>>)
      tpu.yield
    }) : () -> ()
    %eq3A_79 = arith.constant 15 : i32
    %eq3A_80 = arith.cmpi eq, %arg1, %eq3A_79 : i32
    %convert_element_type3A_81 = arith.extui %eq3A_80 : i1 to i32
    %cond3A_82 = arith.constant 0 : i32
    %cond3A_83 = arith.cmpi ne, %convert_element_type3A_81, %cond3A_82 : i32
    scf.if %cond3A_83 {
      "tpu.region"() ({
        %run_scoped3A = tpu.sem_alloc : memref<!tpu.dma_semaphore, #tpu.memory_space<semaphore_mem>>
        %dma_start3A_84 = arith.constant 9984 : i32
        %dma_start3A_85 = arith.constant 0 : i32
        %dma_start3A_86 = tpu.memref_slice %arg6[%arg0, %dma_start3A_84, %dma_start3A_85] : memref<2x10000x128xf32, #tpu.memory_space<hbm>> -> memref<1x16x128xf32, #tpu.memory_space<hbm>>
        %dma_start3A_87 = tpu.memref_squeeze %dma_start3A_86 : memref<1x16x128xf32, #tpu.memory_space<hbm>> -> memref<16x128xf32, #tpu.memory_space<hbm>>
        %dma_start3A_88 = arith.constant 9984 : i32
        %dma_start3A_89 = arith.constant 0 : i32
        %dma_start3A_90 = tpu.memref_slice %arg11[%dma_start3A_88, %dma_start3A_89] : memref<10016x128xf32, #tpu.memory_space<vmem_shared>> -> memref<16x128xf32, #tpu.memory_space<vmem_shared>>
        tpu.enqueue_dma source(%dma_start3A_90 : memref<16x128xf32, #tpu.memory_space<vmem_shared>>) target(%dma_start3A_87 : memref<16x128xf32, #tpu.memory_space<hbm>>) target_semaphore(%run_scoped3A : memref<!tpu.dma_semaphore, #tpu.memory_space<semaphore_mem>>)
        %dma_wait3A_91 = arith.constant 9984 : i32
        %dma_wait3A_92 = arith.constant 0 : i32
        %dma_wait3A_93 = tpu.memref_slice %arg6[%arg0, %dma_wait3A_91, %dma_wait3A_92] : memref<2x10000x128xf32, #tpu.memory_space<hbm>> -> memref<1x16x128xf32, #tpu.memory_space<hbm>>
        %dma_wait3A_94 = tpu.memref_squeeze %dma_wait3A_93 : memref<1x16x128xf32, #tpu.memory_space<hbm>> -> memref<16x128xf32, #tpu.memory_space<hbm>>
        %dma_wait3A_95 = arith.constant 9984 : i32
        %dma_wait3A_96 = arith.constant 0 : i32
        %dma_wait3A_97 = tpu.memref_slice %arg11[%dma_wait3A_95, %dma_wait3A_96] : memref<10016x128xf32, #tpu.memory_space<vmem_shared>> -> memref<16x128xf32, #tpu.memory_space<vmem_shared>>
        tpu.wait_dma2 semaphore(%run_scoped3A : memref<!tpu.dma_semaphore, #tpu.memory_space<semaphore_mem>>) src(%dma_wait3A_97 : memref<16x128xf32, #tpu.memory_space<vmem_shared>>) dst(%dma_wait3A_94 : memref<16x128xf32, #tpu.memory_space<hbm>>)
        tpu.yield
      }) : () -> ()
    } else {
    }
    return
  }
}

#map = affine_map<(d0, d1) -> (0, 0)>
#map1 = affine_map<(d0, d1) -> (0, 0, 0)>
module attributes {stable_mosaic.version = 14 : i64} {
  func.func @_sc_scatter_body(%arg0: i32, %arg1: i32, %arg2: memref<10000x128xf32, #tpu.memory_space<hbm>>, %arg3: memref<2560x128xi32, #tpu.memory_space<hbm>>, %arg4: memref<2560x128xi32, #tpu.memory_space<hbm>>, %arg5: memref<10000x128xf32, #tpu.memory_space<hbm>>, %arg6: memref<2x10000x128xf32, #tpu.memory_space<hbm>>, %arg7: memref<2x16x128xi32, #tpu.memory_space<vmem>>, %arg8: memref<2x16x128xi32, #tpu.memory_space<vmem>>, %arg9: memref<128x128xf32, #tpu.memory_space<vmem>>, %arg10: memref<128x128xf32, #tpu.memory_space<vmem>>, %arg11: memref<10016x128xf32, #tpu.memory_space<vmem_shared>>, %arg12: memref<!tpu.dma_semaphore, #tpu.memory_space<semaphore_mem>>, %arg13: memref<!tpu.dma_semaphore, #tpu.memory_space<semaphore_mem>>, %arg14: memref<!tpu.dma_semaphore, #tpu.memory_space<semaphore_mem>>) attributes {dimension_semantics = [#tpu.dimension_semantics<core_parallel>, #tpu.dimension_semantics<subcore_parallel>], iteration_bounds = array<i64: 2, 16>, scalar_prefetch = 0 : i64, scratch_operands = 8 : i64, tpu.core_type = #tpu.core_type<sc_vector_subcore>, window_params = [{transform_indices = #map}, {transform_indices = #map}, {transform_indices = #map}, {transform_indices = #map}, {transform_indices = #map1}]} {
    %mul3A = arith.constant 16 : i32
    %mul3A_0 = arith.muli %arg0, %mul3A : i32
    %add3A = arith.addi %mul3A_0, %arg1 : i32
    %mul3A_1 = arith.constant 624 : i32
    %mul3A_2 = arith.muli %arg1, %mul3A_1 : i32
    %mul3A_3 = arith.constant 80 : i32
    %mul3A_4 = arith.muli %add3A, %mul3A_3 : i32
    %add3A_5 = arith.constant 0 : i32
    %add3A_6 = arith.addi %mul3A_4, %add3A_5 : i32
    %dma_start3A = arith.constant 0 : i32
    %dma_start3A_7 = arith.constant 0 : i32
    %dma_start3A_8 = arith.constant 0 : i32
    %dma_start3A_9 = tpu.memref_slice %arg7[%dma_start3A, %dma_start3A_7, %dma_start3A_8] : memref<2x16x128xi32, #tpu.memory_space<vmem>> -> memref<1x16x128xi32, #tpu.memory_space<vmem>>
    %dma_start3A_10 = tpu.memref_squeeze %dma_start3A_9 : memref<1x16x128xi32, #tpu.memory_space<vmem>> -> memref<16x128xi32, #tpu.memory_space<vmem>>
    %dma_start3A_11 = arith.constant 0 : i32
    %dma_start3A_12 = tpu.memref_slice %arg3[%add3A_6, %dma_start3A_11] : memref<2560x128xi32, #tpu.memory_space<hbm>> -> memref<16x128xi32, #tpu.memory_space<hbm>>
    %dma_start3A_13 = arith.constant 0 : i32
    %dma_start3A_14 = arith.constant 0 : i32
    %dma_start3A_15 = tpu.memref_slice %arg7[%dma_start3A, %dma_start3A_13, %dma_start3A_14] : memref<2x16x128xi32, #tpu.memory_space<vmem>> -> memref<1x16x128xi32, #tpu.memory_space<vmem>>
    %dma_start3A_16 = tpu.memref_squeeze %dma_start3A_15 : memref<1x16x128xi32, #tpu.memory_space<vmem>> -> memref<16x128xi32, #tpu.memory_space<vmem>>
    %dma_start3A_17 = arith.constant 0 : i32
    %dma_start3A_18 = tpu.memref_slice %arg3[%add3A_6, %dma_start3A_17] : memref<2560x128xi32, #tpu.memory_space<hbm>> -> memref<16x128xi32, #tpu.memory_space<hbm>>
    tpu.enqueue_dma source(%dma_start3A_18 : memref<16x128xi32, #tpu.memory_space<hbm>>) target(%dma_start3A_16 : memref<16x128xi32, #tpu.memory_space<vmem>>) target_semaphore(%arg14 : memref<!tpu.dma_semaphore, #tpu.memory_space<semaphore_mem>>)
    %add3A_19 = arith.constant 0 : i32
    %add3A_20 = arith.addi %mul3A_4, %add3A_19 : i32
    %dma_start3A_21 = arith.constant 0 : i32
    %dma_start3A_22 = arith.constant 0 : i32
    %dma_start3A_23 = arith.constant 0 : i32
    %dma_start3A_24 = tpu.memref_slice %arg8[%dma_start3A_21, %dma_start3A_22, %dma_start3A_23] : memref<2x16x128xi32, #tpu.memory_space<vmem>> -> memref<1x16x128xi32, #tpu.memory_space<vmem>>
    %dma_start3A_25 = tpu.memref_squeeze %dma_start3A_24 : memref<1x16x128xi32, #tpu.memory_space<vmem>> -> memref<16x128xi32, #tpu.memory_space<vmem>>
    %dma_start3A_26 = arith.constant 0 : i32
    %dma_start3A_27 = tpu.memref_slice %arg4[%add3A_20, %dma_start3A_26] : memref<2560x128xi32, #tpu.memory_space<hbm>> -> memref<16x128xi32, #tpu.memory_space<hbm>>
    %dma_start3A_28 = arith.constant 0 : i32
    %dma_start3A_29 = arith.constant 0 : i32
    %dma_start3A_30 = tpu.memref_slice %arg8[%dma_start3A_21, %dma_start3A_28, %dma_start3A_29] : memref<2x16x128xi32, #tpu.memory_space<vmem>> -> memref<1x16x128xi32, #tpu.memory_space<vmem>>
    %dma_start3A_31 = tpu.memref_squeeze %dma_start3A_30 : memref<1x16x128xi32, #tpu.memory_space<vmem>> -> memref<16x128xi32, #tpu.memory_space<vmem>>
    %dma_start3A_32 = arith.constant 0 : i32
    %dma_start3A_33 = tpu.memref_slice %arg4[%add3A_20, %dma_start3A_32] : memref<2560x128xi32, #tpu.memory_space<hbm>> -> memref<16x128xi32, #tpu.memory_space<hbm>>
    tpu.enqueue_dma source(%dma_start3A_33 : memref<16x128xi32, #tpu.memory_space<hbm>>) target(%dma_start3A_31 : memref<16x128xi32, #tpu.memory_space<vmem>>) target_semaphore(%arg14 : memref<!tpu.dma_semaphore, #tpu.memory_space<semaphore_mem>>)
    "tpu.region"() ({
      %run_scoped3A = tpu.sem_alloc : memref<!tpu.dma_semaphore, #tpu.memory_space<semaphore_mem>>
      %dma_start3A_84 = arith.constant 0 : i32
      %dma_start3A_85 = tpu.memref_slice %arg11[%mul3A_2, %dma_start3A_84] : memref<10016x128xf32, #tpu.memory_space<vmem_shared>> -> memref<624x128xf32, #tpu.memory_space<vmem_shared>>
      %dma_start3A_86 = arith.constant 0 : i32
      %dma_start3A_87 = tpu.memref_slice %arg5[%mul3A_2, %dma_start3A_86] : memref<10000x128xf32, #tpu.memory_space<hbm>> -> memref<624x128xf32, #tpu.memory_space<hbm>>
      tpu.enqueue_dma source(%dma_start3A_87 : memref<624x128xf32, #tpu.memory_space<hbm>>) target(%dma_start3A_85 : memref<624x128xf32, #tpu.memory_space<vmem_shared>>) target_semaphore(%run_scoped3A : memref<!tpu.dma_semaphore, #tpu.memory_space<semaphore_mem>>)
      %dma_wait3A_88 = arith.constant 0 : i32
      %dma_wait3A_89 = tpu.memref_slice %arg11[%mul3A_2, %dma_wait3A_88] : memref<10016x128xf32, #tpu.memory_space<vmem_shared>> -> memref<624x128xf32, #tpu.memory_space<vmem_shared>>
      %dma_wait3A_90 = arith.constant 0 : i32
      %dma_wait3A_91 = tpu.memref_slice %arg5[%mul3A_2, %dma_wait3A_90] : memref<10000x128xf32, #tpu.memory_space<hbm>> -> memref<624x128xf32, #tpu.memory_space<hbm>>
      tpu.wait_dma2 semaphore(%run_scoped3A : memref<!tpu.dma_semaphore, #tpu.memory_space<semaphore_mem>>) src(%dma_wait3A_91 : memref<624x128xf32, #tpu.memory_space<hbm>>) dst(%dma_wait3A_89 : memref<624x128xf32, #tpu.memory_space<vmem_shared>>)
      tpu.yield
    }) : () -> ()
    %eq3A = arith.constant 15 : i32
    %eq3A_34 = arith.cmpi eq, %arg1, %eq3A : i32
    %convert_element_type3A = arith.extui %eq3A_34 : i1 to i32
    %cond3A = arith.constant 0 : i32
    %cond3A_35 = arith.cmpi ne, %convert_element_type3A, %cond3A : i32
    scf.if %cond3A_35 {
      "tpu.region"() ({
        %run_scoped3A = tpu.sem_alloc : memref<!tpu.dma_semaphore, #tpu.memory_space<semaphore_mem>>
        %dma_start3A_84 = arith.constant 9984 : i32
        %dma_start3A_85 = arith.constant 0 : i32
        %dma_start3A_86 = tpu.memref_slice %arg11[%dma_start3A_84, %dma_start3A_85] : memref<10016x128xf32, #tpu.memory_space<vmem_shared>> -> memref<16x128xf32, #tpu.memory_space<vmem_shared>>
        %dma_start3A_87 = arith.constant 9984 : i32
        %dma_start3A_88 = arith.constant 0 : i32
        %dma_start3A_89 = tpu.memref_slice %arg5[%dma_start3A_87, %dma_start3A_88] : memref<10000x128xf32, #tpu.memory_space<hbm>> -> memref<16x128xf32, #tpu.memory_space<hbm>>
        tpu.enqueue_dma source(%dma_start3A_89 : memref<16x128xf32, #tpu.memory_space<hbm>>) target(%dma_start3A_86 : memref<16x128xf32, #tpu.memory_space<vmem_shared>>) target_semaphore(%run_scoped3A : memref<!tpu.dma_semaphore, #tpu.memory_space<semaphore_mem>>)
        %dma_wait3A_90 = arith.constant 9984 : i32
        %dma_wait3A_91 = arith.constant 0 : i32
        %dma_wait3A_92 = tpu.memref_slice %arg11[%dma_wait3A_90, %dma_wait3A_91] : memref<10016x128xf32, #tpu.memory_space<vmem_shared>> -> memref<16x128xf32, #tpu.memory_space<vmem_shared>>
        %dma_wait3A_93 = arith.constant 9984 : i32
        %dma_wait3A_94 = arith.constant 0 : i32
        %dma_wait3A_95 = tpu.memref_slice %arg5[%dma_wait3A_93, %dma_wait3A_94] : memref<10000x128xf32, #tpu.memory_space<hbm>> -> memref<16x128xf32, #tpu.memory_space<hbm>>
        tpu.wait_dma2 semaphore(%run_scoped3A : memref<!tpu.dma_semaphore, #tpu.memory_space<semaphore_mem>>) src(%dma_wait3A_95 : memref<16x128xf32, #tpu.memory_space<hbm>>) dst(%dma_wait3A_92 : memref<16x128xf32, #tpu.memory_space<vmem_shared>>)
        tpu.yield
      }) : () -> ()
    } else {
    }
    %dma_wait3A = arith.constant 0 : i32
    %dma_wait3A_36 = arith.constant 0 : i32
    %dma_wait3A_37 = arith.constant 0 : i32
    %dma_wait3A_38 = tpu.memref_slice %arg7[%dma_wait3A, %dma_wait3A_36, %dma_wait3A_37] : memref<2x16x128xi32, #tpu.memory_space<vmem>> -> memref<1x16x128xi32, #tpu.memory_space<vmem>>
    %dma_wait3A_39 = tpu.memref_squeeze %dma_wait3A_38 : memref<1x16x128xi32, #tpu.memory_space<vmem>> -> memref<16x128xi32, #tpu.memory_space<vmem>>
    %dma_wait3A_40 = arith.constant 0 : i32
    %dma_wait3A_41 = arith.constant 0 : i32
    %dma_wait3A_42 = tpu.memref_slice %arg3[%dma_wait3A_40, %dma_wait3A_41] : memref<2560x128xi32, #tpu.memory_space<hbm>> -> memref<16x128xi32, #tpu.memory_space<hbm>>
    %dma_wait3A_43 = arith.constant 0 : i32
    %dma_wait3A_44 = arith.constant 0 : i32
    %dma_wait3A_45 = tpu.memref_slice %arg7[%dma_wait3A, %dma_wait3A_43, %dma_wait3A_44] : memref<2x16x128xi32, #tpu.memory_space<vmem>> -> memref<1x16x128xi32, #tpu.memory_space<vmem>>
    %dma_wait3A_46 = tpu.memref_squeeze %dma_wait3A_45 : memref<1x16x128xi32, #tpu.memory_space<vmem>> -> memref<16x128xi32, #tpu.memory_space<vmem>>
    %dma_wait3A_47 = arith.constant 0 : i32
    %dma_wait3A_48 = arith.constant 0 : i32
    %dma_wait3A_49 = tpu.memref_slice %arg3[%dma_wait3A_47, %dma_wait3A_48] : memref<2560x128xi32, #tpu.memory_space<hbm>> -> memref<16x128xi32, #tpu.memory_space<hbm>>
    tpu.wait_dma2 semaphore(%arg14 : memref<!tpu.dma_semaphore, #tpu.memory_space<semaphore_mem>>) src(%dma_wait3A_49 : memref<16x128xi32, #tpu.memory_space<hbm>>) dst(%dma_wait3A_46 : memref<16x128xi32, #tpu.memory_space<vmem>>)
    %dma_wait3A_50 = arith.constant 0 : i32
    %dma_wait3A_51 = arith.constant 0 : i32
    %dma_wait3A_52 = arith.constant 0 : i32
    %dma_wait3A_53 = tpu.memref_slice %arg8[%dma_wait3A_50, %dma_wait3A_51, %dma_wait3A_52] : memref<2x16x128xi32, #tpu.memory_space<vmem>> -> memref<1x16x128xi32, #tpu.memory_space<vmem>>
    %dma_wait3A_54 = tpu.memref_squeeze %dma_wait3A_53 : memref<1x16x128xi32, #tpu.memory_space<vmem>> -> memref<16x128xi32, #tpu.memory_space<vmem>>
    %dma_wait3A_55 = arith.constant 0 : i32
    %dma_wait3A_56 = arith.constant 0 : i32
    %dma_wait3A_57 = tpu.memref_slice %arg4[%dma_wait3A_55, %dma_wait3A_56] : memref<2560x128xi32, #tpu.memory_space<hbm>> -> memref<16x128xi32, #tpu.memory_space<hbm>>
    %dma_wait3A_58 = arith.constant 0 : i32
    %dma_wait3A_59 = arith.constant 0 : i32
    %dma_wait3A_60 = tpu.memref_slice %arg8[%dma_wait3A_50, %dma_wait3A_58, %dma_wait3A_59] : memref<2x16x128xi32, #tpu.memory_space<vmem>> -> memref<1x16x128xi32, #tpu.memory_space<vmem>>
    %dma_wait3A_61 = tpu.memref_squeeze %dma_wait3A_60 : memref<1x16x128xi32, #tpu.memory_space<vmem>> -> memref<16x128xi32, #tpu.memory_space<vmem>>
    %dma_wait3A_62 = arith.constant 0 : i32
    %dma_wait3A_63 = arith.constant 0 : i32
    %dma_wait3A_64 = tpu.memref_slice %arg4[%dma_wait3A_62, %dma_wait3A_63] : memref<2560x128xi32, #tpu.memory_space<hbm>> -> memref<16x128xi32, #tpu.memory_space<hbm>>
    tpu.wait_dma2 semaphore(%arg14 : memref<!tpu.dma_semaphore, #tpu.memory_space<semaphore_mem>>) src(%dma_wait3A_64 : memref<16x128xi32, #tpu.memory_space<hbm>>) dst(%dma_wait3A_61 : memref<16x128xi32, #tpu.memory_space<vmem>>)
    %dma_start3A_65 = arith.constant 0 : i32
    %dma_start3A_66 = arith.constant 0 : i32
    %dma_start3A_67 = arith.constant 0 : i32
    %dma_start3A_68 = tpu.memref_slice %arg7[%dma_start3A_65, %dma_start3A_66, %dma_start3A_67] : memref<2x16x128xi32, #tpu.memory_space<vmem>> -> memref<1x1x128xi32, #tpu.memory_space<vmem>>
    %dma_start3A_69 = tpu.memref_squeeze %dma_start3A_68 : memref<1x1x128xi32, #tpu.memory_space<vmem>> -> memref<128xi32, #tpu.memory_space<vmem>>
    %dma_start3A_70 = arith.constant 0 : i32
    %dma_start3A_71 = arith.constant 0 : i32
    %dma_start3A_72 = tpu.memref_slice %arg2[%dma_start3A_70, %dma_start3A_71] : memref<10000x128xf32, #tpu.memory_space<hbm>> -> memref<10000x128xf32, #tpu.memory_space<hbm>>
    tpu.enqueue_indirect_dma source(%dma_start3A_72 : memref<10000x128xf32, #tpu.memory_space<hbm>>) target(%arg9 : memref<128x128xf32, #tpu.memory_space<vmem>>) offsets(%dma_start3A_69 : memref<128xi32, #tpu.memory_space<vmem>>) semaphore(%arg12 : memref<!tpu.dma_semaphore, #tpu.memory_space<semaphore_mem>>)
    %barrier3A = arith.constant 0 : index
    tpu.barrier barrier_id(%barrier3A)
    %scan3A = arith.constant 0 : i32
    %scan3A_73 = arith.constant 0 : i32
    %scan3A_74 = arith.constant 40 : i32
    %scan3A_75 = arith.addi %scan3A_73, %scan3A_74 : i32
    %scan3A_76 = arith.constant 1 : i32
    scf.for %scan3A_84 = %scan3A_73 to %scan3A_75 step %scan3A_76  : i32 {
      %mul3A_85 = arith.constant 2 : i32
      %mul3A_86 = arith.muli %mul3A_85, %scan3A_84 : i32
      %jit3A = arith.constant 16 : i32
      %div3A = arith.divsi %mul3A_86, %jit3A : i32
      %sign3A = arith.constant 0 : i32
      %sign3A_87 = arith.cmpi sgt, %mul3A_86, %sign3A : i32
      %sign3A_88 = arith.extui %sign3A_87 : i1 to i32
      %sign3A_89 = arith.constant 0 : i32
      %sign3A_90 = arith.cmpi slt, %mul3A_86, %sign3A_89 : i32
      %sign3A_91 = arith.extui %sign3A_90 : i1 to i32
      %sign3A_92 = arith.subi %sign3A_88, %sign3A_91 : i32
      %sign3A_93 = arith.constant 0 : i32
      %sign3A_94 = arith.cmpi sgt, %jit3A, %sign3A_93 : i32
      %sign3A_95 = arith.extui %sign3A_94 : i1 to i32
      %sign3A_96 = arith.constant 0 : i32
      %sign3A_97 = arith.cmpi slt, %jit3A, %sign3A_96 : i32
      %sign3A_98 = arith.extui %sign3A_97 : i1 to i32
      %sign3A_99 = arith.subi %sign3A_95, %sign3A_98 : i32
      %ne3A = arith.cmpi ne, %sign3A_92, %sign3A_99 : i32
      %rem3A = arith.remsi %mul3A_86, %jit3A : i32
      %ne3A_100 = arith.constant 0 : i32
      %ne3A_101 = arith.cmpi ne, %rem3A, %ne3A_100 : i32
      %and3A = arith.andi %ne3A, %ne3A_101 : i1
      %sub3A = arith.constant 1 : i32
      %sub3A_102 = arith.subi %div3A, %sub3A : i32
      %select_n3A = arith.select %and3A, %sub3A_102, %div3A : i32
      %rem3A_103 = arith.constant 2 : i32
      %rem3A_104 = arith.remsi %select_n3A, %rem3A_103 : i32
      %add3A_105 = arith.constant 1 : i32
      %add3A_106 = arith.addi %select_n3A, %add3A_105 : i32
      %rem3A_107 = arith.constant 2 : i32
      %rem3A_108 = arith.remsi %add3A_106, %rem3A_107 : i32
      %rem3A_109 = arith.constant 16 : i32
      %rem3A_110 = arith.remsi %mul3A_86, %rem3A_109 : i32
      %rem3A_111 = arith.constant 8 : i32
      %rem3A_112 = arith.remsi %scan3A_84, %rem3A_111 : i32
      %eq3A_113 = arith.constant 0 : i32
      %eq3A_114 = arith.cmpi eq, %rem3A_112, %eq3A_113 : i32
      %convert_element_type3A_115 = arith.extui %eq3A_114 : i1 to i32
      %cond3A_116 = arith.constant 0 : i32
      %cond3A_117 = arith.cmpi ne, %convert_element_type3A_115, %cond3A_116 : i32
      scf.if %cond3A_117 {
        %add3A_150 = arith.constant 1 : i32
        %add3A_151 = arith.addi %select_n3A, %add3A_150 : i32
        %lt3A = arith.constant 5 : i32
        %lt3A_152 = arith.cmpi slt, %add3A_151, %lt3A : i32
        %convert_element_type3A_153 = arith.extui %lt3A_152 : i1 to i32
        %cond3A_154 = arith.constant 0 : i32
        %cond3A_155 = arith.cmpi ne, %convert_element_type3A_153, %cond3A_154 : i32
        scf.if %cond3A_155 {
          %add3A_156 = arith.constant 1 : i32
          %add3A_157 = arith.addi %select_n3A, %add3A_156 : i32
          %mul3A_158 = arith.constant 16 : i32
          %mul3A_159 = arith.muli %add3A_157, %mul3A_158 : i32
          %add3A_160 = arith.addi %mul3A_4, %mul3A_159 : i32
          %dma_start3A_161 = arith.constant 0 : i32
          %dma_start3A_162 = arith.constant 0 : i32
          %dma_start3A_163 = tpu.memref_slice %arg7[%rem3A_108, %dma_start3A_161, %dma_start3A_162] : memref<2x16x128xi32, #tpu.memory_space<vmem>> -> memref<1x16x128xi32, #tpu.memory_space<vmem>>
          %dma_start3A_164 = tpu.memref_squeeze %dma_start3A_163 : memref<1x16x128xi32, #tpu.memory_space<vmem>> -> memref<16x128xi32, #tpu.memory_space<vmem>>
          %dma_start3A_165 = arith.constant 0 : i32
          %dma_start3A_166 = tpu.memref_slice %arg3[%add3A_160, %dma_start3A_165] : memref<2560x128xi32, #tpu.memory_space<hbm>> -> memref<16x128xi32, #tpu.memory_space<hbm>>
          %dma_start3A_167 = arith.constant 0 : i32
          %dma_start3A_168 = arith.constant 0 : i32
          %dma_start3A_169 = tpu.memref_slice %arg7[%rem3A_108, %dma_start3A_167, %dma_start3A_168] : memref<2x16x128xi32, #tpu.memory_space<vmem>> -> memref<1x16x128xi32, #tpu.memory_space<vmem>>
          %dma_start3A_170 = tpu.memref_squeeze %dma_start3A_169 : memref<1x16x128xi32, #tpu.memory_space<vmem>> -> memref<16x128xi32, #tpu.memory_space<vmem>>
          %dma_start3A_171 = arith.constant 0 : i32
          %dma_start3A_172 = tpu.memref_slice %arg3[%add3A_160, %dma_start3A_171] : memref<2560x128xi32, #tpu.memory_space<hbm>> -> memref<16x128xi32, #tpu.memory_space<hbm>>
          tpu.enqueue_dma source(%dma_start3A_172 : memref<16x128xi32, #tpu.memory_space<hbm>>) target(%dma_start3A_170 : memref<16x128xi32, #tpu.memory_space<vmem>>) target_semaphore(%arg14 : memref<!tpu.dma_semaphore, #tpu.memory_space<semaphore_mem>>)
          %mul3A_173 = arith.constant 16 : i32
          %mul3A_174 = arith.muli %add3A_157, %mul3A_173 : i32
          %add3A_175 = arith.addi %mul3A_4, %mul3A_174 : i32
          %dma_start3A_176 = arith.constant 0 : i32
          %dma_start3A_177 = arith.constant 0 : i32
          %dma_start3A_178 = tpu.memref_slice %arg8[%rem3A_108, %dma_start3A_176, %dma_start3A_177] : memref<2x16x128xi32, #tpu.memory_space<vmem>> -> memref<1x16x128xi32, #tpu.memory_space<vmem>>
          %dma_start3A_179 = tpu.memref_squeeze %dma_start3A_178 : memref<1x16x128xi32, #tpu.memory_space<vmem>> -> memref<16x128xi32, #tpu.memory_space<vmem>>
          %dma_start3A_180 = arith.constant 0 : i32
          %dma_start3A_181 = tpu.memref_slice %arg4[%add3A_175, %dma_start3A_180] : memref<2560x128xi32, #tpu.memory_space<hbm>> -> memref<16x128xi32, #tpu.memory_space<hbm>>
          %dma_start3A_182 = arith.constant 0 : i32
          %dma_start3A_183 = arith.constant 0 : i32
          %dma_start3A_184 = tpu.memref_slice %arg8[%rem3A_108, %dma_start3A_182, %dma_start3A_183] : memref<2x16x128xi32, #tpu.memory_space<vmem>> -> memref<1x16x128xi32, #tpu.memory_space<vmem>>
          %dma_start3A_185 = tpu.memref_squeeze %dma_start3A_184 : memref<1x16x128xi32, #tpu.memory_space<vmem>> -> memref<16x128xi32, #tpu.memory_space<vmem>>
          %dma_start3A_186 = arith.constant 0 : i32
          %dma_start3A_187 = tpu.memref_slice %arg4[%add3A_175, %dma_start3A_186] : memref<2560x128xi32, #tpu.memory_space<hbm>> -> memref<16x128xi32, #tpu.memory_space<hbm>>
          tpu.enqueue_dma source(%dma_start3A_187 : memref<16x128xi32, #tpu.memory_space<hbm>>) target(%dma_start3A_185 : memref<16x128xi32, #tpu.memory_space<vmem>>) target_semaphore(%arg14 : memref<!tpu.dma_semaphore, #tpu.memory_space<semaphore_mem>>)
        } else {
        }
      } else {
      }
      %add3A_118 = arith.constant 1 : i32
      %add3A_119 = arith.addi %rem3A_110, %add3A_118 : i32
      %dma_start3A_120 = arith.constant 0 : i32
      %dma_start3A_121 = tpu.memref_slice %arg7[%rem3A_104, %add3A_119, %dma_start3A_120] : memref<2x16x128xi32, #tpu.memory_space<vmem>> -> memref<1x1x128xi32, #tpu.memory_space<vmem>>
      %dma_start3A_122 = tpu.memref_squeeze %dma_start3A_121 : memref<1x1x128xi32, #tpu.memory_space<vmem>> -> memref<128xi32, #tpu.memory_space<vmem>>
      %dma_start3A_123 = arith.constant 0 : i32
      %dma_start3A_124 = arith.constant 0 : i32
      %dma_start3A_125 = tpu.memref_slice %arg2[%dma_start3A_123, %dma_start3A_124] : memref<10000x128xf32, #tpu.memory_space<hbm>> -> memref<10000x128xf32, #tpu.memory_space<hbm>>
      tpu.enqueue_indirect_dma source(%dma_start3A_125 : memref<10000x128xf32, #tpu.memory_space<hbm>>) target(%arg10 : memref<128x128xf32, #tpu.memory_space<vmem>>) offsets(%dma_start3A_122 : memref<128xi32, #tpu.memory_space<vmem>>) semaphore(%arg13 : memref<!tpu.dma_semaphore, #tpu.memory_space<semaphore_mem>>)
      %dma_wait3A_126 = arith.constant 0 : i32
      %dma_wait3A_127 = arith.constant 0 : i32
      %dma_wait3A_128 = tpu.memref_slice %arg2[%dma_wait3A_126, %dma_wait3A_127] : memref<10000x128xf32, #tpu.memory_space<hbm>> -> memref<128x128xf32, #tpu.memory_space<hbm>>
      %dma_wait3A_129 = arith.constant 0 : i32
      %dma_wait3A_130 = arith.constant 0 : i32
      %dma_wait3A_131 = tpu.memref_slice %arg2[%dma_wait3A_129, %dma_wait3A_130] : memref<10000x128xf32, #tpu.memory_space<hbm>> -> memref<128x128xf32, #tpu.memory_space<hbm>>
      tpu.wait_dma2 semaphore(%arg12 : memref<!tpu.dma_semaphore, #tpu.memory_space<semaphore_mem>>) src(%dma_wait3A_131 : memref<128x128xf32, #tpu.memory_space<hbm>>) dst(%arg9 : memref<128x128xf32, #tpu.memory_space<vmem>>)
      "tpu.region"() ({
        %run_scoped3A = tpu.sem_alloc : memref<!tpu.dma_semaphore, #tpu.memory_space<semaphore_mem>>
        %dma_start3A_150 = arith.constant 0 : i32
        %dma_start3A_151 = tpu.memref_slice %arg8[%rem3A_104, %rem3A_110, %dma_start3A_150] : memref<2x16x128xi32, #tpu.memory_space<vmem>> -> memref<1x1x128xi32, #tpu.memory_space<vmem>>
        %dma_start3A_152 = tpu.memref_squeeze %dma_start3A_151 : memref<1x1x128xi32, #tpu.memory_space<vmem>> -> memref<128xi32, #tpu.memory_space<vmem>>
        %dma_start3A_153 = arith.constant 0 : i32
        %dma_start3A_154 = arith.constant 0 : i32
        %dma_start3A_155 = tpu.memref_slice %arg11[%dma_start3A_153, %dma_start3A_154] : memref<10016x128xf32, #tpu.memory_space<vmem_shared>> -> memref<10016x128xf32, #tpu.memory_space<vmem_shared>>
        tpu.enqueue_indirect_dma source(%arg9 : memref<128x128xf32, #tpu.memory_space<vmem>>) target(%dma_start3A_155 : memref<10016x128xf32, #tpu.memory_space<vmem_shared>>) offsets(%dma_start3A_152 : memref<128xi32, #tpu.memory_space<vmem>>) semaphore(%run_scoped3A : memref<!tpu.dma_semaphore, #tpu.memory_space<semaphore_mem>>) {add = true}
        %dma_wait3A_156 = arith.constant 0 : i32
        %dma_wait3A_157 = tpu.memref_slice %arg8[%rem3A_104, %rem3A_110, %dma_wait3A_156] : memref<2x16x128xi32, #tpu.memory_space<vmem>> -> memref<1x1x128xi32, #tpu.memory_space<vmem>>
        %dma_wait3A_158 = tpu.memref_squeeze %dma_wait3A_157 : memref<1x1x128xi32, #tpu.memory_space<vmem>> -> memref<128xi32, #tpu.memory_space<vmem>>
        %dma_wait3A_159 = arith.constant 0 : i32
        %dma_wait3A_160 = arith.constant 0 : i32
        %dma_wait3A_161 = tpu.memref_slice %arg11[%dma_wait3A_159, %dma_wait3A_160] : memref<10016x128xf32, #tpu.memory_space<vmem_shared>> -> memref<10016x128xf32, #tpu.memory_space<vmem_shared>>
        tpu.wait_indirect_dma semaphore(%run_scoped3A : memref<!tpu.dma_semaphore, #tpu.memory_space<semaphore_mem>>) src(%arg9 : memref<128x128xf32, #tpu.memory_space<vmem>>) dst(%dma_wait3A_161 : memref<10016x128xf32, #tpu.memory_space<vmem_shared>>)
        tpu.yield
      }) : () -> ()
      %eq3A_132 = arith.constant 7 : i32
      %eq3A_133 = arith.cmpi eq, %rem3A_112, %eq3A_132 : i32
      %convert_element_type3A_134 = arith.extui %eq3A_133 : i1 to i32
      %cond3A_135 = arith.constant 0 : i32
      %cond3A_136 = arith.cmpi ne, %convert_element_type3A_134, %cond3A_135 : i32
      scf.if %cond3A_136 {
        %add3A_150 = arith.constant 1 : i32
        %add3A_151 = arith.addi %select_n3A, %add3A_150 : i32
        %lt3A = arith.constant 5 : i32
        %lt3A_152 = arith.cmpi slt, %add3A_151, %lt3A : i32
        %convert_element_type3A_153 = arith.extui %lt3A_152 : i1 to i32
        %cond3A_154 = arith.constant 0 : i32
        %cond3A_155 = arith.cmpi ne, %convert_element_type3A_153, %cond3A_154 : i32
        scf.if %cond3A_155 {
          %dma_wait3A_156 = arith.constant 0 : i32
          %dma_wait3A_157 = arith.constant 0 : i32
          %dma_wait3A_158 = arith.constant 0 : i32
          %dma_wait3A_159 = tpu.memref_slice %arg7[%dma_wait3A_156, %dma_wait3A_157, %dma_wait3A_158] : memref<2x16x128xi32, #tpu.memory_space<vmem>> -> memref<1x16x128xi32, #tpu.memory_space<vmem>>
          %dma_wait3A_160 = tpu.memref_squeeze %dma_wait3A_159 : memref<1x16x128xi32, #tpu.memory_space<vmem>> -> memref<16x128xi32, #tpu.memory_space<vmem>>
          %dma_wait3A_161 = arith.constant 0 : i32
          %dma_wait3A_162 = arith.constant 0 : i32
          %dma_wait3A_163 = tpu.memref_slice %arg3[%dma_wait3A_161, %dma_wait3A_162] : memref<2560x128xi32, #tpu.memory_space<hbm>> -> memref<16x128xi32, #tpu.memory_space<hbm>>
          %dma_wait3A_164 = arith.constant 0 : i32
          %dma_wait3A_165 = arith.constant 0 : i32
          %dma_wait3A_166 = tpu.memref_slice %arg7[%dma_wait3A_156, %dma_wait3A_164, %dma_wait3A_165] : memref<2x16x128xi32, #tpu.memory_space<vmem>> -> memref<1x16x128xi32, #tpu.memory_space<vmem>>
          %dma_wait3A_167 = tpu.memref_squeeze %dma_wait3A_166 : memref<1x16x128xi32, #tpu.memory_space<vmem>> -> memref<16x128xi32, #tpu.memory_space<vmem>>
          %dma_wait3A_168 = arith.constant 0 : i32
          %dma_wait3A_169 = arith.constant 0 : i32
          %dma_wait3A_170 = tpu.memref_slice %arg3[%dma_wait3A_168, %dma_wait3A_169] : memref<2560x128xi32, #tpu.memory_space<hbm>> -> memref<16x128xi32, #tpu.memory_space<hbm>>
          tpu.wait_dma2 semaphore(%arg14 : memref<!tpu.dma_semaphore, #tpu.memory_space<semaphore_mem>>) src(%dma_wait3A_170 : memref<16x128xi32, #tpu.memory_space<hbm>>) dst(%dma_wait3A_167 : memref<16x128xi32, #tpu.memory_space<vmem>>)
          %dma_wait3A_171 = arith.constant 0 : i32
          %dma_wait3A_172 = arith.constant 0 : i32
          %dma_wait3A_173 = arith.constant 0 : i32
          %dma_wait3A_174 = tpu.memref_slice %arg8[%dma_wait3A_171, %dma_wait3A_172, %dma_wait3A_173] : memref<2x16x128xi32, #tpu.memory_space<vmem>> -> memref<1x16x128xi32, #tpu.memory_space<vmem>>
          %dma_wait3A_175 = tpu.memref_squeeze %dma_wait3A_174 : memref<1x16x128xi32, #tpu.memory_space<vmem>> -> memref<16x128xi32, #tpu.memory_space<vmem>>
          %dma_wait3A_176 = arith.constant 0 : i32
          %dma_wait3A_177 = arith.constant 0 : i32
          %dma_wait3A_178 = tpu.memref_slice %arg4[%dma_wait3A_176, %dma_wait3A_177] : memref<2560x128xi32, #tpu.memory_space<hbm>> -> memref<16x128xi32, #tpu.memory_space<hbm>>
          %dma_wait3A_179 = arith.constant 0 : i32
          %dma_wait3A_180 = arith.constant 0 : i32
          %dma_wait3A_181 = tpu.memref_slice %arg8[%dma_wait3A_171, %dma_wait3A_179, %dma_wait3A_180] : memref<2x16x128xi32, #tpu.memory_space<vmem>> -> memref<1x16x128xi32, #tpu.memory_space<vmem>>
          %dma_wait3A_182 = tpu.memref_squeeze %dma_wait3A_181 : memref<1x16x128xi32, #tpu.memory_space<vmem>> -> memref<16x128xi32, #tpu.memory_space<vmem>>
          %dma_wait3A_183 = arith.constant 0 : i32
          %dma_wait3A_184 = arith.constant 0 : i32
          %dma_wait3A_185 = tpu.memref_slice %arg4[%dma_wait3A_183, %dma_wait3A_184] : memref<2560x128xi32, #tpu.memory_space<hbm>> -> memref<16x128xi32, #tpu.memory_space<hbm>>
          tpu.wait_dma2 semaphore(%arg14 : memref<!tpu.dma_semaphore, #tpu.memory_space<semaphore_mem>>) src(%dma_wait3A_185 : memref<16x128xi32, #tpu.memory_space<hbm>>) dst(%dma_wait3A_182 : memref<16x128xi32, #tpu.memory_space<vmem>>)
          %dma_start3A_186 = arith.constant 0 : i32
          %dma_start3A_187 = arith.constant 0 : i32
          %dma_start3A_188 = tpu.memref_slice %arg7[%rem3A_108, %dma_start3A_186, %dma_start3A_187] : memref<2x16x128xi32, #tpu.memory_space<vmem>> -> memref<1x1x128xi32, #tpu.memory_space<vmem>>
          %dma_start3A_189 = tpu.memref_squeeze %dma_start3A_188 : memref<1x1x128xi32, #tpu.memory_space<vmem>> -> memref<128xi32, #tpu.memory_space<vmem>>
          %dma_start3A_190 = arith.constant 0 : i32
          %dma_start3A_191 = arith.constant 0 : i32
          %dma_start3A_192 = tpu.memref_slice %arg2[%dma_start3A_190, %dma_start3A_191] : memref<10000x128xf32, #tpu.memory_space<hbm>> -> memref<10000x128xf32, #tpu.memory_space<hbm>>
          tpu.enqueue_indirect_dma source(%dma_start3A_192 : memref<10000x128xf32, #tpu.memory_space<hbm>>) target(%arg9 : memref<128x128xf32, #tpu.memory_space<vmem>>) offsets(%dma_start3A_189 : memref<128xi32, #tpu.memory_space<vmem>>) semaphore(%arg12 : memref<!tpu.dma_semaphore, #tpu.memory_space<semaphore_mem>>)
        } else {
        }
      } else {
      }
      %ne3A_137 = arith.constant 7 : i32
      %ne3A_138 = arith.cmpi ne, %rem3A_112, %ne3A_137 : i32
      %convert_element_type3A_139 = arith.extui %ne3A_138 : i1 to i32
      %cond3A_140 = arith.constant 0 : i32
      %cond3A_141 = arith.cmpi ne, %convert_element_type3A_139, %cond3A_140 : i32
      scf.if %cond3A_141 {
        %add3A_150 = arith.constant 2 : i32
        %add3A_151 = arith.addi %rem3A_110, %add3A_150 : i32
        %dma_start3A_152 = arith.constant 0 : i32
        %dma_start3A_153 = tpu.memref_slice %arg7[%rem3A_104, %add3A_151, %dma_start3A_152] : memref<2x16x128xi32, #tpu.memory_space<vmem>> -> memref<1x1x128xi32, #tpu.memory_space<vmem>>
        %dma_start3A_154 = tpu.memref_squeeze %dma_start3A_153 : memref<1x1x128xi32, #tpu.memory_space<vmem>> -> memref<128xi32, #tpu.memory_space<vmem>>
        %dma_start3A_155 = arith.constant 0 : i32
        %dma_start3A_156 = arith.constant 0 : i32
        %dma_start3A_157 = tpu.memref_slice %arg2[%dma_start3A_155, %dma_start3A_156] : memref<10000x128xf32, #tpu.memory_space<hbm>> -> memref<10000x128xf32, #tpu.memory_space<hbm>>
        tpu.enqueue_indirect_dma source(%dma_start3A_157 : memref<10000x128xf32, #tpu.memory_space<hbm>>) target(%arg9 : memref<128x128xf32, #tpu.memory_space<vmem>>) offsets(%dma_start3A_154 : memref<128xi32, #tpu.memory_space<vmem>>) semaphore(%arg12 : memref<!tpu.dma_semaphore, #tpu.memory_space<semaphore_mem>>)
      } else {
      }
      %dma_wait3A_142 = arith.constant 0 : i32
      %dma_wait3A_143 = arith.constant 0 : i32
      %dma_wait3A_144 = tpu.memref_slice %arg2[%dma_wait3A_142, %dma_wait3A_143] : memref<10000x128xf32, #tpu.memory_space<hbm>> -> memref<128x128xf32, #tpu.memory_space<hbm>>
      %dma_wait3A_145 = arith.constant 0 : i32
      %dma_wait3A_146 = arith.constant 0 : i32
      %dma_wait3A_147 = tpu.memref_slice %arg2[%dma_wait3A_145, %dma_wait3A_146] : memref<10000x128xf32, #tpu.memory_space<hbm>> -> memref<128x128xf32, #tpu.memory_space<hbm>>
      tpu.wait_dma2 semaphore(%arg13 : memref<!tpu.dma_semaphore, #tpu.memory_space<semaphore_mem>>) src(%dma_wait3A_147 : memref<128x128xf32, #tpu.memory_space<hbm>>) dst(%arg10 : memref<128x128xf32, #tpu.memory_space<vmem>>)
      %add3A_148 = arith.constant 1 : i32
      %add3A_149 = arith.addi %rem3A_110, %add3A_148 : i32
      "tpu.region"() ({
        %run_scoped3A = tpu.sem_alloc : memref<!tpu.dma_semaphore, #tpu.memory_space<semaphore_mem>>
        %dma_start3A_150 = arith.constant 0 : i32
        %dma_start3A_151 = tpu.memref_slice %arg8[%rem3A_104, %add3A_149, %dma_start3A_150] : memref<2x16x128xi32, #tpu.memory_space<vmem>> -> memref<1x1x128xi32, #tpu.memory_space<vmem>>
        %dma_start3A_152 = tpu.memref_squeeze %dma_start3A_151 : memref<1x1x128xi32, #tpu.memory_space<vmem>> -> memref<128xi32, #tpu.memory_space<vmem>>
        %dma_start3A_153 = arith.constant 0 : i32
        %dma_start3A_154 = arith.constant 0 : i32
        %dma_start3A_155 = tpu.memref_slice %arg11[%dma_start3A_153, %dma_start3A_154] : memref<10016x128xf32, #tpu.memory_space<vmem_shared>> -> memref<10016x128xf32, #tpu.memory_space<vmem_shared>>
        tpu.enqueue_indirect_dma source(%arg10 : memref<128x128xf32, #tpu.memory_space<vmem>>) target(%dma_start3A_155 : memref<10016x128xf32, #tpu.memory_space<vmem_shared>>) offsets(%dma_start3A_152 : memref<128xi32, #tpu.memory_space<vmem>>) semaphore(%run_scoped3A : memref<!tpu.dma_semaphore, #tpu.memory_space<semaphore_mem>>) {add = true}
        %dma_wait3A_156 = arith.constant 0 : i32
        %dma_wait3A_157 = tpu.memref_slice %arg8[%rem3A_104, %add3A_149, %dma_wait3A_156] : memref<2x16x128xi32, #tpu.memory_space<vmem>> -> memref<1x1x128xi32, #tpu.memory_space<vmem>>
        %dma_wait3A_158 = tpu.memref_squeeze %dma_wait3A_157 : memref<1x1x128xi32, #tpu.memory_space<vmem>> -> memref<128xi32, #tpu.memory_space<vmem>>
        %dma_wait3A_159 = arith.constant 0 : i32
        %dma_wait3A_160 = arith.constant 0 : i32
        %dma_wait3A_161 = tpu.memref_slice %arg11[%dma_wait3A_159, %dma_wait3A_160] : memref<10016x128xf32, #tpu.memory_space<vmem_shared>> -> memref<10016x128xf32, #tpu.memory_space<vmem_shared>>
        tpu.wait_indirect_dma semaphore(%run_scoped3A : memref<!tpu.dma_semaphore, #tpu.memory_space<semaphore_mem>>) src(%arg10 : memref<128x128xf32, #tpu.memory_space<vmem>>) dst(%dma_wait3A_161 : memref<10016x128xf32, #tpu.memory_space<vmem_shared>>)
        tpu.yield
      }) : () -> ()
    }
    %scan3A_77 = arith.constant 40 : i32
    %barrier3A_78 = arith.constant 0 : index
    tpu.barrier barrier_id(%barrier3A_78)
    "tpu.region"() ({
      %run_scoped3A = tpu.sem_alloc : memref<!tpu.dma_semaphore, #tpu.memory_space<semaphore_mem>>
      %dma_start3A_84 = arith.constant 0 : i32
      %dma_start3A_85 = tpu.memref_slice %arg6[%arg0, %mul3A_2, %dma_start3A_84] : memref<2x10000x128xf32, #tpu.memory_space<hbm>> -> memref<1x624x128xf32, #tpu.memory_space<hbm>>
      %dma_start3A_86 = tpu.memref_squeeze %dma_start3A_85 : memref<1x624x128xf32, #tpu.memory_space<hbm>> -> memref<624x128xf32, #tpu.memory_space<hbm>>
      %dma_start3A_87 = arith.constant 0 : i32
      %dma_start3A_88 = tpu.memref_slice %arg11[%mul3A_2, %dma_start3A_87] : memref<10016x128xf32, #tpu.memory_space<vmem_shared>> -> memref<624x128xf32, #tpu.memory_space<vmem_shared>>
      tpu.enqueue_dma source(%dma_start3A_88 : memref<624x128xf32, #tpu.memory_space<vmem_shared>>) target(%dma_start3A_86 : memref<624x128xf32, #tpu.memory_space<hbm>>) target_semaphore(%run_scoped3A : memref<!tpu.dma_semaphore, #tpu.memory_space<semaphore_mem>>)
      %dma_wait3A_89 = arith.constant 0 : i32
      %dma_wait3A_90 = tpu.memref_slice %arg6[%arg0, %mul3A_2, %dma_wait3A_89] : memref<2x10000x128xf32, #tpu.memory_space<hbm>> -> memref<1x624x128xf32, #tpu.memory_space<hbm>>
      %dma_wait3A_91 = tpu.memref_squeeze %dma_wait3A_90 : memref<1x624x128xf32, #tpu.memory_space<hbm>> -> memref<624x128xf32, #tpu.memory_space<hbm>>
      %dma_wait3A_92 = arith.constant 0 : i32
      %dma_wait3A_93 = tpu.memref_slice %arg11[%mul3A_2, %dma_wait3A_92] : memref<10016x128xf32, #tpu.memory_space<vmem_shared>> -> memref<624x128xf32, #tpu.memory_space<vmem_shared>>
      tpu.wait_dma2 semaphore(%run_scoped3A : memref<!tpu.dma_semaphore, #tpu.memory_space<semaphore_mem>>) src(%dma_wait3A_93 : memref<624x128xf32, #tpu.memory_space<vmem_shared>>) dst(%dma_wait3A_91 : memref<624x128xf32, #tpu.memory_space<hbm>>)
      tpu.yield
    }) : () -> ()
    %eq3A_79 = arith.constant 15 : i32
    %eq3A_80 = arith.cmpi eq, %arg1, %eq3A_79 : i32
    %convert_element_type3A_81 = arith.extui %eq3A_80 : i1 to i32
    %cond3A_82 = arith.constant 0 : i32
    %cond3A_83 = arith.cmpi ne, %convert_element_type3A_81, %cond3A_82 : i32
    scf.if %cond3A_83 {
      "tpu.region"() ({
        %run_scoped3A = tpu.sem_alloc : memref<!tpu.dma_semaphore, #tpu.memory_space<semaphore_mem>>
        %dma_start3A_84 = arith.constant 9984 : i32
        %dma_start3A_85 = arith.constant 0 : i32
        %dma_start3A_86 = tpu.memref_slice %arg6[%arg0, %dma_start3A_84, %dma_start3A_85] : memref<2x10000x128xf32, #tpu.memory_space<hbm>> -> memref<1x16x128xf32, #tpu.memory_space<hbm>>
        %dma_start3A_87 = tpu.memref_squeeze %dma_start3A_86 : memref<1x16x128xf32, #tpu.memory_space<hbm>> -> memref<16x128xf32, #tpu.memory_space<hbm>>
        %dma_start3A_88 = arith.constant 9984 : i32
        %dma_start3A_89 = arith.constant 0 : i32
        %dma_start3A_90 = tpu.memref_slice %arg11[%dma_start3A_88, %dma_start3A_89] : memref<10016x128xf32, #tpu.memory_space<vmem_shared>> -> memref<16x128xf32, #tpu.memory_space<vmem_shared>>
        tpu.enqueue_dma source(%dma_start3A_90 : memref<16x128xf32, #tpu.memory_space<vmem_shared>>) target(%dma_start3A_87 : memref<16x128xf32, #tpu.memory_space<hbm>>) target_semaphore(%run_scoped3A : memref<!tpu.dma_semaphore, #tpu.memory_space<semaphore_mem>>)
        %dma_wait3A_91 = arith.constant 9984 : i32
        %dma_wait3A_92 = arith.constant 0 : i32
        %dma_wait3A_93 = tpu.memref_slice %arg6[%arg0, %dma_wait3A_91, %dma_wait3A_92] : memref<2x10000x128xf32, #tpu.memory_space<hbm>> -> memref<1x16x128xf32, #tpu.memory_space<hbm>>
        %dma_wait3A_94 = tpu.memref_squeeze %dma_wait3A_93 : memref<1x16x128xf32, #tpu.memory_space<hbm>> -> memref<16x128xf32, #tpu.memory_space<hbm>>
        %dma_wait3A_95 = arith.constant 9984 : i32
        %dma_wait3A_96 = arith.constant 0 : i32
        %dma_wait3A_97 = tpu.memref_slice %arg11[%dma_wait3A_95, %dma_wait3A_96] : memref<10016x128xf32, #tpu.memory_space<vmem_shared>> -> memref<16x128xf32, #tpu.memory_space<vmem_shared>>
        tpu.wait_dma2 semaphore(%run_scoped3A : memref<!tpu.dma_semaphore, #tpu.memory_space<semaphore_mem>>) src(%dma_wait3A_97 : memref<16x128xf32, #tpu.memory_space<vmem_shared>>) dst(%dma_wait3A_94 : memref<16x128xf32, #tpu.memory_space<hbm>>)
        tpu.yield
      }) : () -> ()
    } else {
    }
    return
  }
}

#map = affine_map<(d0, d1) -> (0, 0)>
#map1 = affine_map<(d0, d1) -> (0, 0, 0)>
module attributes {stable_mosaic.version = 14 : i64} {
  func.func @_sc_scatter_body(%arg0: i32, %arg1: i32, %arg2: memref<10000x128xf32, #tpu.memory_space<hbm>>, %arg3: memref<2560x128xi32, #tpu.memory_space<hbm>>, %arg4: memref<2560x128xi32, #tpu.memory_space<hbm>>, %arg5: memref<10000x128xf32, #tpu.memory_space<hbm>>, %arg6: memref<2x10000x128xf32, #tpu.memory_space<hbm>>, %arg7: memref<2x16x128xi32, #tpu.memory_space<vmem>>, %arg8: memref<2x16x128xi32, #tpu.memory_space<vmem>>, %arg9: memref<128x128xf32, #tpu.memory_space<vmem>>, %arg10: memref<128x128xf32, #tpu.memory_space<vmem>>, %arg11: memref<10016x128xf32, #tpu.memory_space<vmem_shared>>, %arg12: memref<!tpu.dma_semaphore, #tpu.memory_space<semaphore_mem>>, %arg13: memref<!tpu.dma_semaphore, #tpu.memory_space<semaphore_mem>>, %arg14: memref<!tpu.dma_semaphore, #tpu.memory_space<semaphore_mem>>) attributes {dimension_semantics = [#tpu.dimension_semantics<core_parallel>, #tpu.dimension_semantics<subcore_parallel>], iteration_bounds = array<i64: 2, 16>, scalar_prefetch = 0 : i64, scratch_operands = 8 : i64, tpu.core_type = #tpu.core_type<sc_vector_subcore>, window_params = [{transform_indices = #map}, {transform_indices = #map}, {transform_indices = #map}, {transform_indices = #map}, {transform_indices = #map1}]} {
    %mul3A = arith.constant 16 : i32
    %mul3A_0 = arith.muli %arg0, %mul3A : i32
    %add3A = arith.addi %mul3A_0, %arg1 : i32
    %mul3A_1 = arith.constant 624 : i32
    %mul3A_2 = arith.muli %arg1, %mul3A_1 : i32
    %mul3A_3 = arith.constant 80 : i32
    %mul3A_4 = arith.muli %add3A, %mul3A_3 : i32
    %add3A_5 = arith.constant 0 : i32
    %add3A_6 = arith.addi %mul3A_4, %add3A_5 : i32
    %dma_start3A = arith.constant 0 : i32
    %dma_start3A_7 = arith.constant 0 : i32
    %dma_start3A_8 = arith.constant 0 : i32
    %dma_start3A_9 = tpu.memref_slice %arg7[%dma_start3A, %dma_start3A_7, %dma_start3A_8] : memref<2x16x128xi32, #tpu.memory_space<vmem>> -> memref<1x16x128xi32, #tpu.memory_space<vmem>>
    %dma_start3A_10 = tpu.memref_squeeze %dma_start3A_9 : memref<1x16x128xi32, #tpu.memory_space<vmem>> -> memref<16x128xi32, #tpu.memory_space<vmem>>
    %dma_start3A_11 = arith.constant 0 : i32
    %dma_start3A_12 = tpu.memref_slice %arg3[%add3A_6, %dma_start3A_11] : memref<2560x128xi32, #tpu.memory_space<hbm>> -> memref<16x128xi32, #tpu.memory_space<hbm>>
    %dma_start3A_13 = arith.constant 0 : i32
    %dma_start3A_14 = arith.constant 0 : i32
    %dma_start3A_15 = tpu.memref_slice %arg7[%dma_start3A, %dma_start3A_13, %dma_start3A_14] : memref<2x16x128xi32, #tpu.memory_space<vmem>> -> memref<1x16x128xi32, #tpu.memory_space<vmem>>
    %dma_start3A_16 = tpu.memref_squeeze %dma_start3A_15 : memref<1x16x128xi32, #tpu.memory_space<vmem>> -> memref<16x128xi32, #tpu.memory_space<vmem>>
    %dma_start3A_17 = arith.constant 0 : i32
    %dma_start3A_18 = tpu.memref_slice %arg3[%add3A_6, %dma_start3A_17] : memref<2560x128xi32, #tpu.memory_space<hbm>> -> memref<16x128xi32, #tpu.memory_space<hbm>>
    tpu.enqueue_dma source(%dma_start3A_18 : memref<16x128xi32, #tpu.memory_space<hbm>>) target(%dma_start3A_16 : memref<16x128xi32, #tpu.memory_space<vmem>>) target_semaphore(%arg14 : memref<!tpu.dma_semaphore, #tpu.memory_space<semaphore_mem>>)
    %add3A_19 = arith.constant 0 : i32
    %add3A_20 = arith.addi %mul3A_4, %add3A_19 : i32
    %dma_start3A_21 = arith.constant 0 : i32
    %dma_start3A_22 = arith.constant 0 : i32
    %dma_start3A_23 = arith.constant 0 : i32
    %dma_start3A_24 = tpu.memref_slice %arg8[%dma_start3A_21, %dma_start3A_22, %dma_start3A_23] : memref<2x16x128xi32, #tpu.memory_space<vmem>> -> memref<1x16x128xi32, #tpu.memory_space<vmem>>
    %dma_start3A_25 = tpu.memref_squeeze %dma_start3A_24 : memref<1x16x128xi32, #tpu.memory_space<vmem>> -> memref<16x128xi32, #tpu.memory_space<vmem>>
    %dma_start3A_26 = arith.constant 0 : i32
    %dma_start3A_27 = tpu.memref_slice %arg4[%add3A_20, %dma_start3A_26] : memref<2560x128xi32, #tpu.memory_space<hbm>> -> memref<16x128xi32, #tpu.memory_space<hbm>>
    %dma_start3A_28 = arith.constant 0 : i32
    %dma_start3A_29 = arith.constant 0 : i32
    %dma_start3A_30 = tpu.memref_slice %arg8[%dma_start3A_21, %dma_start3A_28, %dma_start3A_29] : memref<2x16x128xi32, #tpu.memory_space<vmem>> -> memref<1x16x128xi32, #tpu.memory_space<vmem>>
    %dma_start3A_31 = tpu.memref_squeeze %dma_start3A_30 : memref<1x16x128xi32, #tpu.memory_space<vmem>> -> memref<16x128xi32, #tpu.memory_space<vmem>>
    %dma_start3A_32 = arith.constant 0 : i32
    %dma_start3A_33 = tpu.memref_slice %arg4[%add3A_20, %dma_start3A_32] : memref<2560x128xi32, #tpu.memory_space<hbm>> -> memref<16x128xi32, #tpu.memory_space<hbm>>
    tpu.enqueue_dma source(%dma_start3A_33 : memref<16x128xi32, #tpu.memory_space<hbm>>) target(%dma_start3A_31 : memref<16x128xi32, #tpu.memory_space<vmem>>) target_semaphore(%arg14 : memref<!tpu.dma_semaphore, #tpu.memory_space<semaphore_mem>>)
    "tpu.region"() ({
      %run_scoped3A = tpu.sem_alloc : memref<!tpu.dma_semaphore, #tpu.memory_space<semaphore_mem>>
      %dma_start3A_84 = arith.constant 0 : i32
      %dma_start3A_85 = tpu.memref_slice %arg11[%mul3A_2, %dma_start3A_84] : memref<10016x128xf32, #tpu.memory_space<vmem_shared>> -> memref<624x128xf32, #tpu.memory_space<vmem_shared>>
      %dma_start3A_86 = arith.constant 0 : i32
      %dma_start3A_87 = tpu.memref_slice %arg5[%mul3A_2, %dma_start3A_86] : memref<10000x128xf32, #tpu.memory_space<hbm>> -> memref<624x128xf32, #tpu.memory_space<hbm>>
      tpu.enqueue_dma source(%dma_start3A_87 : memref<624x128xf32, #tpu.memory_space<hbm>>) target(%dma_start3A_85 : memref<624x128xf32, #tpu.memory_space<vmem_shared>>) target_semaphore(%run_scoped3A : memref<!tpu.dma_semaphore, #tpu.memory_space<semaphore_mem>>)
      %dma_wait3A_88 = arith.constant 0 : i32
      %dma_wait3A_89 = tpu.memref_slice %arg11[%mul3A_2, %dma_wait3A_88] : memref<10016x128xf32, #tpu.memory_space<vmem_shared>> -> memref<624x128xf32, #tpu.memory_space<vmem_shared>>
      %dma_wait3A_90 = arith.constant 0 : i32
      %dma_wait3A_91 = tpu.memref_slice %arg5[%mul3A_2, %dma_wait3A_90] : memref<10000x128xf32, #tpu.memory_space<hbm>> -> memref<624x128xf32, #tpu.memory_space<hbm>>
      tpu.wait_dma2 semaphore(%run_scoped3A : memref<!tpu.dma_semaphore, #tpu.memory_space<semaphore_mem>>) src(%dma_wait3A_91 : memref<624x128xf32, #tpu.memory_space<hbm>>) dst(%dma_wait3A_89 : memref<624x128xf32, #tpu.memory_space<vmem_shared>>)
      tpu.yield
    }) : () -> ()
    %eq3A = arith.constant 15 : i32
    %eq3A_34 = arith.cmpi eq, %arg1, %eq3A : i32
    %convert_element_type3A = arith.extui %eq3A_34 : i1 to i32
    %cond3A = arith.constant 0 : i32
    %cond3A_35 = arith.cmpi ne, %convert_element_type3A, %cond3A : i32
    scf.if %cond3A_35 {
      "tpu.region"() ({
        %run_scoped3A = tpu.sem_alloc : memref<!tpu.dma_semaphore, #tpu.memory_space<semaphore_mem>>
        %dma_start3A_84 = arith.constant 9984 : i32
        %dma_start3A_85 = arith.constant 0 : i32
        %dma_start3A_86 = tpu.memref_slice %arg11[%dma_start3A_84, %dma_start3A_85] : memref<10016x128xf32, #tpu.memory_space<vmem_shared>> -> memref<16x128xf32, #tpu.memory_space<vmem_shared>>
        %dma_start3A_87 = arith.constant 9984 : i32
        %dma_start3A_88 = arith.constant 0 : i32
        %dma_start3A_89 = tpu.memref_slice %arg5[%dma_start3A_87, %dma_start3A_88] : memref<10000x128xf32, #tpu.memory_space<hbm>> -> memref<16x128xf32, #tpu.memory_space<hbm>>
        tpu.enqueue_dma source(%dma_start3A_89 : memref<16x128xf32, #tpu.memory_space<hbm>>) target(%dma_start3A_86 : memref<16x128xf32, #tpu.memory_space<vmem_shared>>) target_semaphore(%run_scoped3A : memref<!tpu.dma_semaphore, #tpu.memory_space<semaphore_mem>>)
        %dma_wait3A_90 = arith.constant 9984 : i32
        %dma_wait3A_91 = arith.constant 0 : i32
        %dma_wait3A_92 = tpu.memref_slice %arg11[%dma_wait3A_90, %dma_wait3A_91] : memref<10016x128xf32, #tpu.memory_space<vmem_shared>> -> memref<16x128xf32, #tpu.memory_space<vmem_shared>>
        %dma_wait3A_93 = arith.constant 9984 : i32
        %dma_wait3A_94 = arith.constant 0 : i32
        %dma_wait3A_95 = tpu.memref_slice %arg5[%dma_wait3A_93, %dma_wait3A_94] : memref<10000x128xf32, #tpu.memory_space<hbm>> -> memref<16x128xf32, #tpu.memory_space<hbm>>
        tpu.wait_dma2 semaphore(%run_scoped3A : memref<!tpu.dma_semaphore, #tpu.memory_space<semaphore_mem>>) src(%dma_wait3A_95 : memref<16x128xf32, #tpu.memory_space<hbm>>) dst(%dma_wait3A_92 : memref<16x128xf32, #tpu.memory_space<vmem_shared>>)
        tpu.yield
      }) : () -> ()
    } else {
    }
    %dma_wait3A = arith.constant 0 : i32
    %dma_wait3A_36 = arith.constant 0 : i32
    %dma_wait3A_37 = arith.constant 0 : i32
    %dma_wait3A_38 = tpu.memref_slice %arg7[%dma_wait3A, %dma_wait3A_36, %dma_wait3A_37] : memref<2x16x128xi32, #tpu.memory_space<vmem>> -> memref<1x16x128xi32, #tpu.memory_space<vmem>>
    %dma_wait3A_39 = tpu.memref_squeeze %dma_wait3A_38 : memref<1x16x128xi32, #tpu.memory_space<vmem>> -> memref<16x128xi32, #tpu.memory_space<vmem>>
    %dma_wait3A_40 = arith.constant 0 : i32
    %dma_wait3A_41 = arith.constant 0 : i32
    %dma_wait3A_42 = tpu.memref_slice %arg3[%dma_wait3A_40, %dma_wait3A_41] : memref<2560x128xi32, #tpu.memory_space<hbm>> -> memref<16x128xi32, #tpu.memory_space<hbm>>
    %dma_wait3A_43 = arith.constant 0 : i32
    %dma_wait3A_44 = arith.constant 0 : i32
    %dma_wait3A_45 = tpu.memref_slice %arg7[%dma_wait3A, %dma_wait3A_43, %dma_wait3A_44] : memref<2x16x128xi32, #tpu.memory_space<vmem>> -> memref<1x16x128xi32, #tpu.memory_space<vmem>>
    %dma_wait3A_46 = tpu.memref_squeeze %dma_wait3A_45 : memref<1x16x128xi32, #tpu.memory_space<vmem>> -> memref<16x128xi32, #tpu.memory_space<vmem>>
    %dma_wait3A_47 = arith.constant 0 : i32
    %dma_wait3A_48 = arith.constant 0 : i32
    %dma_wait3A_49 = tpu.memref_slice %arg3[%dma_wait3A_47, %dma_wait3A_48] : memref<2560x128xi32, #tpu.memory_space<hbm>> -> memref<16x128xi32, #tpu.memory_space<hbm>>
    tpu.wait_dma2 semaphore(%arg14 : memref<!tpu.dma_semaphore, #tpu.memory_space<semaphore_mem>>) src(%dma_wait3A_49 : memref<16x128xi32, #tpu.memory_space<hbm>>) dst(%dma_wait3A_46 : memref<16x128xi32, #tpu.memory_space<vmem>>)
    %dma_wait3A_50 = arith.constant 0 : i32
    %dma_wait3A_51 = arith.constant 0 : i32
    %dma_wait3A_52 = arith.constant 0 : i32
    %dma_wait3A_53 = tpu.memref_slice %arg8[%dma_wait3A_50, %dma_wait3A_51, %dma_wait3A_52] : memref<2x16x128xi32, #tpu.memory_space<vmem>> -> memref<1x16x128xi32, #tpu.memory_space<vmem>>
    %dma_wait3A_54 = tpu.memref_squeeze %dma_wait3A_53 : memref<1x16x128xi32, #tpu.memory_space<vmem>> -> memref<16x128xi32, #tpu.memory_space<vmem>>
    %dma_wait3A_55 = arith.constant 0 : i32
    %dma_wait3A_56 = arith.constant 0 : i32
    %dma_wait3A_57 = tpu.memref_slice %arg4[%dma_wait3A_55, %dma_wait3A_56] : memref<2560x128xi32, #tpu.memory_space<hbm>> -> memref<16x128xi32, #tpu.memory_space<hbm>>
    %dma_wait3A_58 = arith.constant 0 : i32
    %dma_wait3A_59 = arith.constant 0 : i32
    %dma_wait3A_60 = tpu.memref_slice %arg8[%dma_wait3A_50, %dma_wait3A_58, %dma_wait3A_59] : memref<2x16x128xi32, #tpu.memory_space<vmem>> -> memref<1x16x128xi32, #tpu.memory_space<vmem>>
    %dma_wait3A_61 = tpu.memref_squeeze %dma_wait3A_60 : memref<1x16x128xi32, #tpu.memory_space<vmem>> -> memref<16x128xi32, #tpu.memory_space<vmem>>
    %dma_wait3A_62 = arith.constant 0 : i32
    %dma_wait3A_63 = arith.constant 0 : i32
    %dma_wait3A_64 = tpu.memref_slice %arg4[%dma_wait3A_62, %dma_wait3A_63] : memref<2560x128xi32, #tpu.memory_space<hbm>> -> memref<16x128xi32, #tpu.memory_space<hbm>>
    tpu.wait_dma2 semaphore(%arg14 : memref<!tpu.dma_semaphore, #tpu.memory_space<semaphore_mem>>) src(%dma_wait3A_64 : memref<16x128xi32, #tpu.memory_space<hbm>>) dst(%dma_wait3A_61 : memref<16x128xi32, #tpu.memory_space<vmem>>)
    %dma_start3A_65 = arith.constant 0 : i32
    %dma_start3A_66 = arith.constant 0 : i32
    %dma_start3A_67 = arith.constant 0 : i32
    %dma_start3A_68 = tpu.memref_slice %arg7[%dma_start3A_65, %dma_start3A_66, %dma_start3A_67] : memref<2x16x128xi32, #tpu.memory_space<vmem>> -> memref<1x1x128xi32, #tpu.memory_space<vmem>>
    %dma_start3A_69 = tpu.memref_squeeze %dma_start3A_68 : memref<1x1x128xi32, #tpu.memory_space<vmem>> -> memref<128xi32, #tpu.memory_space<vmem>>
    %dma_start3A_70 = arith.constant 0 : i32
    %dma_start3A_71 = arith.constant 0 : i32
    %dma_start3A_72 = tpu.memref_slice %arg2[%dma_start3A_70, %dma_start3A_71] : memref<10000x128xf32, #tpu.memory_space<hbm>> -> memref<10000x128xf32, #tpu.memory_space<hbm>>
    tpu.enqueue_indirect_dma source(%dma_start3A_72 : memref<10000x128xf32, #tpu.memory_space<hbm>>) target(%arg9 : memref<128x128xf32, #tpu.memory_space<vmem>>) offsets(%dma_start3A_69 : memref<128xi32, #tpu.memory_space<vmem>>) semaphore(%arg12 : memref<!tpu.dma_semaphore, #tpu.memory_space<semaphore_mem>>)
    %barrier3A = arith.constant 0 : index
    tpu.barrier barrier_id(%barrier3A)
    %scan3A = arith.constant 0 : i32
    %scan3A_73 = arith.constant 0 : i32
    %scan3A_74 = arith.constant 40 : i32
    %scan3A_75 = arith.addi %scan3A_73, %scan3A_74 : i32
    %scan3A_76 = arith.constant 1 : i32
    scf.for %scan3A_84 = %scan3A_73 to %scan3A_75 step %scan3A_76  : i32 {
      %mul3A_85 = arith.constant 2 : i32
      %mul3A_86 = arith.muli %mul3A_85, %scan3A_84 : i32
      %jit3A = arith.constant 16 : i32
      %div3A = arith.divsi %mul3A_86, %jit3A : i32
      %sign3A = arith.constant 0 : i32
      %sign3A_87 = arith.cmpi sgt, %mul3A_86, %sign3A : i32
      %sign3A_88 = arith.extui %sign3A_87 : i1 to i32
      %sign3A_89 = arith.constant 0 : i32
      %sign3A_90 = arith.cmpi slt, %mul3A_86, %sign3A_89 : i32
      %sign3A_91 = arith.extui %sign3A_90 : i1 to i32
      %sign3A_92 = arith.subi %sign3A_88, %sign3A_91 : i32
      %sign3A_93 = arith.constant 0 : i32
      %sign3A_94 = arith.cmpi sgt, %jit3A, %sign3A_93 : i32
      %sign3A_95 = arith.extui %sign3A_94 : i1 to i32
      %sign3A_96 = arith.constant 0 : i32
      %sign3A_97 = arith.cmpi slt, %jit3A, %sign3A_96 : i32
      %sign3A_98 = arith.extui %sign3A_97 : i1 to i32
      %sign3A_99 = arith.subi %sign3A_95, %sign3A_98 : i32
      %ne3A = arith.cmpi ne, %sign3A_92, %sign3A_99 : i32
      %rem3A = arith.remsi %mul3A_86, %jit3A : i32
      %ne3A_100 = arith.constant 0 : i32
      %ne3A_101 = arith.cmpi ne, %rem3A, %ne3A_100 : i32
      %and3A = arith.andi %ne3A, %ne3A_101 : i1
      %sub3A = arith.constant 1 : i32
      %sub3A_102 = arith.subi %div3A, %sub3A : i32
      %select_n3A = arith.select %and3A, %sub3A_102, %div3A : i32
      %rem3A_103 = arith.constant 2 : i32
      %rem3A_104 = arith.remsi %select_n3A, %rem3A_103 : i32
      %add3A_105 = arith.constant 1 : i32
      %add3A_106 = arith.addi %select_n3A, %add3A_105 : i32
      %rem3A_107 = arith.constant 2 : i32
      %rem3A_108 = arith.remsi %add3A_106, %rem3A_107 : i32
      %rem3A_109 = arith.constant 16 : i32
      %rem3A_110 = arith.remsi %mul3A_86, %rem3A_109 : i32
      %rem3A_111 = arith.constant 8 : i32
      %rem3A_112 = arith.remsi %scan3A_84, %rem3A_111 : i32
      %eq3A_113 = arith.constant 0 : i32
      %eq3A_114 = arith.cmpi eq, %rem3A_112, %eq3A_113 : i32
      %convert_element_type3A_115 = arith.extui %eq3A_114 : i1 to i32
      %cond3A_116 = arith.constant 0 : i32
      %cond3A_117 = arith.cmpi ne, %convert_element_type3A_115, %cond3A_116 : i32
      scf.if %cond3A_117 {
        %add3A_150 = arith.constant 1 : i32
        %add3A_151 = arith.addi %select_n3A, %add3A_150 : i32
        %lt3A = arith.constant 5 : i32
        %lt3A_152 = arith.cmpi slt, %add3A_151, %lt3A : i32
        %convert_element_type3A_153 = arith.extui %lt3A_152 : i1 to i32
        %cond3A_154 = arith.constant 0 : i32
        %cond3A_155 = arith.cmpi ne, %convert_element_type3A_153, %cond3A_154 : i32
        scf.if %cond3A_155 {
          %add3A_156 = arith.constant 1 : i32
          %add3A_157 = arith.addi %select_n3A, %add3A_156 : i32
          %mul3A_158 = arith.constant 16 : i32
          %mul3A_159 = arith.muli %add3A_157, %mul3A_158 : i32
          %add3A_160 = arith.addi %mul3A_4, %mul3A_159 : i32
          %dma_start3A_161 = arith.constant 0 : i32
          %dma_start3A_162 = arith.constant 0 : i32
          %dma_start3A_163 = tpu.memref_slice %arg7[%rem3A_108, %dma_start3A_161, %dma_start3A_162] : memref<2x16x128xi32, #tpu.memory_space<vmem>> -> memref<1x16x128xi32, #tpu.memory_space<vmem>>
          %dma_start3A_164 = tpu.memref_squeeze %dma_start3A_163 : memref<1x16x128xi32, #tpu.memory_space<vmem>> -> memref<16x128xi32, #tpu.memory_space<vmem>>
          %dma_start3A_165 = arith.constant 0 : i32
          %dma_start3A_166 = tpu.memref_slice %arg3[%add3A_160, %dma_start3A_165] : memref<2560x128xi32, #tpu.memory_space<hbm>> -> memref<16x128xi32, #tpu.memory_space<hbm>>
          %dma_start3A_167 = arith.constant 0 : i32
          %dma_start3A_168 = arith.constant 0 : i32
          %dma_start3A_169 = tpu.memref_slice %arg7[%rem3A_108, %dma_start3A_167, %dma_start3A_168] : memref<2x16x128xi32, #tpu.memory_space<vmem>> -> memref<1x16x128xi32, #tpu.memory_space<vmem>>
          %dma_start3A_170 = tpu.memref_squeeze %dma_start3A_169 : memref<1x16x128xi32, #tpu.memory_space<vmem>> -> memref<16x128xi32, #tpu.memory_space<vmem>>
          %dma_start3A_171 = arith.constant 0 : i32
          %dma_start3A_172 = tpu.memref_slice %arg3[%add3A_160, %dma_start3A_171] : memref<2560x128xi32, #tpu.memory_space<hbm>> -> memref<16x128xi32, #tpu.memory_space<hbm>>
          tpu.enqueue_dma source(%dma_start3A_172 : memref<16x128xi32, #tpu.memory_space<hbm>>) target(%dma_start3A_170 : memref<16x128xi32, #tpu.memory_space<vmem>>) target_semaphore(%arg14 : memref<!tpu.dma_semaphore, #tpu.memory_space<semaphore_mem>>)
          %mul3A_173 = arith.constant 16 : i32
          %mul3A_174 = arith.muli %add3A_157, %mul3A_173 : i32
          %add3A_175 = arith.addi %mul3A_4, %mul3A_174 : i32
          %dma_start3A_176 = arith.constant 0 : i32
          %dma_start3A_177 = arith.constant 0 : i32
          %dma_start3A_178 = tpu.memref_slice %arg8[%rem3A_108, %dma_start3A_176, %dma_start3A_177] : memref<2x16x128xi32, #tpu.memory_space<vmem>> -> memref<1x16x128xi32, #tpu.memory_space<vmem>>
          %dma_start3A_179 = tpu.memref_squeeze %dma_start3A_178 : memref<1x16x128xi32, #tpu.memory_space<vmem>> -> memref<16x128xi32, #tpu.memory_space<vmem>>
          %dma_start3A_180 = arith.constant 0 : i32
          %dma_start3A_181 = tpu.memref_slice %arg4[%add3A_175, %dma_start3A_180] : memref<2560x128xi32, #tpu.memory_space<hbm>> -> memref<16x128xi32, #tpu.memory_space<hbm>>
          %dma_start3A_182 = arith.constant 0 : i32
          %dma_start3A_183 = arith.constant 0 : i32
          %dma_start3A_184 = tpu.memref_slice %arg8[%rem3A_108, %dma_start3A_182, %dma_start3A_183] : memref<2x16x128xi32, #tpu.memory_space<vmem>> -> memref<1x16x128xi32, #tpu.memory_space<vmem>>
          %dma_start3A_185 = tpu.memref_squeeze %dma_start3A_184 : memref<1x16x128xi32, #tpu.memory_space<vmem>> -> memref<16x128xi32, #tpu.memory_space<vmem>>
          %dma_start3A_186 = arith.constant 0 : i32
          %dma_start3A_187 = tpu.memref_slice %arg4[%add3A_175, %dma_start3A_186] : memref<2560x128xi32, #tpu.memory_space<hbm>> -> memref<16x128xi32, #tpu.memory_space<hbm>>
          tpu.enqueue_dma source(%dma_start3A_187 : memref<16x128xi32, #tpu.memory_space<hbm>>) target(%dma_start3A_185 : memref<16x128xi32, #tpu.memory_space<vmem>>) target_semaphore(%arg14 : memref<!tpu.dma_semaphore, #tpu.memory_space<semaphore_mem>>)
        } else {
        }
      } else {
      }
      %add3A_118 = arith.constant 1 : i32
      %add3A_119 = arith.addi %rem3A_110, %add3A_118 : i32
      %dma_start3A_120 = arith.constant 0 : i32
      %dma_start3A_121 = tpu.memref_slice %arg7[%rem3A_104, %add3A_119, %dma_start3A_120] : memref<2x16x128xi32, #tpu.memory_space<vmem>> -> memref<1x1x128xi32, #tpu.memory_space<vmem>>
      %dma_start3A_122 = tpu.memref_squeeze %dma_start3A_121 : memref<1x1x128xi32, #tpu.memory_space<vmem>> -> memref<128xi32, #tpu.memory_space<vmem>>
      %dma_start3A_123 = arith.constant 0 : i32
      %dma_start3A_124 = arith.constant 0 : i32
      %dma_start3A_125 = tpu.memref_slice %arg2[%dma_start3A_123, %dma_start3A_124] : memref<10000x128xf32, #tpu.memory_space<hbm>> -> memref<10000x128xf32, #tpu.memory_space<hbm>>
      tpu.enqueue_indirect_dma source(%dma_start3A_125 : memref<10000x128xf32, #tpu.memory_space<hbm>>) target(%arg10 : memref<128x128xf32, #tpu.memory_space<vmem>>) offsets(%dma_start3A_122 : memref<128xi32, #tpu.memory_space<vmem>>) semaphore(%arg13 : memref<!tpu.dma_semaphore, #tpu.memory_space<semaphore_mem>>)
      %dma_wait3A_126 = arith.constant 0 : i32
      %dma_wait3A_127 = arith.constant 0 : i32
      %dma_wait3A_128 = tpu.memref_slice %arg2[%dma_wait3A_126, %dma_wait3A_127] : memref<10000x128xf32, #tpu.memory_space<hbm>> -> memref<128x128xf32, #tpu.memory_space<hbm>>
      %dma_wait3A_129 = arith.constant 0 : i32
      %dma_wait3A_130 = arith.constant 0 : i32
      %dma_wait3A_131 = tpu.memref_slice %arg2[%dma_wait3A_129, %dma_wait3A_130] : memref<10000x128xf32, #tpu.memory_space<hbm>> -> memref<128x128xf32, #tpu.memory_space<hbm>>
      tpu.wait_dma2 semaphore(%arg12 : memref<!tpu.dma_semaphore, #tpu.memory_space<semaphore_mem>>) src(%dma_wait3A_131 : memref<128x128xf32, #tpu.memory_space<hbm>>) dst(%arg9 : memref<128x128xf32, #tpu.memory_space<vmem>>)
      "tpu.region"() ({
        %run_scoped3A = tpu.sem_alloc : memref<!tpu.dma_semaphore, #tpu.memory_space<semaphore_mem>>
        %dma_start3A_150 = arith.constant 0 : i32
        %dma_start3A_151 = tpu.memref_slice %arg8[%rem3A_104, %rem3A_110, %dma_start3A_150] : memref<2x16x128xi32, #tpu.memory_space<vmem>> -> memref<1x1x128xi32, #tpu.memory_space<vmem>>
        %dma_start3A_152 = tpu.memref_squeeze %dma_start3A_151 : memref<1x1x128xi32, #tpu.memory_space<vmem>> -> memref<128xi32, #tpu.memory_space<vmem>>
        %dma_start3A_153 = arith.constant 0 : i32
        %dma_start3A_154 = arith.constant 0 : i32
        %dma_start3A_155 = tpu.memref_slice %arg11[%dma_start3A_153, %dma_start3A_154] : memref<10016x128xf32, #tpu.memory_space<vmem_shared>> -> memref<10016x128xf32, #tpu.memory_space<vmem_shared>>
        tpu.enqueue_indirect_dma source(%arg9 : memref<128x128xf32, #tpu.memory_space<vmem>>) target(%dma_start3A_155 : memref<10016x128xf32, #tpu.memory_space<vmem_shared>>) offsets(%dma_start3A_152 : memref<128xi32, #tpu.memory_space<vmem>>) semaphore(%run_scoped3A : memref<!tpu.dma_semaphore, #tpu.memory_space<semaphore_mem>>) {add = true}
        %dma_wait3A_156 = arith.constant 0 : i32
        %dma_wait3A_157 = tpu.memref_slice %arg8[%rem3A_104, %rem3A_110, %dma_wait3A_156] : memref<2x16x128xi32, #tpu.memory_space<vmem>> -> memref<1x1x128xi32, #tpu.memory_space<vmem>>
        %dma_wait3A_158 = tpu.memref_squeeze %dma_wait3A_157 : memref<1x1x128xi32, #tpu.memory_space<vmem>> -> memref<128xi32, #tpu.memory_space<vmem>>
        %dma_wait3A_159 = arith.constant 0 : i32
        %dma_wait3A_160 = arith.constant 0 : i32
        %dma_wait3A_161 = tpu.memref_slice %arg11[%dma_wait3A_159, %dma_wait3A_160] : memref<10016x128xf32, #tpu.memory_space<vmem_shared>> -> memref<10016x128xf32, #tpu.memory_space<vmem_shared>>
        tpu.wait_indirect_dma semaphore(%run_scoped3A : memref<!tpu.dma_semaphore, #tpu.memory_space<semaphore_mem>>) src(%arg9 : memref<128x128xf32, #tpu.memory_space<vmem>>) dst(%dma_wait3A_161 : memref<10016x128xf32, #tpu.memory_space<vmem_shared>>)
        tpu.yield
      }) : () -> ()
      %eq3A_132 = arith.constant 7 : i32
      %eq3A_133 = arith.cmpi eq, %rem3A_112, %eq3A_132 : i32
      %convert_element_type3A_134 = arith.extui %eq3A_133 : i1 to i32
      %cond3A_135 = arith.constant 0 : i32
      %cond3A_136 = arith.cmpi ne, %convert_element_type3A_134, %cond3A_135 : i32
      scf.if %cond3A_136 {
        %add3A_150 = arith.constant 1 : i32
        %add3A_151 = arith.addi %select_n3A, %add3A_150 : i32
        %lt3A = arith.constant 5 : i32
        %lt3A_152 = arith.cmpi slt, %add3A_151, %lt3A : i32
        %convert_element_type3A_153 = arith.extui %lt3A_152 : i1 to i32
        %cond3A_154 = arith.constant 0 : i32
        %cond3A_155 = arith.cmpi ne, %convert_element_type3A_153, %cond3A_154 : i32
        scf.if %cond3A_155 {
          %dma_wait3A_156 = arith.constant 0 : i32
          %dma_wait3A_157 = arith.constant 0 : i32
          %dma_wait3A_158 = arith.constant 0 : i32
          %dma_wait3A_159 = tpu.memref_slice %arg7[%dma_wait3A_156, %dma_wait3A_157, %dma_wait3A_158] : memref<2x16x128xi32, #tpu.memory_space<vmem>> -> memref<1x16x128xi32, #tpu.memory_space<vmem>>
          %dma_wait3A_160 = tpu.memref_squeeze %dma_wait3A_159 : memref<1x16x128xi32, #tpu.memory_space<vmem>> -> memref<16x128xi32, #tpu.memory_space<vmem>>
          %dma_wait3A_161 = arith.constant 0 : i32
          %dma_wait3A_162 = arith.constant 0 : i32
          %dma_wait3A_163 = tpu.memref_slice %arg3[%dma_wait3A_161, %dma_wait3A_162] : memref<2560x128xi32, #tpu.memory_space<hbm>> -> memref<16x128xi32, #tpu.memory_space<hbm>>
          %dma_wait3A_164 = arith.constant 0 : i32
          %dma_wait3A_165 = arith.constant 0 : i32
          %dma_wait3A_166 = tpu.memref_slice %arg7[%dma_wait3A_156, %dma_wait3A_164, %dma_wait3A_165] : memref<2x16x128xi32, #tpu.memory_space<vmem>> -> memref<1x16x128xi32, #tpu.memory_space<vmem>>
          %dma_wait3A_167 = tpu.memref_squeeze %dma_wait3A_166 : memref<1x16x128xi32, #tpu.memory_space<vmem>> -> memref<16x128xi32, #tpu.memory_space<vmem>>
          %dma_wait3A_168 = arith.constant 0 : i32
          %dma_wait3A_169 = arith.constant 0 : i32
          %dma_wait3A_170 = tpu.memref_slice %arg3[%dma_wait3A_168, %dma_wait3A_169] : memref<2560x128xi32, #tpu.memory_space<hbm>> -> memref<16x128xi32, #tpu.memory_space<hbm>>
          tpu.wait_dma2 semaphore(%arg14 : memref<!tpu.dma_semaphore, #tpu.memory_space<semaphore_mem>>) src(%dma_wait3A_170 : memref<16x128xi32, #tpu.memory_space<hbm>>) dst(%dma_wait3A_167 : memref<16x128xi32, #tpu.memory_space<vmem>>)
          %dma_wait3A_171 = arith.constant 0 : i32
          %dma_wait3A_172 = arith.constant 0 : i32
          %dma_wait3A_173 = arith.constant 0 : i32
          %dma_wait3A_174 = tpu.memref_slice %arg8[%dma_wait3A_171, %dma_wait3A_172, %dma_wait3A_173] : memref<2x16x128xi32, #tpu.memory_space<vmem>> -> memref<1x16x128xi32, #tpu.memory_space<vmem>>
          %dma_wait3A_175 = tpu.memref_squeeze %dma_wait3A_174 : memref<1x16x128xi32, #tpu.memory_space<vmem>> -> memref<16x128xi32, #tpu.memory_space<vmem>>
          %dma_wait3A_176 = arith.constant 0 : i32
          %dma_wait3A_177 = arith.constant 0 : i32
          %dma_wait3A_178 = tpu.memref_slice %arg4[%dma_wait3A_176, %dma_wait3A_177] : memref<2560x128xi32, #tpu.memory_space<hbm>> -> memref<16x128xi32, #tpu.memory_space<hbm>>
          %dma_wait3A_179 = arith.constant 0 : i32
          %dma_wait3A_180 = arith.constant 0 : i32
          %dma_wait3A_181 = tpu.memref_slice %arg8[%dma_wait3A_171, %dma_wait3A_179, %dma_wait3A_180] : memref<2x16x128xi32, #tpu.memory_space<vmem>> -> memref<1x16x128xi32, #tpu.memory_space<vmem>>
          %dma_wait3A_182 = tpu.memref_squeeze %dma_wait3A_181 : memref<1x16x128xi32, #tpu.memory_space<vmem>> -> memref<16x128xi32, #tpu.memory_space<vmem>>
          %dma_wait3A_183 = arith.constant 0 : i32
          %dma_wait3A_184 = arith.constant 0 : i32
          %dma_wait3A_185 = tpu.memref_slice %arg4[%dma_wait3A_183, %dma_wait3A_184] : memref<2560x128xi32, #tpu.memory_space<hbm>> -> memref<16x128xi32, #tpu.memory_space<hbm>>
          tpu.wait_dma2 semaphore(%arg14 : memref<!tpu.dma_semaphore, #tpu.memory_space<semaphore_mem>>) src(%dma_wait3A_185 : memref<16x128xi32, #tpu.memory_space<hbm>>) dst(%dma_wait3A_182 : memref<16x128xi32, #tpu.memory_space<vmem>>)
          %dma_start3A_186 = arith.constant 0 : i32
          %dma_start3A_187 = arith.constant 0 : i32
          %dma_start3A_188 = tpu.memref_slice %arg7[%rem3A_108, %dma_start3A_186, %dma_start3A_187] : memref<2x16x128xi32, #tpu.memory_space<vmem>> -> memref<1x1x128xi32, #tpu.memory_space<vmem>>
          %dma_start3A_189 = tpu.memref_squeeze %dma_start3A_188 : memref<1x1x128xi32, #tpu.memory_space<vmem>> -> memref<128xi32, #tpu.memory_space<vmem>>
          %dma_start3A_190 = arith.constant 0 : i32
          %dma_start3A_191 = arith.constant 0 : i32
          %dma_start3A_192 = tpu.memref_slice %arg2[%dma_start3A_190, %dma_start3A_191] : memref<10000x128xf32, #tpu.memory_space<hbm>> -> memref<10000x128xf32, #tpu.memory_space<hbm>>
          tpu.enqueue_indirect_dma source(%dma_start3A_192 : memref<10000x128xf32, #tpu.memory_space<hbm>>) target(%arg9 : memref<128x128xf32, #tpu.memory_space<vmem>>) offsets(%dma_start3A_189 : memref<128xi32, #tpu.memory_space<vmem>>) semaphore(%arg12 : memref<!tpu.dma_semaphore, #tpu.memory_space<semaphore_mem>>)
        } else {
        }
      } else {
      }
      %ne3A_137 = arith.constant 7 : i32
      %ne3A_138 = arith.cmpi ne, %rem3A_112, %ne3A_137 : i32
      %convert_element_type3A_139 = arith.extui %ne3A_138 : i1 to i32
      %cond3A_140 = arith.constant 0 : i32
      %cond3A_141 = arith.cmpi ne, %convert_element_type3A_139, %cond3A_140 : i32
      scf.if %cond3A_141 {
        %add3A_150 = arith.constant 2 : i32
        %add3A_151 = arith.addi %rem3A_110, %add3A_150 : i32
        %dma_start3A_152 = arith.constant 0 : i32
        %dma_start3A_153 = tpu.memref_slice %arg7[%rem3A_104, %add3A_151, %dma_start3A_152] : memref<2x16x128xi32, #tpu.memory_space<vmem>> -> memref<1x1x128xi32, #tpu.memory_space<vmem>>
        %dma_start3A_154 = tpu.memref_squeeze %dma_start3A_153 : memref<1x1x128xi32, #tpu.memory_space<vmem>> -> memref<128xi32, #tpu.memory_space<vmem>>
        %dma_start3A_155 = arith.constant 0 : i32
        %dma_start3A_156 = arith.constant 0 : i32
        %dma_start3A_157 = tpu.memref_slice %arg2[%dma_start3A_155, %dma_start3A_156] : memref<10000x128xf32, #tpu.memory_space<hbm>> -> memref<10000x128xf32, #tpu.memory_space<hbm>>
        tpu.enqueue_indirect_dma source(%dma_start3A_157 : memref<10000x128xf32, #tpu.memory_space<hbm>>) target(%arg9 : memref<128x128xf32, #tpu.memory_space<vmem>>) offsets(%dma_start3A_154 : memref<128xi32, #tpu.memory_space<vmem>>) semaphore(%arg12 : memref<!tpu.dma_semaphore, #tpu.memory_space<semaphore_mem>>)
      } else {
      }
      %dma_wait3A_142 = arith.constant 0 : i32
      %dma_wait3A_143 = arith.constant 0 : i32
      %dma_wait3A_144 = tpu.memref_slice %arg2[%dma_wait3A_142, %dma_wait3A_143] : memref<10000x128xf32, #tpu.memory_space<hbm>> -> memref<128x128xf32, #tpu.memory_space<hbm>>
      %dma_wait3A_145 = arith.constant 0 : i32
      %dma_wait3A_146 = arith.constant 0 : i32
      %dma_wait3A_147 = tpu.memref_slice %arg2[%dma_wait3A_145, %dma_wait3A_146] : memref<10000x128xf32, #tpu.memory_space<hbm>> -> memref<128x128xf32, #tpu.memory_space<hbm>>
      tpu.wait_dma2 semaphore(%arg13 : memref<!tpu.dma_semaphore, #tpu.memory_space<semaphore_mem>>) src(%dma_wait3A_147 : memref<128x128xf32, #tpu.memory_space<hbm>>) dst(%arg10 : memref<128x128xf32, #tpu.memory_space<vmem>>)
      %add3A_148 = arith.constant 1 : i32
      %add3A_149 = arith.addi %rem3A_110, %add3A_148 : i32
      "tpu.region"() ({
        %run_scoped3A = tpu.sem_alloc : memref<!tpu.dma_semaphore, #tpu.memory_space<semaphore_mem>>
        %dma_start3A_150 = arith.constant 0 : i32
        %dma_start3A_151 = tpu.memref_slice %arg8[%rem3A_104, %add3A_149, %dma_start3A_150] : memref<2x16x128xi32, #tpu.memory_space<vmem>> -> memref<1x1x128xi32, #tpu.memory_space<vmem>>
        %dma_start3A_152 = tpu.memref_squeeze %dma_start3A_151 : memref<1x1x128xi32, #tpu.memory_space<vmem>> -> memref<128xi32, #tpu.memory_space<vmem>>
        %dma_start3A_153 = arith.constant 0 : i32
        %dma_start3A_154 = arith.constant 0 : i32
        %dma_start3A_155 = tpu.memref_slice %arg11[%dma_start3A_153, %dma_start3A_154] : memref<10016x128xf32, #tpu.memory_space<vmem_shared>> -> memref<10016x128xf32, #tpu.memory_space<vmem_shared>>
        tpu.enqueue_indirect_dma source(%arg10 : memref<128x128xf32, #tpu.memory_space<vmem>>) target(%dma_start3A_155 : memref<10016x128xf32, #tpu.memory_space<vmem_shared>>) offsets(%dma_start3A_152 : memref<128xi32, #tpu.memory_space<vmem>>) semaphore(%run_scoped3A : memref<!tpu.dma_semaphore, #tpu.memory_space<semaphore_mem>>) {add = true}
        %dma_wait3A_156 = arith.constant 0 : i32
        %dma_wait3A_157 = tpu.memref_slice %arg8[%rem3A_104, %add3A_149, %dma_wait3A_156] : memref<2x16x128xi32, #tpu.memory_space<vmem>> -> memref<1x1x128xi32, #tpu.memory_space<vmem>>
        %dma_wait3A_158 = tpu.memref_squeeze %dma_wait3A_157 : memref<1x1x128xi32, #tpu.memory_space<vmem>> -> memref<128xi32, #tpu.memory_space<vmem>>
        %dma_wait3A_159 = arith.constant 0 : i32
        %dma_wait3A_160 = arith.constant 0 : i32
        %dma_wait3A_161 = tpu.memref_slice %arg11[%dma_wait3A_159, %dma_wait3A_160] : memref<10016x128xf32, #tpu.memory_space<vmem_shared>> -> memref<10016x128xf32, #tpu.memory_space<vmem_shared>>
        tpu.wait_indirect_dma semaphore(%run_scoped3A : memref<!tpu.dma_semaphore, #tpu.memory_space<semaphore_mem>>) src(%arg10 : memref<128x128xf32, #tpu.memory_space<vmem>>) dst(%dma_wait3A_161 : memref<10016x128xf32, #tpu.memory_space<vmem_shared>>)
        tpu.yield
      }) : () -> ()
    }
    %scan3A_77 = arith.constant 40 : i32
    %barrier3A_78 = arith.constant 0 : index
    tpu.barrier barrier_id(%barrier3A_78)
    "tpu.region"() ({
      %run_scoped3A = tpu.sem_alloc : memref<!tpu.dma_semaphore, #tpu.memory_space<semaphore_mem>>
      %dma_start3A_84 = arith.constant 0 : i32
      %dma_start3A_85 = tpu.memref_slice %arg6[%arg0, %mul3A_2, %dma_start3A_84] : memref<2x10000x128xf32, #tpu.memory_space<hbm>> -> memref<1x624x128xf32, #tpu.memory_space<hbm>>
      %dma_start3A_86 = tpu.memref_squeeze %dma_start3A_85 : memref<1x624x128xf32, #tpu.memory_space<hbm>> -> memref<624x128xf32, #tpu.memory_space<hbm>>
      %dma_start3A_87 = arith.constant 0 : i32
      %dma_start3A_88 = tpu.memref_slice %arg11[%mul3A_2, %dma_start3A_87] : memref<10016x128xf32, #tpu.memory_space<vmem_shared>> -> memref<624x128xf32, #tpu.memory_space<vmem_shared>>
      tpu.enqueue_dma source(%dma_start3A_88 : memref<624x128xf32, #tpu.memory_space<vmem_shared>>) target(%dma_start3A_86 : memref<624x128xf32, #tpu.memory_space<hbm>>) target_semaphore(%run_scoped3A : memref<!tpu.dma_semaphore, #tpu.memory_space<semaphore_mem>>)
      %dma_wait3A_89 = arith.constant 0 : i32
      %dma_wait3A_90 = tpu.memref_slice %arg6[%arg0, %mul3A_2, %dma_wait3A_89] : memref<2x10000x128xf32, #tpu.memory_space<hbm>> -> memref<1x624x128xf32, #tpu.memory_space<hbm>>
      %dma_wait3A_91 = tpu.memref_squeeze %dma_wait3A_90 : memref<1x624x128xf32, #tpu.memory_space<hbm>> -> memref<624x128xf32, #tpu.memory_space<hbm>>
      %dma_wait3A_92 = arith.constant 0 : i32
      %dma_wait3A_93 = tpu.memref_slice %arg11[%mul3A_2, %dma_wait3A_92] : memref<10016x128xf32, #tpu.memory_space<vmem_shared>> -> memref<624x128xf32, #tpu.memory_space<vmem_shared>>
      tpu.wait_dma2 semaphore(%run_scoped3A : memref<!tpu.dma_semaphore, #tpu.memory_space<semaphore_mem>>) src(%dma_wait3A_93 : memref<624x128xf32, #tpu.memory_space<vmem_shared>>) dst(%dma_wait3A_91 : memref<624x128xf32, #tpu.memory_space<hbm>>)
      tpu.yield
    }) : () -> ()
    %eq3A_79 = arith.constant 15 : i32
    %eq3A_80 = arith.cmpi eq, %arg1, %eq3A_79 : i32
    %convert_element_type3A_81 = arith.extui %eq3A_80 : i1 to i32
    %cond3A_82 = arith.constant 0 : i32
    %cond3A_83 = arith.cmpi ne, %convert_element_type3A_81, %cond3A_82 : i32
    scf.if %cond3A_83 {
      "tpu.region"() ({
        %run_scoped3A = tpu.sem_alloc : memref<!tpu.dma_semaphore, #tpu.memory_space<semaphore_mem>>
        %dma_start3A_84 = arith.constant 9984 : i32
        %dma_start3A_85 = arith.constant 0 : i32
        %dma_start3A_86 = tpu.memref_slice %arg6[%arg0, %dma_start3A_84, %dma_start3A_85] : memref<2x10000x128xf32, #tpu.memory_space<hbm>> -> memref<1x16x128xf32, #tpu.memory_space<hbm>>
        %dma_start3A_87 = tpu.memref_squeeze %dma_start3A_86 : memref<1x16x128xf32, #tpu.memory_space<hbm>> -> memref<16x128xf32, #tpu.memory_space<hbm>>
        %dma_start3A_88 = arith.constant 9984 : i32
        %dma_start3A_89 = arith.constant 0 : i32
        %dma_start3A_90 = tpu.memref_slice %arg11[%dma_start3A_88, %dma_start3A_89] : memref<10016x128xf32, #tpu.memory_space<vmem_shared>> -> memref<16x128xf32, #tpu.memory_space<vmem_shared>>
        tpu.enqueue_dma source(%dma_start3A_90 : memref<16x128xf32, #tpu.memory_space<vmem_shared>>) target(%dma_start3A_87 : memref<16x128xf32, #tpu.memory_space<hbm>>) target_semaphore(%run_scoped3A : memref<!tpu.dma_semaphore, #tpu.memory_space<semaphore_mem>>)
        %dma_wait3A_91 = arith.constant 9984 : i32
        %dma_wait3A_92 = arith.constant 0 : i32
        %dma_wait3A_93 = tpu.memref_slice %arg6[%arg0, %dma_wait3A_91, %dma_wait3A_92] : memref<2x10000x128xf32, #tpu.memory_space<hbm>> -> memref<1x16x128xf32, #tpu.memory_space<hbm>>
        %dma_wait3A_94 = tpu.memref_squeeze %dma_wait3A_93 : memref<1x16x128xf32, #tpu.memory_space<hbm>> -> memref<16x128xf32, #tpu.memory_space<hbm>>
        %dma_wait3A_95 = arith.constant 9984 : i32
        %dma_wait3A_96 = arith.constant 0 : i32
        %dma_wait3A_97 = tpu.memref_slice %arg11[%dma_wait3A_95, %dma_wait3A_96] : memref<10016x128xf32, #tpu.memory_space<vmem_shared>> -> memref<16x128xf32, #tpu.memory_space<vmem_shared>>
        tpu.wait_dma2 semaphore(%run_scoped3A : memref<!tpu.dma_semaphore, #tpu.memory_space<semaphore_mem>>) src(%dma_wait3A_97 : memref<16x128xf32, #tpu.memory_space<vmem_shared>>) dst(%dma_wait3A_94 : memref<16x128xf32, #tpu.memory_space<hbm>>)
        tpu.yield
      }) : () -> ()
    } else {
    }
    return
  }
}

module attributes {stable_mosaic.version = 14 : i64} {
  func.func @_conv_body(%arg0: i32, %arg1: memref<2x1000x128xf32, #tpu.memory_space<vmem>>, %arg2: memref<1000x128xf32, #tpu.memory_space<vmem>>, %arg3: memref<128x128xf32, #tpu.memory_space<vmem>>, %arg4: memref<128x128xf32, #tpu.memory_space<vmem>>, %arg5: memref<1x128xf32, #tpu.memory_space<vmem>>, %arg6: memref<1000x128xf32, #tpu.memory_space<vmem>>) attributes {dimension_semantics = [#tpu.dimension_semantics<arbitrary>], iteration_bounds = array<i64: 10>, scalar_prefetch = 0 : i64, scratch_operands = 0 : i64, tpu.core_type = #tpu.core_type<tc>, window_params = [{transform_indices = @transform_0, window_bounds = array<i64: 2, 1000, 128>}, {transform_indices = @transform_1, window_bounds = array<i64: 1000, 128>}, {pipeline_mode = #tpu.pipeline_mode<synchronous>, transform_indices = @transform_2, window_bounds = array<i64: 128, 128>}, {pipeline_mode = #tpu.pipeline_mode<synchronous>, transform_indices = @transform_3, window_bounds = array<i64: 128, 128>}, {pipeline_mode = #tpu.pipeline_mode<synchronous>, transform_indices = @transform_4, window_bounds = array<i64: 1, 128>}, {transform_indices = @transform_5, window_bounds = array<i64: 1000, 128>}]} {
    %get3A = arith.constant 0 : index
    %get3A_0 = arith.constant 0 : index
    %get3A_1 = arith.constant 0 : index
    %get3A_2 = vector.load %arg1[%get3A, %get3A_0, %get3A_1] : memref<2x1000x128xf32, #tpu.memory_space<vmem>>, vector<1x1000x128xf32>
    %get3A_3 = vector.shape_cast %get3A_2 : vector<1x1000x128xf32> to vector<1000x128xf32>
    %get3A_4 = arith.constant 1 : index
    %get3A_5 = arith.constant 0 : index
    %get3A_6 = arith.constant 0 : index
    %get3A_7 = vector.load %arg1[%get3A_4, %get3A_5, %get3A_6] : memref<2x1000x128xf32, #tpu.memory_space<vmem>>, vector<1x1000x128xf32>
    %get3A_8 = vector.shape_cast %get3A_7 : vector<1x1000x128xf32> to vector<1000x128xf32>
    %add3A = arith.addf %get3A_3, %get3A_8 : vector<1000x128xf32>
    %get3A_9 = arith.constant 0 : index
    %get3A_10 = arith.constant 0 : index
    %get3A_11 = vector.load %arg3[%get3A_9, %get3A_10] : memref<128x128xf32, #tpu.memory_space<vmem>>, vector<128x128xf32>
    %dot_general3A = arith.constant dense<0.000000e+00> : vector<1000x128xf32>
    %dot_general3A_12 = tpu.matmul %add3A, %get3A_11, %dot_general3A {dimension_numbers = #tpu.dot_dimension_numbers<[1], [1], [0], [0], [0, 0, 1, 0], [], []>, transpose_lhs_hint = false} : vector<1000x128xf32>, vector<128x128xf32>, vector<1000x128xf32> -> vector<1000x128xf32>
    %get3A_13 = arith.constant 0 : index
    %get3A_14 = arith.constant 0 : index
    %get3A_15 = vector.load %arg5[%get3A_13, %get3A_14] : memref<1x128xf32, #tpu.memory_space<vmem>>, vector<1x128xf32>
    %add3A_16 = vector.broadcast %get3A_15 : vector<1x128xf32> to vector<1000x128xf32>
    %add3A_17 = arith.addf %dot_general3A_12, %add3A_16 : vector<1000x128xf32>
    %get3A_18 = arith.constant 0 : index
    %get3A_19 = arith.constant 0 : index
    %get3A_20 = vector.load %arg2[%get3A_18, %get3A_19] : memref<1000x128xf32, #tpu.memory_space<vmem>>, vector<1000x128xf32>
    %get3A_21 = arith.constant 0 : index
    %get3A_22 = arith.constant 0 : index
    %get3A_23 = vector.load %arg4[%get3A_21, %get3A_22] : memref<128x128xf32, #tpu.memory_space<vmem>>, vector<128x128xf32>
    %dot_general3A_24 = arith.constant dense<0.000000e+00> : vector<1000x128xf32>
    %dot_general3A_25 = tpu.matmul %get3A_20, %get3A_23, %dot_general3A_24 {dimension_numbers = #tpu.dot_dimension_numbers<[1], [1], [0], [0], [0, 0, 1, 0], [], []>, transpose_lhs_hint = false} : vector<1000x128xf32>, vector<128x128xf32>, vector<1000x128xf32> -> vector<1000x128xf32>
    %add3A_26 = arith.addf %add3A_17, %dot_general3A_25 : vector<1000x128xf32>
    %max3A = arith.constant 0.000000e+00 : f32
    %max3A_27 = vector.broadcast %max3A : f32 to vector<1000x128xf32>
    %max3A_28 = arith.maximumf %add3A_26, %max3A_27 : vector<1000x128xf32>
    %swap3A = arith.constant 0 : index
    %swap3A_29 = arith.constant 0 : index
    %swap3A_30 = vector.load %arg6[%swap3A, %swap3A_29] : memref<1000x128xf32, #tpu.memory_space<vmem>>, vector<1000x128xf32>
    tpu.vector_store %arg6[%swap3A, %swap3A_29], %max3A_28 {strides = array<i32>} : memref<1000x128xf32, #tpu.memory_space<vmem>>, vector<1000x128xf32>,
    return
  }
  func.func @transform_0(%arg0: i32) -> (i32, i32, i32) {
    %c0_i32 = arith.constant 0 : i32
    %c0_i32_0 = arith.constant 0 : i32
    %c0_i32_1 = arith.constant 0 : i32
    return %c0_i32, %arg0, %c0_i32_0 : i32, i32, i32
  }
  func.func @transform_1(%arg0: i32) -> (i32, i32) {
    %c0_i32 = arith.constant 0 : i32
    %c0_i32_0 = arith.constant 0 : i32
    return %arg0, %c0_i32 : i32, i32
  }
  func.func @transform_2(%arg0: i32) -> (i32, i32) {
    %c0_i32 = arith.constant 0 : i32
    %c0_i32_0 = arith.constant 0 : i32
    %c0_i32_1 = arith.constant 0 : i32
    return %c0_i32, %c0_i32_0 : i32, i32
  }
  func.func @transform_3(%arg0: i32) -> (i32, i32) {
    %c0_i32 = arith.constant 0 : i32
    %c0_i32_0 = arith.constant 0 : i32
    %c0_i32_1 = arith.constant 0 : i32
    return %c0_i32, %c0_i32_0 : i32, i32
  }
  func.func @transform_4(%arg0: i32) -> (i32, i32) {
    %c0_i32 = arith.constant 0 : i32
    %c0_i32_0 = arith.constant 0 : i32
    %c0_i32_1 = arith.constant 0 : i32
    return %c0_i32, %c0_i32_0 : i32, i32
  }
  func.func @transform_5(%arg0: i32) -> (i32, i32) {
    %c0_i32 = arith.constant 0 : i32
    %c0_i32_0 = arith.constant 0 : i32
    return %arg0, %c0_i32 : i32, i32
  }
}

module attributes {stable_mosaic.version = 14 : i64} {
  func.func @_final_body(%arg0: i32, %arg1: memref<2x1000x128xf32, #tpu.memory_space<vmem>>, %arg2: memref<1000x128xf32, #tpu.memory_space<vmem>>, %arg3: memref<128x128xf32, #tpu.memory_space<vmem>>, %arg4: memref<128x128xf32, #tpu.memory_space<vmem>>, %arg5: memref<1x128xf32, #tpu.memory_space<vmem>>, %arg6: memref<1000x1xi32, #tpu.memory_space<vmem>>, %arg7: memref<8x128xf32, #tpu.memory_space<vmem>>, %arg8: memref<1x8xf32, #tpu.memory_space<vmem>>, %arg9: memref<8x8xf32, #tpu.memory_space<vmem>>, %arg10: memref<1x1xf32, #tpu.memory_space<vmem>>, %arg11: memref<16x1xf32, #tpu.memory_space<vmem>>, %arg12: memref<16x128xf32, #tpu.memory_space<vmem>>) attributes {dimension_semantics = [#tpu.dimension_semantics<arbitrary>], iteration_bounds = array<i64: 10>, scalar_prefetch = 0 : i64, scratch_operands = 1 : i64, tpu.core_type = #tpu.core_type<tc>, window_params = [{transform_indices = @transform_0, window_bounds = array<i64: 2, 1000, 128>}, {transform_indices = @transform_1, window_bounds = array<i64: 1000, 128>}, {pipeline_mode = #tpu.pipeline_mode<synchronous>, transform_indices = @transform_2, window_bounds = array<i64: 128, 128>}, {pipeline_mode = #tpu.pipeline_mode<synchronous>, transform_indices = @transform_3, window_bounds = array<i64: 128, 128>}, {pipeline_mode = #tpu.pipeline_mode<synchronous>, transform_indices = @transform_4, window_bounds = array<i64: 1, 128>}, {transform_indices = @transform_5, window_bounds = array<i64: 1000, 1>}, {pipeline_mode = #tpu.pipeline_mode<synchronous>, transform_indices = @transform_6, window_bounds = array<i64: 8, 128>}, {pipeline_mode = #tpu.pipeline_mode<synchronous>, transform_indices = @transform_7, window_bounds = array<i64: 1, 8>}, {pipeline_mode = #tpu.pipeline_mode<synchronous>, transform_indices = @transform_8, window_bounds = array<i64: 8, 8>}, {pipeline_mode = #tpu.pipeline_mode<synchronous>, transform_indices = @transform_9, window_bounds = array<i64: 1, 1>}, {pipeline_mode = #tpu.pipeline_mode<synchronous>, transform_indices = @transform_10, window_bounds = array<i64: 16, 1>}]} {
    %get3A = arith.constant 0 : index
    %get3A_0 = arith.constant 0 : index
    %get3A_1 = arith.constant 0 : index
    %get3A_2 = vector.load %arg1[%get3A, %get3A_0, %get3A_1] : memref<2x1000x128xf32, #tpu.memory_space<vmem>>, vector<1x1000x128xf32>
    %get3A_3 = vector.shape_cast %get3A_2 : vector<1x1000x128xf32> to vector<1000x128xf32>
    %get3A_4 = arith.constant 1 : index
    %get3A_5 = arith.constant 0 : index
    %get3A_6 = arith.constant 0 : index
    %get3A_7 = vector.load %arg1[%get3A_4, %get3A_5, %get3A_6] : memref<2x1000x128xf32, #tpu.memory_space<vmem>>, vector<1x1000x128xf32>
    %get3A_8 = vector.shape_cast %get3A_7 : vector<1x1000x128xf32> to vector<1000x128xf32>
    %add3A = arith.addf %get3A_3, %get3A_8 : vector<1000x128xf32>
    %get3A_9 = arith.constant 0 : index
    %get3A_10 = arith.constant 0 : index
    %get3A_11 = vector.load %arg3[%get3A_9, %get3A_10] : memref<128x128xf32, #tpu.memory_space<vmem>>, vector<128x128xf32>
    %dot_general3A = arith.constant dense<0.000000e+00> : vector<1000x128xf32>
    %dot_general3A_12 = tpu.matmul %add3A, %get3A_11, %dot_general3A {dimension_numbers = #tpu.dot_dimension_numbers<[1], [1], [0], [0], [0, 0, 1, 0], [], []>, transpose_lhs_hint = false} : vector<1000x128xf32>, vector<128x128xf32>, vector<1000x128xf32> -> vector<1000x128xf32>
    %get3A_13 = arith.constant 0 : index
    %get3A_14 = arith.constant 0 : index
    %get3A_15 = vector.load %arg5[%get3A_13, %get3A_14] : memref<1x128xf32, #tpu.memory_space<vmem>>, vector<1x128xf32>
    %add3A_16 = vector.broadcast %get3A_15 : vector<1x128xf32> to vector<1000x128xf32>
    %add3A_17 = arith.addf %dot_general3A_12, %add3A_16 : vector<1000x128xf32>
    %get3A_18 = arith.constant 0 : index
    %get3A_19 = arith.constant 0 : index
    %get3A_20 = vector.load %arg2[%get3A_18, %get3A_19] : memref<1000x128xf32, #tpu.memory_space<vmem>>, vector<1000x128xf32>
    %get3A_21 = arith.constant 0 : index
    %get3A_22 = arith.constant 0 : index
    %get3A_23 = vector.load %arg4[%get3A_21, %get3A_22] : memref<128x128xf32, #tpu.memory_space<vmem>>, vector<128x128xf32>
    %dot_general3A_24 = arith.constant dense<0.000000e+00> : vector<1000x128xf32>
    %dot_general3A_25 = tpu.matmul %get3A_20, %get3A_23, %dot_general3A_24 {dimension_numbers = #tpu.dot_dimension_numbers<[1], [1], [0], [0], [0, 0, 1, 0], [], []>, transpose_lhs_hint = false} : vector<1000x128xf32>, vector<128x128xf32>, vector<1000x128xf32> -> vector<1000x128xf32>
    %add3A_26 = arith.addf %add3A_17, %dot_general3A_25 : vector<1000x128xf32>
    %get3A_27 = arith.constant 0 : index
    %get3A_28 = arith.constant 0 : index
    %get3A_29 = vector.load %arg6[%get3A_27, %get3A_28] : memref<1000x1xi32, #tpu.memory_space<vmem>>, vector<1000x1xi32>
    %eq3A = arith.constant 0 : i32
    %eq3A_30 = vector.broadcast %eq3A : i32 to vector<1000x1xi32>
    %eq3A_31 = arith.cmpi eq, %get3A_29, %eq3A_30 : vector<1000x1xi32>
    %jit3A = arith.constant 0xFF800000 : f32
    %broadcast_in_dim3A = vector.shape_cast %eq3A_31 : vector<1000x1xi1> to vector<1000x1xi1>
    %broadcast_in_dim3A_32 = vector.broadcast %broadcast_in_dim3A : vector<1000x1xi1> to vector<1000x128xi1>
    %broadcast_in_dim3A_33 = vector.broadcast %jit3A : f32 to vector<1000x128xf32>
    %select_n3A = arith.select %broadcast_in_dim3A_32, %add3A_26, %broadcast_in_dim3A_33 : vector<1000x128xi1>, vector<1000x128xf32>
    %reduce_max3A = arith.constant dense<0xFF800000> : vector<128xf32>
    %reduce_max3A_34 = vector.multi_reduction <maximumf>, %select_n3A, %reduce_max3A [0] : vector<1000x128xf32> to vector<128xf32>
    %eq3A_35 = arith.constant 1 : i32
    %eq3A_36 = vector.broadcast %eq3A_35 : i32 to vector<1000x1xi32>
    %eq3A_37 = arith.cmpi eq, %get3A_29, %eq3A_36 : vector<1000x1xi32>
    %jit3A_38 = arith.constant 0xFF800000 : f32
    %broadcast_in_dim3A_39 = vector.shape_cast %eq3A_37 : vector<1000x1xi1> to vector<1000x1xi1>
    %broadcast_in_dim3A_40 = vector.broadcast %broadcast_in_dim3A_39 : vector<1000x1xi1> to vector<1000x128xi1>
    %broadcast_in_dim3A_41 = vector.broadcast %jit3A_38 : f32 to vector<1000x128xf32>
    %select_n3A_42 = arith.select %broadcast_in_dim3A_40, %add3A_26, %broadcast_in_dim3A_41 : vector<1000x128xi1>, vector<1000x128xf32>
    %reduce_max3A_43 = arith.constant dense<0xFF800000> : vector<128xf32>
    %reduce_max3A_44 = vector.multi_reduction <maximumf>, %select_n3A_42, %reduce_max3A_43 [0] : vector<1000x128xf32> to vector<128xf32>
    %eq3A_45 = arith.constant 2 : i32
    %eq3A_46 = vector.broadcast %eq3A_45 : i32 to vector<1000x1xi32>
    %eq3A_47 = arith.cmpi eq, %get3A_29, %eq3A_46 : vector<1000x1xi32>
    %jit3A_48 = arith.constant 0xFF800000 : f32
    %broadcast_in_dim3A_49 = vector.shape_cast %eq3A_47 : vector<1000x1xi1> to vector<1000x1xi1>
    %broadcast_in_dim3A_50 = vector.broadcast %broadcast_in_dim3A_49 : vector<1000x1xi1> to vector<1000x128xi1>
    %broadcast_in_dim3A_51 = vector.broadcast %jit3A_48 : f32 to vector<1000x128xf32>
    %select_n3A_52 = arith.select %broadcast_in_dim3A_50, %add3A_26, %broadcast_in_dim3A_51 : vector<1000x128xi1>, vector<1000x128xf32>
    %reduce_max3A_53 = arith.constant dense<0xFF800000> : vector<128xf32>
    %reduce_max3A_54 = vector.multi_reduction <maximumf>, %select_n3A_52, %reduce_max3A_53 [0] : vector<1000x128xf32> to vector<128xf32>
    %eq3A_55 = arith.constant 3 : i32
    %eq3A_56 = vector.broadcast %eq3A_55 : i32 to vector<1000x1xi32>
    %eq3A_57 = arith.cmpi eq, %get3A_29, %eq3A_56 : vector<1000x1xi32>
    %jit3A_58 = arith.constant 0xFF800000 : f32
    %broadcast_in_dim3A_59 = vector.shape_cast %eq3A_57 : vector<1000x1xi1> to vector<1000x1xi1>
    %broadcast_in_dim3A_60 = vector.broadcast %broadcast_in_dim3A_59 : vector<1000x1xi1> to vector<1000x128xi1>
    %broadcast_in_dim3A_61 = vector.broadcast %jit3A_58 : f32 to vector<1000x128xf32>
    %select_n3A_62 = arith.select %broadcast_in_dim3A_60, %add3A_26, %broadcast_in_dim3A_61 : vector<1000x128xi1>, vector<1000x128xf32>
    %reduce_max3A_63 = arith.constant dense<0xFF800000> : vector<128xf32>
    %reduce_max3A_64 = vector.multi_reduction <maximumf>, %select_n3A_62, %reduce_max3A_63 [0] : vector<1000x128xf32> to vector<128xf32>
    %eq3A_65 = arith.constant 4 : i32
    %eq3A_66 = vector.broadcast %eq3A_65 : i32 to vector<1000x1xi32>
    %eq3A_67 = arith.cmpi eq, %get3A_29, %eq3A_66 : vector<1000x1xi32>
    %jit3A_68 = arith.constant 0xFF800000 : f32
    %broadcast_in_dim3A_69 = vector.shape_cast %eq3A_67 : vector<1000x1xi1> to vector<1000x1xi1>
    %broadcast_in_dim3A_70 = vector.broadcast %broadcast_in_dim3A_69 : vector<1000x1xi1> to vector<1000x128xi1>
    %broadcast_in_dim3A_71 = vector.broadcast %jit3A_68 : f32 to vector<1000x128xf32>
    %select_n3A_72 = arith.select %broadcast_in_dim3A_70, %add3A_26, %broadcast_in_dim3A_71 : vector<1000x128xi1>, vector<1000x128xf32>
    %reduce_max3A_73 = arith.constant dense<0xFF800000> : vector<128xf32>
    %reduce_max3A_74 = vector.multi_reduction <maximumf>, %select_n3A_72, %reduce_max3A_73 [0] : vector<1000x128xf32> to vector<128xf32>
    %eq3A_75 = arith.constant 5 : i32
    %eq3A_76 = vector.broadcast %eq3A_75 : i32 to vector<1000x1xi32>
    %eq3A_77 = arith.cmpi eq, %get3A_29, %eq3A_76 : vector<1000x1xi32>
    %jit3A_78 = arith.constant 0xFF800000 : f32
    %broadcast_in_dim3A_79 = vector.shape_cast %eq3A_77 : vector<1000x1xi1> to vector<1000x1xi1>
    %broadcast_in_dim3A_80 = vector.broadcast %broadcast_in_dim3A_79 : vector<1000x1xi1> to vector<1000x128xi1>
    %broadcast_in_dim3A_81 = vector.broadcast %jit3A_78 : f32 to vector<1000x128xf32>
    %select_n3A_82 = arith.select %broadcast_in_dim3A_80, %add3A_26, %broadcast_in_dim3A_81 : vector<1000x128xi1>, vector<1000x128xf32>
    %reduce_max3A_83 = arith.constant dense<0xFF800000> : vector<128xf32>
    %reduce_max3A_84 = vector.multi_reduction <maximumf>, %select_n3A_82, %reduce_max3A_83 [0] : vector<1000x128xf32> to vector<128xf32>
    %eq3A_85 = arith.constant 6 : i32
    %eq3A_86 = vector.broadcast %eq3A_85 : i32 to vector<1000x1xi32>
    %eq3A_87 = arith.cmpi eq, %get3A_29, %eq3A_86 : vector<1000x1xi32>
    %jit3A_88 = arith.constant 0xFF800000 : f32
    %broadcast_in_dim3A_89 = vector.shape_cast %eq3A_87 : vector<1000x1xi1> to vector<1000x1xi1>
    %broadcast_in_dim3A_90 = vector.broadcast %broadcast_in_dim3A_89 : vector<1000x1xi1> to vector<1000x128xi1>
    %broadcast_in_dim3A_91 = vector.broadcast %jit3A_88 : f32 to vector<1000x128xf32>
    %select_n3A_92 = arith.select %broadcast_in_dim3A_90, %add3A_26, %broadcast_in_dim3A_91 : vector<1000x128xi1>, vector<1000x128xf32>
    %reduce_max3A_93 = arith.constant dense<0xFF800000> : vector<128xf32>
    %reduce_max3A_94 = vector.multi_reduction <maximumf>, %select_n3A_92, %reduce_max3A_93 [0] : vector<1000x128xf32> to vector<128xf32>
    %eq3A_95 = arith.constant 7 : i32
    %eq3A_96 = vector.broadcast %eq3A_95 : i32 to vector<1000x1xi32>
    %eq3A_97 = arith.cmpi eq, %get3A_29, %eq3A_96 : vector<1000x1xi32>
    %jit3A_98 = arith.constant 0xFF800000 : f32
    %broadcast_in_dim3A_99 = vector.shape_cast %eq3A_97 : vector<1000x1xi1> to vector<1000x1xi1>
    %broadcast_in_dim3A_100 = vector.broadcast %broadcast_in_dim3A_99 : vector<1000x1xi1> to vector<1000x128xi1>
    %broadcast_in_dim3A_101 = vector.broadcast %jit3A_98 : f32 to vector<1000x128xf32>
    %select_n3A_102 = arith.select %broadcast_in_dim3A_100, %add3A_26, %broadcast_in_dim3A_101 : vector<1000x128xi1>, vector<1000x128xf32>
    %reduce_max3A_103 = arith.constant dense<0xFF800000> : vector<128xf32>
    %reduce_max3A_104 = vector.multi_reduction <maximumf>, %select_n3A_102, %reduce_max3A_103 [0] : vector<1000x128xf32> to vector<128xf32>
    %eq3A_105 = arith.constant 8 : i32
    %eq3A_106 = vector.broadcast %eq3A_105 : i32 to vector<1000x1xi32>
    %eq3A_107 = arith.cmpi eq, %get3A_29, %eq3A_106 : vector<1000x1xi32>
    %jit3A_108 = arith.constant 0xFF800000 : f32
    %broadcast_in_dim3A_109 = vector.shape_cast %eq3A_107 : vector<1000x1xi1> to vector<1000x1xi1>
    %broadcast_in_dim3A_110 = vector.broadcast %broadcast_in_dim3A_109 : vector<1000x1xi1> to vector<1000x128xi1>
    %broadcast_in_dim3A_111 = vector.broadcast %jit3A_108 : f32 to vector<1000x128xf32>
    %select_n3A_112 = arith.select %broadcast_in_dim3A_110, %add3A_26, %broadcast_in_dim3A_111 : vector<1000x128xi1>, vector<1000x128xf32>
    %reduce_max3A_113 = arith.constant dense<0xFF800000> : vector<128xf32>
    %reduce_max3A_114 = vector.multi_reduction <maximumf>, %select_n3A_112, %reduce_max3A_113 [0] : vector<1000x128xf32> to vector<128xf32>
    %eq3A_115 = arith.constant 9 : i32
    %eq3A_116 = vector.broadcast %eq3A_115 : i32 to vector<1000x1xi32>
    %eq3A_117 = arith.cmpi eq, %get3A_29, %eq3A_116 : vector<1000x1xi32>
    %jit3A_118 = arith.constant 0xFF800000 : f32
    %broadcast_in_dim3A_119 = vector.shape_cast %eq3A_117 : vector<1000x1xi1> to vector<1000x1xi1>
    %broadcast_in_dim3A_120 = vector.broadcast %broadcast_in_dim3A_119 : vector<1000x1xi1> to vector<1000x128xi1>
    %broadcast_in_dim3A_121 = vector.broadcast %jit3A_118 : f32 to vector<1000x128xf32>
    %select_n3A_122 = arith.select %broadcast_in_dim3A_120, %add3A_26, %broadcast_in_dim3A_121 : vector<1000x128xi1>, vector<1000x128xf32>
    %reduce_max3A_123 = arith.constant dense<0xFF800000> : vector<128xf32>
    %reduce_max3A_124 = vector.multi_reduction <maximumf>, %select_n3A_122, %reduce_max3A_123 [0] : vector<1000x128xf32> to vector<128xf32>
    %eq3A_125 = arith.constant 10 : i32
    %eq3A_126 = vector.broadcast %eq3A_125 : i32 to vector<1000x1xi32>
    %eq3A_127 = arith.cmpi eq, %get3A_29, %eq3A_126 : vector<1000x1xi32>
    %jit3A_128 = arith.constant 0xFF800000 : f32
    %broadcast_in_dim3A_129 = vector.shape_cast %eq3A_127 : vector<1000x1xi1> to vector<1000x1xi1>
    %broadcast_in_dim3A_130 = vector.broadcast %broadcast_in_dim3A_129 : vector<1000x1xi1> to vector<1000x128xi1>
    %broadcast_in_dim3A_131 = vector.broadcast %jit3A_128 : f32 to vector<1000x128xf32>
    %select_n3A_132 = arith.select %broadcast_in_dim3A_130, %add3A_26, %broadcast_in_dim3A_131 : vector<1000x128xi1>, vector<1000x128xf32>
    %reduce_max3A_133 = arith.constant dense<0xFF800000> : vector<128xf32>
    %reduce_max3A_134 = vector.multi_reduction <maximumf>, %select_n3A_132, %reduce_max3A_133 [0] : vector<1000x128xf32> to vector<128xf32>
    %eq3A_135 = arith.constant 11 : i32
    %eq3A_136 = vector.broadcast %eq3A_135 : i32 to vector<1000x1xi32>
    %eq3A_137 = arith.cmpi eq, %get3A_29, %eq3A_136 : vector<1000x1xi32>
    %jit3A_138 = arith.constant 0xFF800000 : f32
    %broadcast_in_dim3A_139 = vector.shape_cast %eq3A_137 : vector<1000x1xi1> to vector<1000x1xi1>
    %broadcast_in_dim3A_140 = vector.broadcast %broadcast_in_dim3A_139 : vector<1000x1xi1> to vector<1000x128xi1>
    %broadcast_in_dim3A_141 = vector.broadcast %jit3A_138 : f32 to vector<1000x128xf32>
    %select_n3A_142 = arith.select %broadcast_in_dim3A_140, %add3A_26, %broadcast_in_dim3A_141 : vector<1000x128xi1>, vector<1000x128xf32>
    %reduce_max3A_143 = arith.constant dense<0xFF800000> : vector<128xf32>
    %reduce_max3A_144 = vector.multi_reduction <maximumf>, %select_n3A_142, %reduce_max3A_143 [0] : vector<1000x128xf32> to vector<128xf32>
    %eq3A_145 = arith.constant 12 : i32
    %eq3A_146 = vector.broadcast %eq3A_145 : i32 to vector<1000x1xi32>
    %eq3A_147 = arith.cmpi eq, %get3A_29, %eq3A_146 : vector<1000x1xi32>
    %jit3A_148 = arith.constant 0xFF800000 : f32
    %broadcast_in_dim3A_149 = vector.shape_cast %eq3A_147 : vector<1000x1xi1> to vector<1000x1xi1>
    %broadcast_in_dim3A_150 = vector.broadcast %broadcast_in_dim3A_149 : vector<1000x1xi1> to vector<1000x128xi1>
    %broadcast_in_dim3A_151 = vector.broadcast %jit3A_148 : f32 to vector<1000x128xf32>
    %select_n3A_152 = arith.select %broadcast_in_dim3A_150, %add3A_26, %broadcast_in_dim3A_151 : vector<1000x128xi1>, vector<1000x128xf32>
    %reduce_max3A_153 = arith.constant dense<0xFF800000> : vector<128xf32>
    %reduce_max3A_154 = vector.multi_reduction <maximumf>, %select_n3A_152, %reduce_max3A_153 [0] : vector<1000x128xf32> to vector<128xf32>
    %eq3A_155 = arith.constant 13 : i32
    %eq3A_156 = vector.broadcast %eq3A_155 : i32 to vector<1000x1xi32>
    %eq3A_157 = arith.cmpi eq, %get3A_29, %eq3A_156 : vector<1000x1xi32>
    %jit3A_158 = arith.constant 0xFF800000 : f32
    %broadcast_in_dim3A_159 = vector.shape_cast %eq3A_157 : vector<1000x1xi1> to vector<1000x1xi1>
    %broadcast_in_dim3A_160 = vector.broadcast %broadcast_in_dim3A_159 : vector<1000x1xi1> to vector<1000x128xi1>
    %broadcast_in_dim3A_161 = vector.broadcast %jit3A_158 : f32 to vector<1000x128xf32>
    %select_n3A_162 = arith.select %broadcast_in_dim3A_160, %add3A_26, %broadcast_in_dim3A_161 : vector<1000x128xi1>, vector<1000x128xf32>
    %reduce_max3A_163 = arith.constant dense<0xFF800000> : vector<128xf32>
    %reduce_max3A_164 = vector.multi_reduction <maximumf>, %select_n3A_162, %reduce_max3A_163 [0] : vector<1000x128xf32> to vector<128xf32>
    %eq3A_165 = arith.constant 14 : i32
    %eq3A_166 = vector.broadcast %eq3A_165 : i32 to vector<1000x1xi32>
    %eq3A_167 = arith.cmpi eq, %get3A_29, %eq3A_166 : vector<1000x1xi32>
    %jit3A_168 = arith.constant 0xFF800000 : f32
    %broadcast_in_dim3A_169 = vector.shape_cast %eq3A_167 : vector<1000x1xi1> to vector<1000x1xi1>
    %broadcast_in_dim3A_170 = vector.broadcast %broadcast_in_dim3A_169 : vector<1000x1xi1> to vector<1000x128xi1>
    %broadcast_in_dim3A_171 = vector.broadcast %jit3A_168 : f32 to vector<1000x128xf32>
    %select_n3A_172 = arith.select %broadcast_in_dim3A_170, %add3A_26, %broadcast_in_dim3A_171 : vector<1000x128xi1>, vector<1000x128xf32>
    %reduce_max3A_173 = arith.constant dense<0xFF800000> : vector<128xf32>
    %reduce_max3A_174 = vector.multi_reduction <maximumf>, %select_n3A_172, %reduce_max3A_173 [0] : vector<1000x128xf32> to vector<128xf32>
    %eq3A_175 = arith.constant 15 : i32
    %eq3A_176 = vector.broadcast %eq3A_175 : i32 to vector<1000x1xi32>
    %eq3A_177 = arith.cmpi eq, %get3A_29, %eq3A_176 : vector<1000x1xi32>
    %jit3A_178 = arith.constant 0xFF800000 : f32
    %broadcast_in_dim3A_179 = vector.shape_cast %eq3A_177 : vector<1000x1xi1> to vector<1000x1xi1>
    %broadcast_in_dim3A_180 = vector.broadcast %broadcast_in_dim3A_179 : vector<1000x1xi1> to vector<1000x128xi1>
    %broadcast_in_dim3A_181 = vector.broadcast %jit3A_178 : f32 to vector<1000x128xf32>
    %select_n3A_182 = arith.select %broadcast_in_dim3A_180, %add3A_26, %broadcast_in_dim3A_181 : vector<1000x128xi1>, vector<1000x128xf32>
    %reduce_max3A_183 = arith.constant dense<0xFF800000> : vector<128xf32>
    %reduce_max3A_184 = vector.multi_reduction <maximumf>, %select_n3A_182, %reduce_max3A_183 [0] : vector<1000x128xf32> to vector<128xf32>
    %stack3A = vector.shape_cast %reduce_max3A_34 : vector<128xf32> to vector<1x128xf32>
    %stack3A_185 = vector.shape_cast %reduce_max3A_44 : vector<128xf32> to vector<1x128xf32>
    %stack3A_186 = vector.shape_cast %reduce_max3A_54 : vector<128xf32> to vector<1x128xf32>
    %stack3A_187 = vector.shape_cast %reduce_max3A_64 : vector<128xf32> to vector<1x128xf32>
    %stack3A_188 = vector.shape_cast %reduce_max3A_74 : vector<128xf32> to vector<1x128xf32>
    %stack3A_189 = vector.shape_cast %reduce_max3A_84 : vector<128xf32> to vector<1x128xf32>
    %stack3A_190 = vector.shape_cast %reduce_max3A_94 : vector<128xf32> to vector<1x128xf32>
    %stack3A_191 = vector.shape_cast %reduce_max3A_104 : vector<128xf32> to vector<1x128xf32>
    %stack3A_192 = vector.shape_cast %reduce_max3A_114 : vector<128xf32> to vector<1x128xf32>
    %stack3A_193 = vector.shape_cast %reduce_max3A_124 : vector<128xf32> to vector<1x128xf32>
    %stack3A_194 = vector.shape_cast %reduce_max3A_134 : vector<128xf32> to vector<1x128xf32>
    %stack3A_195 = vector.shape_cast %reduce_max3A_144 : vector<128xf32> to vector<1x128xf32>
    %stack3A_196 = vector.shape_cast %reduce_max3A_154 : vector<128xf32> to vector<1x128xf32>
    %stack3A_197 = vector.shape_cast %reduce_max3A_164 : vector<128xf32> to vector<1x128xf32>
    %stack3A_198 = vector.shape_cast %reduce_max3A_174 : vector<128xf32> to vector<1x128xf32>
    %stack3A_199 = vector.shape_cast %reduce_max3A_184 : vector<128xf32> to vector<1x128xf32>
    %stack3A_200 = tpu.concatenate %stack3A, %stack3A_185, %stack3A_186, %stack3A_187, %stack3A_188, %stack3A_189, %stack3A_190, %stack3A_191, %stack3A_192, %stack3A_193, %stack3A_194, %stack3A_195, %stack3A_196, %stack3A_197, %stack3A_198, %stack3A_199 in 0 : vector<1x128xf32>, vector<1x128xf32>, vector<1x128xf32>, vector<1x128xf32>, vector<1x128xf32>, vector<1x128xf32>, vector<1x128xf32>, vector<1x128xf32>, vector<1x128xf32>, vector<1x128xf32>, vector<1x128xf32>, vector<1x128xf32>, vector<1x128xf32>, vector<1x128xf32>, vector<1x128xf32>, vector<1x128xf32> -> vector<16x128xf32>
    %eq3A_201 = arith.constant 0 : i32
    %eq3A_202 = arith.cmpi eq, %arg0, %eq3A_201 : i32
    %convert_element_type3A = arith.extui %eq3A_202 : i1 to i32
    %cond3A = arith.constant 0 : i32
    %cond3A_203 = arith.cmpi ne, %convert_element_type3A, %cond3A : i32
    scf.if %cond3A_203 {
      %swap3A = arith.constant 0 : index
      %swap3A_213 = arith.constant 0 : index
      %swap3A_214 = vector.load %arg12[%swap3A, %swap3A_213] : memref<16x128xf32, #tpu.memory_space<vmem>>, vector<16x128xf32>
      tpu.vector_store %arg12[%swap3A, %swap3A_213], %stack3A_200 {strides = array<i32>} : memref<16x128xf32, #tpu.memory_space<vmem>>, vector<16x128xf32>,
    } else {
    }
    %gt3A = arith.constant 0 : i32
    %gt3A_204 = arith.cmpi sgt, %arg0, %gt3A : i32
    %convert_element_type3A_205 = arith.extui %gt3A_204 : i1 to i32
    %cond3A_206 = arith.constant 0 : i32
    %cond3A_207 = arith.cmpi ne, %convert_element_type3A_205, %cond3A_206 : i32
    scf.if %cond3A_207 {
      %get3A_213 = arith.constant 0 : index
      %get3A_214 = arith.constant 0 : index
      %get3A_215 = vector.load %arg12[%get3A_213, %get3A_214] : memref<16x128xf32, #tpu.memory_space<vmem>>, vector<16x128xf32>
      %max3A = arith.maximumf %get3A_215, %stack3A_200 : vector<16x128xf32>
      %swap3A = arith.constant 0 : index
      %swap3A_216 = arith.constant 0 : index
      %swap3A_217 = vector.load %arg12[%swap3A, %swap3A_216] : memref<16x128xf32, #tpu.memory_space<vmem>>, vector<16x128xf32>
      tpu.vector_store %arg12[%swap3A, %swap3A_216], %max3A {strides = array<i32>} : memref<16x128xf32, #tpu.memory_space<vmem>>, vector<16x128xf32>,
    } else {
    }
    %eq3A_208 = arith.constant 9 : i32
    %eq3A_209 = arith.cmpi eq, %arg0, %eq3A_208 : i32
    %convert_element_type3A_210 = arith.extui %eq3A_209 : i1 to i32
    %cond3A_211 = arith.constant 0 : i32
    %cond3A_212 = arith.cmpi ne, %convert_element_type3A_210, %cond3A_211 : i32
    scf.if %cond3A_212 {
      %get3A_213 = arith.constant 0 : index
      %get3A_214 = arith.constant 0 : index
      %get3A_215 = vector.load %arg12[%get3A_213, %get3A_214] : memref<16x128xf32, #tpu.memory_space<vmem>>, vector<16x128xf32>
      %get3A_216 = arith.constant 0 : index
      %get3A_217 = arith.constant 0 : index
      %get3A_218 = vector.load %arg7[%get3A_216, %get3A_217] : memref<8x128xf32, #tpu.memory_space<vmem>>, vector<8x128xf32>
      %dot_general3A_219 = arith.constant dense<0.000000e+00> : vector<16x8xf32>
      %dot_general3A_220 = tpu.matmul %get3A_215, %get3A_218, %dot_general3A_219 {dimension_numbers = #tpu.dot_dimension_numbers<[1], [1], [0], [0], [0, 0, 1, 0], [], []>, transpose_lhs_hint = false} : vector<16x128xf32>, vector<8x128xf32>, vector<16x8xf32> -> vector<16x8xf32>
      %get3A_221 = arith.constant 0 : index
      %get3A_222 = arith.constant 0 : index
      %get3A_223 = vector.load %arg8[%get3A_221, %get3A_222] : memref<1x8xf32, #tpu.memory_space<vmem>>, vector<1x8xf32>
      %add3A_224 = vector.broadcast %get3A_223 : vector<1x8xf32> to vector<16x8xf32>
      %add3A_225 = arith.addf %dot_general3A_220, %add3A_224 : vector<16x8xf32>
      %max3A = arith.constant 0.000000e+00 : f32
      %max3A_226 = vector.broadcast %max3A : f32 to vector<16x8xf32>
      %max3A_227 = arith.maximumf %add3A_225, %max3A_226 : vector<16x8xf32>
      %get3A_228 = arith.constant 0 : index
      %get3A_229 = arith.constant 0 : index
      %get3A_230 = vector.load %arg9[%get3A_228, %get3A_229] : memref<8x8xf32, #tpu.memory_space<vmem>>, vector<8x8xf32>
      %dot_general3A_231 = arith.constant dense<0.000000e+00> : vector<16x8xf32>
      %dot_general3A_232 = tpu.matmul %max3A_227, %get3A_230, %dot_general3A_231 {dimension_numbers = #tpu.dot_dimension_numbers<[1], [1], [0], [0], [0, 0, 1, 0], [], []>, transpose_lhs_hint = false} : vector<16x8xf32>, vector<8x8xf32>, vector<16x8xf32> -> vector<16x8xf32>
      %slice3A = vector.extract_strided_slice %dot_general3A_232 {offsets = [0, 0], sizes = [16, 1], strides = [1, 1]} : vector<16x8xf32> to vector<16x1xf32>
      %get3A_233 = arith.constant 0 : index
      %get3A_234 = arith.constant 0 : index
      %get3A_235 = vector.load %arg10[%get3A_233, %get3A_234] : memref<1x1xf32, #tpu.memory_space<vmem>>, vector<1x1xf32>
      %add3A_236 = vector.broadcast %get3A_235 : vector<1x1xf32> to vector<16x1xf32>
      %add3A_237 = arith.addf %slice3A, %add3A_236 : vector<16x1xf32>
      %swap3A = arith.constant 0 : index
      %swap3A_238 = arith.constant 0 : index
      %swap3A_239 = vector.load %arg11[%swap3A, %swap3A_238] : memref<16x1xf32, #tpu.memory_space<vmem>>, vector<16x1xf32>
      tpu.vector_store %arg11[%swap3A, %swap3A_238], %add3A_237 {strides = array<i32>} : memref<16x1xf32, #tpu.memory_space<vmem>>, vector<16x1xf32>,
    } else {
    }
    return
  }
  func.func @transform_0(%arg0: i32) -> (i32, i32, i32) {
    %c0_i32 = arith.constant 0 : i32
    %c0_i32_0 = arith.constant 0 : i32
    %c0_i32_1 = arith.constant 0 : i32
    return %c0_i32, %arg0, %c0_i32_0 : i32, i32, i32
  }
  func.func @transform_1(%arg0: i32) -> (i32, i32) {
    %c0_i32 = arith.constant 0 : i32
    %c0_i32_0 = arith.constant 0 : i32
    return %arg0, %c0_i32 : i32, i32
  }
  func.func @transform_2(%arg0: i32) -> (i32, i32) {
    %c0_i32 = arith.constant 0 : i32
    %c0_i32_0 = arith.constant 0 : i32
    %c0_i32_1 = arith.constant 0 : i32
    return %c0_i32, %c0_i32_0 : i32, i32
  }
  func.func @transform_3(%arg0: i32) -> (i32, i32) {
    %c0_i32 = arith.constant 0 : i32
    %c0_i32_0 = arith.constant 0 : i32
    %c0_i32_1 = arith.constant 0 : i32
    return %c0_i32, %c0_i32_0 : i32, i32
  }
  func.func @transform_4(%arg0: i32) -> (i32, i32) {
    %c0_i32 = arith.constant 0 : i32
    %c0_i32_0 = arith.constant 0 : i32
    %c0_i32_1 = arith.constant 0 : i32
    return %c0_i32, %c0_i32_0 : i32, i32
  }
  func.func @transform_5(%arg0: i32) -> (i32, i32) {
    %c0_i32 = arith.constant 0 : i32
    %c0_i32_0 = arith.constant 0 : i32
    return %arg0, %c0_i32 : i32, i32
  }
  func.func @transform_6(%arg0: i32) -> (i32, i32) {
    %c0_i32 = arith.constant 0 : i32
    %c0_i32_0 = arith.constant 0 : i32
    %c0_i32_1 = arith.constant 0 : i32
    return %c0_i32, %c0_i32_0 : i32, i32
  }
  func.func @transform_7(%arg0: i32) -> (i32, i32) {
    %c0_i32 = arith.constant 0 : i32
    %c0_i32_0 = arith.constant 0 : i32
    %c0_i32_1 = arith.constant 0 : i32
    return %c0_i32, %c0_i32_0 : i32, i32
  }
  func.func @transform_8(%arg0: i32) -> (i32, i32) {
    %c0_i32 = arith.constant 0 : i32
    %c0_i32_0 = arith.constant 0 : i32
    %c0_i32_1 = arith.constant 0 : i32
    return %c0_i32, %c0_i32_0 : i32, i32
  }
  func.func @transform_9(%arg0: i32) -> (i32, i32) {
    %c0_i32 = arith.constant 0 : i32
    %c0_i32_0 = arith.constant 0 : i32
    %c0_i32_1 = arith.constant 0 : i32
    return %c0_i32, %c0_i32_0 : i32, i32
  }
  func.func @transform_10(%arg0: i32) -> (i32, i32) {
    %c0_i32 = arith.constant 0 : i32
    %c0_i32_0 = arith.constant 0 : i32
    %c0_i32_1 = arith.constant 0 : i32
    return %c0_i32, %c0_i32_0 : i32, i32
  }
}

</mosaic_0001>

<sc_bundles>
// kernel: kernel.11.cloned.1.call-start
scs
__scs_entry_jumppad:
0x0: {  	(pc) =	sbr.rel $0x88, $3  }
0x1: {  	(tag) =	ssettag $0x0;
	lr =	simm.s32 $0x1  }
0x2: {  	[smem:$0x3F91] =	sst lr;
	_ =	strace $0xD0000000  }
0x3: {  	_ = 	snop  }
0x4: {  	_ = 	snop  }
0x5: {  	_ = 	snop  }
0x6: {  	_ = 	snop  }
0x7: {  	_ = 	snop  }
__scs_overlays_trampoline_lowered:
0x8: {  	[smem:$0x3FA0] =	sst s0  }
0x9: {  	[smem:$0x3FA1] =	sst s1  }
0xa: {  	[smem:$0x3FA2] =	sst s2  }
0xb: {  	[smem:$0x3FA3] =	sst s3  }
0xc: {  	[smem:$0x3FA4] =	sst s4  }
0xd: {  	[smem:$0x3FA5] =	sst s5  }
0xe: {  	[smem:$0x3FA6] =	sst s6  }
0xf: {  	[smem:$0x3FA7] =	sst s7  }
0x10: {  	[smem:$0x3FA8] =	sst s8  }
0x11: {  	[smem:$0x3FA9] =	sst s9;
	s0 =	simm.s32 @!p0 $0x0  }
0x12: {  	s1 =	sld [smem:$0x3F8F];
	s0 =	simm.s32 @p0 $0x1  }
0x13: {  	[smem:$0x3FAA] =	sst s0;
	s0 =	simm.s32 @!p1 $0x0  }
0x14: {  	s2 =	sld [smem:$0x3F8E];
	s0 =	simm.s32 @p1 $0x1  }
0x15: {  	[smem:$0x3FAB] =	sst s0;
	s0 =	simm.s32 @!p2 $0x0  }
0x16: {  	s3 =	sld [smem:$0x3FDB];
	s0 =	simm.s32 @p2 $0x1  }
0x17: {  	s4 =	simm.s32 $0x1BF5;
	[smem:$0x3FAD] =	sst s0  }
0x18: {  	s0 =	sld [smem:$0x3F90];
	_ =	swait.ge [sflag:s4], $0x0  }
0x19: {  	s7 =	sld [smem:$0x3F91]  }
0x1a: {  	s8 =	sadd.s32 $0xFFFFE003, lr  }
0x1b: {  	s9 =	sadd.s32 $0xFFFFFEF7, lr;
	s5 =	simm.s32 $0xFFFFFFFF;
	p2 =	slt.u32 s8, $0xFFFFF086  }
0x1c: {  	p1 =	slt.u32 s9, $0xF7A;
	s5 =	simm.s32 @!p2 $0x0  }
0x1d: {  	s5 =	simm.s32 @p1 $0x1;
	p0 =	seq.s32 s7, s2  }
0x1e: {  	s7 =	smul.u32 @!p0 $0xF7A, s2;
	p2 =	seq.s32 @!p0 s5, $0x0  }
0x1f: {  	s9 =	smul.u32 $0xF7A, s1;
	s8 =	simm.s32 @!p0 $0x1BF5;
	p2 =	por !p2, p0  }
0x20: {  	[sflag:s8] =	ssyncset.s32 @!p0 $0xFFFFF086;
	s6 =	sadd.s32 @!p0 s3, s7;
	s7 =	simm.s32 @!p0 $0x108  }
0x21: {  	s3 =	sadd.s32 s3, s9;
	s6 =	sadd.s32 @!p0 $0x88, s6;
	s7 =	simm.s32 @p2 $0x1082  }
0x22: {  	[simem:s7], [sflag:s8] =	dma.local @!p0 [hbm:s6], $0xF7A  }
0x23: {  	s9 =	sor.u32 $0xD0000000, s2;
	s6 =	simm.s32 $0x108;
	_ =	swait.ge @!p0 [sflag:s8], $0x0  }
0x24: {  	s3 =	sadd.s32 $0x88, s3;
	s6 =	simm.s32 @!p1 $0x1082;
	[sflag:s4] =	ssyncset.s32 $0xFFFFF086  }
0x25: {  	[simem:s6], [sflag:s4] =	dma.local [hbm:s3], $0xF7A  }
0x26: {  	[smem:$0x3F91] =	sst s1;
	(tag) =	ssettag s2;
	_ =	strace s9  }
0x27: {  	s1 =	sld [smem:$0x3FA1]  }
0x28: {  	s2 =	sld [smem:$0x3FA2]  }
0x29: {  	s4 =	sld [smem:$0x3FA4]  }
0x2a: {  	p0 =	seq.s32 s5, $0x0;
	s5 =	sld [smem:$0x3FA5]  }
0x2b: {  	s6 =	sld [smem:$0x3FA6]  }
0x2c: {  	s7 =	sld [smem:$0x3FA7]  }
0x2d: {  	s3 =	simm.s32 $0x108;
	s8 =	sld [smem:$0x3FA8]  }
0x2e: {  	s3 =	simm.s32 @!p0 $0x1082;
	s9 =	sld [smem:$0x3FA9]  }
0x2f: {  	lr =	sadd.s32 s0, s3;
	s0 =	sld [smem:$0x3FA0]  }
0x30: {  	s3 =	sld [smem:$0x3FA3]  }
0x31: {  	[smem:$0x3FAC] =	sst s10  }
0x32: {  	s10 =	sld [smem:$0x3FAA];
	_ =	sdelay $0x3  }
0x33: {  	p0 =	seq.s32 s10, $0x1;
	s10 =	sld [smem:$0x3FAC];
	_ =	sdelay $0x3  }
0x34: {  	[smem:$0x3FAC] =	sst s10  }
0x35: {  	s10 =	sld [smem:$0x3FAB];
	_ =	sdelay $0x3  }
0x36: {  	p1 =	seq.s32 s10, $0x1;
	s10 =	sld [smem:$0x3FAC];
	_ =	sdelay $0x3  }
0x37: {  	[smem:$0x3FAC] =	sst s10  }
0x38: {  	s10 =	sld [smem:$0x3FAD]  }
0x39: {  	_ = 	snop;
	(pc) =	sbr.ind lr, $3  }
0x3a: {  	_ = 	snop  }
0x3b: {  	_ = 	snop  }
0x3c: {  	p2 =	seq.s32 s10, $0x1;
	s10 =	sld [smem:$0x3FAC]  }
0x3d: {  	_ =	shalt  }
0x3e: {  	_ =	shalt  }
0x3f: {  	_ =	shalt  }
0x40: {  	_ =	shalt  }
0x41: {  	_ =	shalt  }
0x42: {  	_ =	shalt  }
0x43: {  	_ =	shalt  }
0x44: {  	_ =	shalt  }
0x45: {  	_ =	shalt  }
0x46: {  	_ =	shalt  }
0x47: {  	_ =	shalt  }
0x48: {  	_ =	shalt  }
0x49: {  	_ =	shalt  }
0x4a: {  	_ =	shalt  }
0x4b: {  	_ =	shalt  }
0x4c: {  	_ =	shalt  }
0x4d: {  	_ =	shalt  }
0x4e: {  	_ =	shalt  }
0x4f: {  	_ =	shalt  }
0x50: {  	_ =	shalt  }
0x51: {  	_ =	shalt  }
0x52: {  	_ =	shalt  }
0x53: {  	_ =	shalt  }
0x54: {  	_ =	shalt  }
0x55: {  	_ =	shalt  }
0x56: {  	_ =	shalt  }
0x57: {  	_ =	shalt  }
0x58: {  	_ =	shalt  }
0x59: {  	_ =	shalt  }
0x5a: {  	_ =	shalt  }
0x5b: {  	_ =	shalt  }
0x5c: {  	_ =	shalt  }
0x5d: {  	_ =	shalt  }
0x5e: {  	_ =	shalt  }
0x5f: {  	_ =	shalt  }
0x60: {  	_ =	shalt  }
0x61: {  	_ =	shalt  }
0x62: {  	_ =	shalt  }
0x63: {  	_ =	shalt  }
0x64: {  	_ =	shalt  }
0x65: {  	_ =	shalt  }
0x66: {  	_ =	shalt  }
0x67: {  	_ =	shalt  }
0x68: {  	_ =	shalt  }
0x69: {  	_ =	shalt  }
0x6a: {  	_ =	shalt  }
0x6b: {  	_ =	shalt  }
0x6c: {  	_ =	shalt  }
0x6d: {  	_ =	shalt  }
0x6e: {  	_ =	shalt  }
0x6f: {  	_ =	shalt  }
0x70: {  	_ =	shalt  }
0x71: {  	_ =	shalt  }
0x72: {  	_ =	shalt  }
0x73: {  	_ =	shalt  }
0x74: {  	_ =	shalt  }
0x75: {  	_ =	shalt  }
0x76: {  	_ =	shalt  }
0x77: {  	_ =	shalt  }
0x78: {  	_ =	shalt  }
0x79: {  	_ =	shalt  }
0x7a: {  	_ =	shalt  }
0x7b: {  	_ =	shalt  }
0x7c: {  	_ =	shalt  }
0x7d: {  	_ =	shalt  }
0x7e: {  	_ =	shalt  }
0x7f: {  	_ =	shalt  }
0x80: {  	_ =	shalt  }
0x81: {  	_ =	shalt  }
0x82: {  	_ =	shalt  }
0x83: {  	_ =	shalt  }
0x84: {  	_ =	shalt  }
0x85: {  	_ =	shalt  }
0x86: {  	_ =	shalt  }
0x87: {  	_ =	shalt  }
.Lfunc_end0:
.L_simem_size_0:
called_computation.1_lowered:
.L_overlay_start_0:
0x88: {  	s2 =	sld [smem:$0x3FD9]  }
0x89: {  	s3 =	sld [smem:$0x3FFE];
	_ =	sdelay $0x1  }
0x8a: {  	s1 =	srdreg.scid  }
0x8b: {  	s0 =	sand.u32 $0x1, s1  }
0x8c: {  	s16 =	sshll.u32 s0, $0xA;
	s2 =	sadd.s32 s3, s2  }
0x8d: {  	s2 =	sadd.s32 s2, s16  }
0x8e: {  	[smem:$0x3FB8] =	sst s2  }
0x8f: {  	_ = 	snop  }
0x90: {  	(tm) =	ssettm $0x1  }
0x91: {  	s17 =	sld [smem:$0x3FFB];
	_ =	sdelay $0x3  }
0x92: {  	_ =	strace s17  }
0x93: {  	s2 =	sld [smem:$0x3FFC];
	_ =	sdelay $0x3  }
0x94: {  	_ =	strace s2  }
0x95: {  	s2 =	sld [smem:$0x3FFD];
	_ =	sdelay $0x3  }
0x96: {  	_ =	strace s2  }
0x97: {  	_ =	strace $0x8FFFFFFF  }
0x98: {  	s18 =	sld [smem:$0x3FDB];
	_ =	sdelay $0x1  }
0x99: {  	s19 =	simm.s32 $_scs_section_size  }
0x9a: {  	s4 =	simm.s32 $_size__tile_overlayer_lowered;
	s5 =	simm.s32 $_tile_overlayer_lowered  }
0x9b: {  	s22 =	simm.s32 $0x1BFF;
	s21 =	sshll.u32 s5, $0x1;
	s2 =	sadd.s32 s19, s18  }
0x9c: {  	s6 =	simm.s32 $0x0;
	s20 =	sshll.u32 s4, $0x1;
	s4 =	sadd.s32 s21, s2  }
0x9d: {  	[timem:s6], [sflag:s22] =	dma.local [hbm:s4], s20  }
0x9e: {  	_ =	swait.ge [sflag:s22], s20  }
0x9f: {  	s3 =	ssub.s32 $0x0, s20;
	[sflag:s22] =	ssyncset.done $0x0  }
0xa0: {  	[sflag:s22] =	ssyncadd.s32 s3;
	_ =	sdelay $0x1  }
0xa1: {  	s23 =	simm.s32 $0x1B8B  }
0xa2: {  	_ =	swait.ge [sflag:s23], $0x1  }
0xa3: {  	[sflag:s23] =	ssyncset.done $0x0  }
0xa4: {  	s25 =	simm.s32 $0x1B8E;
	s24 =	sld [smem:$0x3FFE];
	[sflag:s23] =	ssyncadd.s32 $0xFFFFFFFF  }
0xa5: {  	s26 =	simm.s32 $execute0_lowered;
	[smem:$0x3FD2] =	sst s25  }
0xa6: {  	s4 =	sshll.u32 s26, $0x1;
	_ =	strace $0x80000049;
	[dreg:$0x1] =	wrdreg $0xFFFFFFFF  }
0xa7: {  	s28 =	simm.s32 $_size_execute0_lowered;
	s2 =	sadd.s32 s2, s4;
	[dreg:$0x0] =	wrdreg $0x0  }
0xa8: {  	s4 =	sshll.u32 s28, $0x1;
	[dreg:$0x2] =	wrdreg s2  }
0xa9: {  	[dreg:$0x3] =	wrdreg s4  }
0xaa: {  	[dreg:$0x4] =	wrdreg $0xC0  }
0xab: {  	_ =	task [dreg:s6], $0x5FFFF  }
0xac: {  	[dreg:$0x1] =	wrdreg $0xFFFFFFFF  }
0xad: {  	[dreg:$0x0] =	wrdreg $0x60  }
0xae: {  	[dreg:$0x2] =	wrdreg s24  }
0xaf: {  	[dreg:$0x3] =	wrdreg $0xA0000  }
0xb0: {  	[dreg:$0x4] =	wrdreg $0x9  }
0xb1: {  	_ =	task.clear_ibuf [dreg:s6], $0x5FFFF;
	_ =	strace $0x90000049  }
0xb2: {  	s29 =	simm.s32 $0x9;
	_ =	strace $0x8000004B  }
0xb3: {  	_ =	swait.ge [sflag:s29], $0x1  }
0xb4: {  	[sflag:s29] =	ssyncadd.s32 $0xFFFFFFFF  }
0xb5: {  	_ =	strace $0x9000004B  }
0xb6: {  	_ =	sfence  }
0xb7: {  	s30 =	sld [smem:$0x0];
	_ =	sdelay $0x2  }
0xb8: {  	s31 =	sshll.u32 s1, $0xD;
	s1 =	sshrl.u32 s1, $0x2  }
0xb9: {  	s3 =	sand.u32 $0x4000, s31;
	s1 =	sadd.s32 s1, s30  }
0xba: {  	s0 =	sor.u32 s3, s0;
	s1 =	sshll.u32 s1, $0x11  }
0xbb: {  	s0 =	sor.u32 s1, s0  }
0xbc: {  	s0 =	sadd.s32 $0x8F2B, s0  }
0xbd: {  	[sflag:s0] =	ssyncadd.remote.s32 $0x1  }
0xbe: {  	_ =	sfence.sel $0xFFFF  }
0xbf: {  	[dreg:$0x0] =	wrdreg $0xFFFFFFFF;
	(pc) =	sbr.abs _section_cstart, $3  }
0xc0: {  	[dreg:$0x1] =	wrdreg $0xFFFFFFFF  }
0xc1: {  	_ =	task.clear_ibuf [dreg:s6], $0x2FFFF;
	_ =	strace $0x9FFFFFFF  }
0xc2: {  	(tm) =	ssettm $0x7FFFFFFF  }
0xc3: {  	_ =	shalt  }
tec
execute0_lowered:
.L_overlay_start_1:
0x0: {  	(tag) =	ssettag $0x1  }
0x1: {  	s0 =	rddreg [dreg:$0x0]  }
0x2: {  	s1 =	rddreg [dreg:$0x1]  }
0x3: {  	s2 =	simm.s32 $0x0;
	s3 =	srdreg.scid;
	s16 =	stileid.u32  }
0x4: {  	s18 =	simm.s32 $0x4;
	s20 =	simm.s32 $0x3;
	s21 =	simm.s32 $0x80  }
0x5: {  	s22 =	simm.s32 $0x2000;
	s23 =	simm.s32 $0x6000;
	s24 =	simm.s32 $0x1  }
0x6: {  	s25 =	simm.s32 $0x2;
	s26 =	simm.s32 $0x0;
	[smem:$0x7FF] =	sst s2  }
0x7: {  	s3 =	sand.u32 $0x1, s3;
	s4 =	sadd.s32 $0x3E200, s0;
	s12 =	smul.u32 $0x13800, s16  }
0x8: {  	s5 =	sadd.s32 $0xD000, s0;
	s11 =	smul.u32 $0x4E000, s16;
	s14 =	sadd.s32 $0x65400, s0  }
0x9: {  	s30 =	sshll.u32 s16, $0x6;
	s19 =	sadd.s32 $0x138000, s1;
	p0 =	sne.s32 s16, $0xF  }
0xa: {  	_ =	strace $0x8000004A;
	s6 =	sshll.u32 s3, $0x4;
	s7 =	ssub.s32 $0x2, s3  }
0xb: {  	s3 =	smul.u32 $0x138800, s3;
	s19 =	sshrl.u32 @!p0 s19, $0x3;
	s13 =	sor.u32 s16, s6  }
0xc: {  	s6 =	sadd.s32 $0x3000, s0;
	s9 =	sshrl.u32 s12, $0x3;
	s10 =	sshrl.u32 s7, $0x1  }
0xd: {  	s29 =	sshrl.u32 s11, $0x2;
	s11 =	sadd.s32 $0x3E000, s0;
	s8 =	smul.u32 $0x500, s13  }
0xe: {  	s9 =	sadd.s32 s9, s0;
	s15 =	ssub.s32 s7, s10;
	s17 =	sadd.s32 s29, s1  }
.Ltmp0:
0xf: {  	s10 =	sor.u32 $0x1C04, s30;
	s31 =	sadd.s32 s12, s3;
	(pc) =	sbr.rel .LBB2_1-.Ltmp0, $4  }
0x10: {  	s3 =	sshrl.u32 s3, $0x3;
	s12 =	smul.u32 $0x2800, s13;
	s9 =	sadd.s32 $0x17000, s9  }
0x11: {  	s0 =	sshrl.u32 s31, $0x3;
	s3 =	sadd.s32 s14, s3;
	s15 =	smax.u32 s15, $0x1  }
0x12: {  	s17 =	sshrl.u32 s17, $0x3;
	s28 =	sadd.s32 s5, s8;
	s8 =	sadd.s32 s6, s8  }
0x13: {  	s13 =	sadd.s32 s14, s0;
	s14 =	sadd.s32 $0x27000, s3;
	[dreg:$0x3] =	wrdreg s28  }
.LBB2_8:
0x14: {  	[bflag:$0x0] =	sbarrier.arrive $0xFFFF  }
0x15: {  	[hbm:s13], [sflag:s10] =	dma.local [spmem:s17], $0x2700  }
0x16: {  	s26 =	sadd.s32 $0x1, s26;
	_ =	swait.ge [sflag:s18], $0x2700  }
0x17: {  	p1 =	sne.s32 s26, s15;
	[sflag:s18] =	ssyncset.done $0x0  }
.Ltmp1:
0x18: {  	s0 =	simm.s32 @!p0 $0x4;
	[sflag:s18] =	ssyncadd.s32 $0xFFFFD900;
	(pc) =	sbr.rel @!p1 .LBB2_9-.Ltmp1, $4  }
0x19: {  	[hbm:s14], [sflag:s10] =	dma.local @!p0 [spmem:s19], $0x100  }
0x1a: {  	_ =	swait.ge @!p0 [sflag:s0], $0x100  }
0x1b: {  	[sflag:s0] =	ssyncset.done @!p0 $0x0  }
0x1c: {  	[sflag:s0] =	ssyncadd.s32 @!p0 $0xFFFFFF00  }
.LBB2_1:
0x1d: {  	s0 =	rddreg [dreg:$0x3]  }
0x1e: {  	[tilespmem:s2], [sflag:$0x3] =	stream.linear.gather [hbm4b:s0+s2], $0x800, $0x38;
	[tilespmem:$0x1D900] =	vst v63  }
0x1f: {  	s31 =	simm.s32 $0x1000  }
0x20: {  	[tilespmem:s31], [sflag:$0x3] =	stream.linear.gather [hbm4b:s8+s2], $0x800, $0x38;
	[tilespmem:$0x1D900] =	vst v63  }
0x21: {  	[spmem:s17], [sflag:s10] =	dma.local [hbm:s9], $0x2700  }
0x22: {  	_ =	swait.ge [sflag:s18], $0x2700  }
0x23: {  	[sflag:s18] =	ssyncset.done $0x0  }
0x24: {  	s0 =	simm.s32 @!p0 $0x4;
	[sflag:s18] =	ssyncadd.s32 $0xFFFFD900  }
0x25: {  	[spmem:s19], [sflag:s10] =	dma.local @!p0 [hbm:s11], $0x100  }
0x26: {  	_ =	swait.ge @!p0 [sflag:s0], $0x100  }
0x27: {  	[sflag:s0] =	ssyncset.done @!p0 $0x0  }
0x28: {  	[sflag:s0] =	ssyncadd.s32 @!p0 $0xFFFFFF00  }
0x29: {  	_ =	swait.ge [sflag:s20], $0x800  }
0x2a: {  	[sflag:s20] =	ssyncset.done $0x0  }
0x2b: {  	[sflag:s20] =	ssyncadd.s32 $0xFFFFF800  }
0x2c: {  	_ =	swait.ge [sflag:s20], $0x800  }
.Ltmp2:
0x2d: {  	[sflag:s20] =	ssyncset.done $0x0;
	(pc) =	sbr.rel .LBB2_2-.Ltmp2, $4  }
0x2e: {  	[sflag:s20] =	ssyncadd.s32 $0xFFFFF800  }
0x2f: {  	[tilespmem:s22], [sflag:$0x1] =	stream.indirect.gather [hbm4b:s4+s21], $0x80, s2, s21, $0xb8;
	[tilespmem:$0x1D900] =	vst v63  }
0x30: {  	[bflag:$0x0] =	sbarrier.arrive $0xFFFF  }
0x31: {  	s28 =	simm.s32 $0x0;
	s29 =	simm.s32 $0x0  }
.LBB2_5:
0x32: {  	s0 =	sadd.s32 s3, s0  }
0x33: {  	s0 =	sadd.s32 $0x100, s0  }
.LBB2_6:
0x34: {  	[tilespmem:s22], [sflag:$0x1] =	stream.indirect.gather [hbm4b:s4+s21], $0x80, s0, s21, $0xb8;
	[tilespmem:$0x1D900] =	vst v63  }
.LBB2_7:
0x35: {  	_ =	swait.ge [sflag:s25], $0x4000;
	s29 =	sadd.s32 $0x1, s29  }
0x36: {  	[sflag:s25] =	ssyncset.done $0x0;
	p1 =	sne.s32 s29, $0x28  }
.Ltmp3:
0x37: {  	s0 =	sor.u32 $0x1000, s31;
	[sflag:s25] =	ssyncadd.s32 $0xFFFFC000;
	(pc) =	sbr.rel @!p1 .LBB2_8-.Ltmp3, $4  }
0x38: {  	[spmem:s1] =	stream.indirect.scatter.add.f32 [tilespmem:s23], [sflag:$0x4], $0x80, s0, s21, $0xb8;
	[tilespmem:$0x1D900] =	vst v63  }
0x39: {  	_ =	swait.ge [sflag:s18], $0x4000  }
0x3a: {  	[sflag:s18] =	ssyncset.done $0x0  }
0x3b: {  	s28 =	sadd.s32 $0x2, s28;
	[sflag:s18] =	ssyncadd.s32 $0xFFFFC000  }
.LBB2_2:
0x3c: {  	s0 =	sshrl.u32 s29, $0x3;
	s3 =	sand.u32 $0x27, s29  }
0x3d: {  	s30 =	sadd.s32 $0x1, s0;
	p1 =	sne.s32 s3, $0x0  }
0x3e: {  	s3 =	sshll.u32 @!p1 s30, $0xB  }
0x3f: {  	s3 =	sadd.s32 @!p1 s12, s3  }
0x40: {  	s30 =	sand.u32 $0x1, s30;
	s3 =	sshrl.u32 @!p1 s3, $0x3  }
0x41: {  	s7 =	simm.s32 @!p1 $0x0;
	s31 =	sshll.u32 @!p1 s30, $0xB;
	s16 =	sadd.s32 @!p1 s5, s3  }
0x42: {  	[tilespmem:s31], [sflag:$0x3] =	stream.linear.gather @!p1 [hbm4b:s16+s7], $0x800, $0x38;
	[tilespmem:$0x1D900] =	vst v63  }
0x43: {  	s3 =	sadd.s32 @!p1 s6, s3;
	s16 =	sor.u32 @!p1 $0x1000, s31  }
0x44: {  	[tilespmem:s16], [sflag:$0x3] =	stream.linear.gather @!p1 [hbm4b:s3+s7], $0x800, $0x38;
	[tilespmem:$0x1D900] =	vst v63  }
0x45: {  	s0 =	sshll.u32 s0, $0xB;
	s3 =	sand.u32 $0xE, s28  }
0x46: {  	s0 =	sand.u32 $0x800, s0;
	s16 =	sshll.u32 s3, $0x7;
	s3 =	sshll.u32 s3, $0x9  }
0x47: {  	s7 =	sor.u32 s0, s16;
	s3 =	sshrl.u32 s3, $0x2  }
0x48: {  	s31 =	sor.u32 $0x80, s7;
	s16 =	sor.u32 s3, s0  }
0x49: {  	[tilespmem:s23], [sflag:$0x2] =	stream.indirect.gather [hbm4b:s4+s21], $0x80, s31, s21, $0xb8;
	[tilespmem:$0x1D900] =	vst v63  }
0x4a: {  	s7 =	sor.u32 $0x1000, s16;
	s16 =	sand.u32 $0x7, s29;
	_ =	swait.ge [sflag:s24], $0x4000  }
0x4b: {  	p1 =	sne.s32 s16, $0x7;
	[sflag:s24] =	ssyncset.done $0x0  }
.Ltmp4:
0x4c: {  	[sflag:s24] =	ssyncadd.s32 $0xFFFFC000;
	(pc) =	sbr.rel @p1 .LBB2_5-.Ltmp4, $4  }
0x4d: {  	[spmem:s1] =	stream.indirect.scatter.add.f32 [tilespmem:s22], [sflag:$0x4], $0x80, s7, s21, $0xb8;
	[tilespmem:$0x1D900] =	vst v63  }
0x4e: {  	_ =	swait.ge [sflag:s18], $0x4000  }
0x4f: {  	[sflag:s18] =	ssyncset.done $0x0  }
0x50: {  	[sflag:s18] =	ssyncadd.s32 $0xFFFFC000  }
0x51: {  	p1 =	sgt.u32 s29, $0x1F  }
.Ltmp5:
0x52: {  	_ = 	snop;
	(pc) =	sbr.rel @p1 .LBB2_7-.Ltmp5, $1  }
0x53: {  	_ =	sdelay $0x3  }
0x54: {  	_ =	swait.ge [sflag:s20], $0x800  }
.Ltmp6:
0x55: {  	[sflag:s20] =	ssyncset.done $0x0;
	(pc) =	sbr.rel .LBB2_6-.Ltmp6, $4  }
0x56: {  	[sflag:s20] =	ssyncadd.s32 $0xFFFFF800  }
0x57: {  	_ =	swait.ge [sflag:s20], $0x800  }
0x58: {  	[sflag:s20] =	ssyncset.done $0x0  }
0x59: {  	s0 =	sshll.u32 s30, $0xB;
	[sflag:s20] =	ssyncadd.s32 $0xFFFFF800  }
.LBB2_9:
0x5a: {  	_ =	sfence.sel $0x180000  }
0x5b: {  	[bflag:$0x0] =	sbarrier.arrive $0xFFFF  }
0x5c: {  	_ =	strace $0x9000004A  }
0x5d: {  	s0 =	stileid.u32;
	[bflag:$0x2] =	sbarrier.arrive $0xFFFF  }
0x5e: {  	p0 =	sne.s32 s0, $0x0;
	s0 =	rddreg [dreg:$0x2]  }
0x5f: {  	s0 =	sadd.s32 @!p0 $0x100000, s0  }
0x60: {  	[sflag:s0] =	ssyncadd.tile.s32 @!p0 $0x1;
	_ =	shalt  }
.Lfunc_end2:
_tile_overlayer_lowered:
.L_overlay_start_2:
0x61: {  	(tag) =	ssettag $0x2  }
0x62: {  	s0 =	rddreg [dreg:$0x0];
	s2 =	stileid.u32  }
0x63: {  	s1 =	rddreg [dreg:$0x1];
	p0 =	sne.s32 s2, $0x0  }
0x64: {  	s3 =	rddreg [dreg:$0x2];
	[bflag:$0x3] =	sbarrier.arrive $0xFFFF;
	s2 =	simm.s32 @!p0 $0x1C04  }
0x65: {  	[timem:s3], [sflag:s2] =	dma.local @!p0 [hbm:s0], s1  }
0x66: {  	s0 =	simm.s32 @!p0 $0x4  }
0x67: {  	_ =	swait.ge @!p0 [sflag:s0], s1  }
0x68: {  	s1 =	ssub.s32 @!p0 $0x0, s1;
	[sflag:s0] =	ssyncset.done @!p0 $0x0  }
0x69: {  	[sflag:s0] =	ssyncadd.s32 @!p0 s1  }
0x6a: {  	[bflag:$0x3] =	sbarrier.arrive $0xFFFF  }
0x6b: {  	_ =	shalt  }

// kernel: kernel.14.cloned.1.call-start
scs
__scs_entry_jumppad:
0x0: {  	(pc) =	sbr.rel $0x88, $3  }
0x1: {  	(tag) =	ssettag $0x0;
	lr =	simm.s32 $0x1  }
0x2: {  	[smem:$0x3F91] =	sst lr;
	_ =	strace $0xD0000000  }
0x3: {  	_ = 	snop  }
0x4: {  	_ = 	snop  }
0x5: {  	_ = 	snop  }
0x6: {  	_ = 	snop  }
0x7: {  	_ = 	snop  }
__scs_overlays_trampoline_lowered:
0x8: {  	[smem:$0x3FA0] =	sst s0  }
0x9: {  	[smem:$0x3FA1] =	sst s1  }
0xa: {  	[smem:$0x3FA2] =	sst s2  }
0xb: {  	[smem:$0x3FA3] =	sst s3  }
0xc: {  	[smem:$0x3FA4] =	sst s4  }
0xd: {  	[smem:$0x3FA5] =	sst s5  }
0xe: {  	[smem:$0x3FA6] =	sst s6  }
0xf: {  	[smem:$0x3FA7] =	sst s7  }
0x10: {  	[smem:$0x3FA8] =	sst s8  }
0x11: {  	[smem:$0x3FA9] =	sst s9;
	s0 =	simm.s32 @!p0 $0x0  }
0x12: {  	s1 =	sld [smem:$0x3F8F];
	s0 =	simm.s32 @p0 $0x1  }
0x13: {  	[smem:$0x3FAA] =	sst s0;
	s0 =	simm.s32 @!p1 $0x0  }
0x14: {  	s2 =	sld [smem:$0x3F8E];
	s0 =	simm.s32 @p1 $0x1  }
0x15: {  	[smem:$0x3FAB] =	sst s0;
	s0 =	simm.s32 @!p2 $0x0  }
0x16: {  	s3 =	sld [smem:$0x3FDB];
	s0 =	simm.s32 @p2 $0x1  }
0x17: {  	s4 =	simm.s32 $0x1BF5;
	[smem:$0x3FAD] =	sst s0  }
0x18: {  	s0 =	sld [smem:$0x3F90];
	_ =	swait.ge [sflag:s4], $0x0  }
0x19: {  	s7 =	sld [smem:$0x3F91]  }
0x1a: {  	s8 =	sadd.s32 $0xFFFFE003, lr  }
0x1b: {  	s9 =	sadd.s32 $0xFFFFFEF7, lr;
	s5 =	simm.s32 $0xFFFFFFFF;
	p2 =	slt.u32 s8, $0xFFFFF086  }
0x1c: {  	p1 =	slt.u32 s9, $0xF7A;
	s5 =	simm.s32 @!p2 $0x0  }
0x1d: {  	s5 =	simm.s32 @p1 $0x1;
	p0 =	seq.s32 s7, s2  }
0x1e: {  	s7 =	smul.u32 @!p0 $0xF7A, s2;
	p2 =	seq.s32 @!p0 s5, $0x0  }
0x1f: {  	s9 =	smul.u32 $0xF7A, s1;
	s8 =	simm.s32 @!p0 $0x1BF5;
	p2 =	por !p2, p0  }
0x20: {  	[sflag:s8] =	ssyncset.s32 @!p0 $0xFFFFF086;
	s6 =	sadd.s32 @!p0 s3, s7;
	s7 =	simm.s32 @!p0 $0x108  }
0x21: {  	s3 =	sadd.s32 s3, s9;
	s6 =	sadd.s32 @!p0 $0x88, s6;
	s7 =	simm.s32 @p2 $0x1082  }
0x22: {  	[simem:s7], [sflag:s8] =	dma.local @!p0 [hbm:s6], $0xF7A  }
0x23: {  	s9 =	sor.u32 $0xD0000000, s2;
	s6 =	simm.s32 $0x108;
	_ =	swait.ge @!p0 [sflag:s8], $0x0  }
0x24: {  	s3 =	sadd.s32 $0x88, s3;
	s6 =	simm.s32 @!p1 $0x1082;
	[sflag:s4] =	ssyncset.s32 $0xFFFFF086  }
0x25: {  	[simem:s6], [sflag:s4] =	dma.local [hbm:s3], $0xF7A  }
0x26: {  	[smem:$0x3F91] =	sst s1;
	(tag) =	ssettag s2;
	_ =	strace s9  }
0x27: {  	s1 =	sld [smem:$0x3FA1]  }
0x28: {  	s2 =	sld [smem:$0x3FA2]  }
0x29: {  	s4 =	sld [smem:$0x3FA4]  }
0x2a: {  	p0 =	seq.s32 s5, $0x0;
	s5 =	sld [smem:$0x3FA5]  }
0x2b: {  	s6 =	sld [smem:$0x3FA6]  }
0x2c: {  	s7 =	sld [smem:$0x3FA7]  }
0x2d: {  	s3 =	simm.s32 $0x108;
	s8 =	sld [smem:$0x3FA8]  }
0x2e: {  	s3 =	simm.s32 @!p0 $0x1082;
	s9 =	sld [smem:$0x3FA9]  }
0x2f: {  	lr =	sadd.s32 s0, s3;
	s0 =	sld [smem:$0x3FA0]  }
0x30: {  	s3 =	sld [smem:$0x3FA3]  }
0x31: {  	[smem:$0x3FAC] =	sst s10  }
0x32: {  	s10 =	sld [smem:$0x3FAA];
	_ =	sdelay $0x3  }
0x33: {  	p0 =	seq.s32 s10, $0x1;
	s10 =	sld [smem:$0x3FAC];
	_ =	sdelay $0x3  }
0x34: {  	[smem:$0x3FAC] =	sst s10  }
0x35: {  	s10 =	sld [smem:$0x3FAB];
	_ =	sdelay $0x3  }
0x36: {  	p1 =	seq.s32 s10, $0x1;
	s10 =	sld [smem:$0x3FAC];
	_ =	sdelay $0x3  }
0x37: {  	[smem:$0x3FAC] =	sst s10  }
0x38: {  	s10 =	sld [smem:$0x3FAD]  }
0x39: {  	_ = 	snop;
	(pc) =	sbr.ind lr, $3  }
0x3a: {  	_ = 	snop  }
0x3b: {  	_ = 	snop  }
0x3c: {  	p2 =	seq.s32 s10, $0x1;
	s10 =	sld [smem:$0x3FAC]  }
0x3d: {  	_ =	shalt  }
0x3e: {  	_ =	shalt  }
0x3f: {  	_ =	shalt  }
0x40: {  	_ =	shalt  }
0x41: {  	_ =	shalt  }
0x42: {  	_ =	shalt  }
0x43: {  	_ =	shalt  }
0x44: {  	_ =	shalt  }
0x45: {  	_ =	shalt  }
0x46: {  	_ =	shalt  }
0x47: {  	_ =	shalt  }
0x48: {  	_ =	shalt  }
0x49: {  	_ =	shalt  }
0x4a: {  	_ =	shalt  }
0x4b: {  	_ =	shalt  }
0x4c: {  	_ =	shalt  }
0x4d: {  	_ =	shalt  }
0x4e: {  	_ =	shalt  }
0x4f: {  	_ =	shalt  }
0x50: {  	_ =	shalt  }
0x51: {  	_ =	shalt  }
0x52: {  	_ =	shalt  }
0x53: {  	_ =	shalt  }
0x54: {  	_ =	shalt  }
0x55: {  	_ =	shalt  }
0x56: {  	_ =	shalt  }
0x57: {  	_ =	shalt  }
0x58: {  	_ =	shalt  }
0x59: {  	_ =	shalt  }
0x5a: {  	_ =	shalt  }
0x5b: {  	_ =	shalt  }
0x5c: {  	_ =	shalt  }
0x5d: {  	_ =	shalt  }
0x5e: {  	_ =	shalt  }
0x5f: {  	_ =	shalt  }
0x60: {  	_ =	shalt  }
0x61: {  	_ =	shalt  }
0x62: {  	_ =	shalt  }
0x63: {  	_ =	shalt  }
0x64: {  	_ =	shalt  }
0x65: {  	_ =	shalt  }
0x66: {  	_ =	shalt  }
0x67: {  	_ =	shalt  }
0x68: {  	_ =	shalt  }
0x69: {  	_ =	shalt  }
0x6a: {  	_ =	shalt  }
0x6b: {  	_ =	shalt  }
0x6c: {  	_ =	shalt  }
0x6d: {  	_ =	shalt  }
0x6e: {  	_ =	shalt  }
0x6f: {  	_ =	shalt  }
0x70: {  	_ =	shalt  }
0x71: {  	_ =	shalt  }
0x72: {  	_ =	shalt  }
0x73: {  	_ =	shalt  }
0x74: {  	_ =	shalt  }
0x75: {  	_ =	shalt  }
0x76: {  	_ =	shalt  }
0x77: {  	_ =	shalt  }
0x78: {  	_ =	shalt  }
0x79: {  	_ =	shalt  }
0x7a: {  	_ =	shalt  }
0x7b: {  	_ =	shalt  }
0x7c: {  	_ =	shalt  }
0x7d: {  	_ =	shalt  }
0x7e: {  	_ =	shalt  }
0x7f: {  	_ =	shalt  }
0x80: {  	_ =	shalt  }
0x81: {  	_ =	shalt  }
0x82: {  	_ =	shalt  }
0x83: {  	_ =	shalt  }
0x84: {  	_ =	shalt  }
0x85: {  	_ =	shalt  }
0x86: {  	_ =	shalt  }
0x87: {  	_ =	shalt  }
.Lfunc_end0:
.L_simem_size_0:
called_computation.2_lowered:
.L_overlay_start_0:
0x88: {  	s2 =	sld [smem:$0x3FD9]  }
0x89: {  	s3 =	sld [smem:$0x3FFE];
	_ =	sdelay $0x1  }
0x8a: {  	s1 =	srdreg.scid  }
0x8b: {  	s0 =	sand.u32 $0x1, s1  }
0x8c: {  	s16 =	sshll.u32 s0, $0xA;
	s2 =	sadd.s32 s3, s2  }
0x8d: {  	s2 =	sadd.s32 s2, s16  }
0x8e: {  	[smem:$0x3FB8] =	sst s2  }
0x8f: {  	_ = 	snop  }
0x90: {  	(tm) =	ssettm $0x1  }
0x91: {  	s17 =	sld [smem:$0x3FFB];
	_ =	sdelay $0x3  }
0x92: {  	_ =	strace s17  }
0x93: {  	s2 =	sld [smem:$0x3FFC];
	_ =	sdelay $0x3  }
0x94: {  	_ =	strace s2  }
0x95: {  	s2 =	sld [smem:$0x3FFD];
	_ =	sdelay $0x3  }
0x96: {  	_ =	strace s2  }
0x97: {  	_ =	strace $0x8FFFFFFF  }
0x98: {  	s18 =	sld [smem:$0x3FDB];
	_ =	sdelay $0x1  }
0x99: {  	s19 =	simm.s32 $_scs_section_size  }
0x9a: {  	s4 =	simm.s32 $_size__tile_overlayer_lowered;
	s5 =	simm.s32 $_tile_overlayer_lowered  }
0x9b: {  	s22 =	simm.s32 $0x1BFF;
	s21 =	sshll.u32 s5, $0x1;
	s2 =	sadd.s32 s19, s18  }
0x9c: {  	s6 =	simm.s32 $0x0;
	s20 =	sshll.u32 s4, $0x1;
	s4 =	sadd.s32 s21, s2  }
0x9d: {  	[timem:s6], [sflag:s22] =	dma.local [hbm:s4], s20  }
0x9e: {  	_ =	swait.ge [sflag:s22], s20  }
0x9f: {  	s3 =	ssub.s32 $0x0, s20;
	[sflag:s22] =	ssyncset.done $0x0  }
0xa0: {  	[sflag:s22] =	ssyncadd.s32 s3;
	_ =	sdelay $0x1  }
0xa1: {  	s23 =	simm.s32 $0x1B8B  }
0xa2: {  	_ =	swait.ge [sflag:s23], $0x1  }
0xa3: {  	[sflag:s23] =	ssyncset.done $0x0  }
0xa4: {  	s25 =	simm.s32 $0x1B8E;
	s24 =	sld [smem:$0x3FFE];
	[sflag:s23] =	ssyncadd.s32 $0xFFFFFFFF  }
0xa5: {  	s26 =	simm.s32 $execute0_lowered;
	[smem:$0x3FD2] =	sst s25  }
0xa6: {  	s4 =	sshll.u32 s26, $0x1;
	_ =	strace $0x8000004C;
	[dreg:$0x1] =	wrdreg $0xFFFFFFFF  }
0xa7: {  	s28 =	simm.s32 $_size_execute0_lowered;
	s2 =	sadd.s32 s2, s4;
	[dreg:$0x0] =	wrdreg $0x0  }
0xa8: {  	s4 =	sshll.u32 s28, $0x1;
	[dreg:$0x2] =	wrdreg s2  }
0xa9: {  	[dreg:$0x3] =	wrdreg s4  }
0xaa: {  	[dreg:$0x4] =	wrdreg $0xC0  }
0xab: {  	_ =	task [dreg:s6], $0x5FFFF  }
0xac: {  	[dreg:$0x1] =	wrdreg $0xFFFFFFFF  }
0xad: {  	[dreg:$0x0] =	wrdreg $0x60  }
0xae: {  	[dreg:$0x2] =	wrdreg s24  }
0xaf: {  	[dreg:$0x3] =	wrdreg $0xA0000  }
0xb0: {  	[dreg:$0x4] =	wrdreg $0x9  }
0xb1: {  	_ =	task.clear_ibuf [dreg:s6], $0x5FFFF;
	_ =	strace $0x9000004C  }
0xb2: {  	s29 =	simm.s32 $0x9;
	_ =	strace $0x8000004E  }
0xb3: {  	_ =	swait.ge [sflag:s29], $0x1  }
0xb4: {  	[sflag:s29] =	ssyncadd.s32 $0xFFFFFFFF  }
0xb5: {  	_ =	strace $0x9000004E  }
0xb6: {  	_ =	sfence  }
0xb7: {  	s30 =	sld [smem:$0x0];
	_ =	sdelay $0x2  }
0xb8: {  	s31 =	sshll.u32 s1, $0xD;
	s1 =	sshrl.u32 s1, $0x2  }
0xb9: {  	s3 =	sand.u32 $0x4000, s31;
	s1 =	sadd.s32 s1, s30  }
0xba: {  	s0 =	sor.u32 s3, s0;
	s1 =	sshll.u32 s1, $0x11  }
0xbb: {  	s0 =	sor.u32 s1, s0  }
0xbc: {  	s0 =	sadd.s32 $0x8F2B, s0  }
0xbd: {  	[sflag:s0] =	ssyncadd.remote.s32 $0x1  }
0xbe: {  	_ =	sfence.sel $0xFFFF  }
0xbf: {  	[dreg:$0x0] =	wrdreg $0xFFFFFFFF;
	(pc) =	sbr.abs _section_cstart, $3  }
0xc0: {  	[dreg:$0x1] =	wrdreg $0xFFFFFFFF  }
0xc1: {  	_ =	task.clear_ibuf [dreg:s6], $0x2FFFF;
	_ =	strace $0x9FFFFFFF  }
0xc2: {  	(tm) =	ssettm $0x7FFFFFFF  }
0xc3: {  	_ =	shalt  }
tec
execute0_lowered:
.L_overlay_start_1:
0x0: {  	(tag) =	ssettag $0x1  }
0x1: {  	s0 =	rddreg [dreg:$0x0]  }
0x2: {  	s1 =	rddreg [dreg:$0x1]  }
0x3: {  	s2 =	simm.s32 $0x0;
	s3 =	srdreg.scid;
	s16 =	stileid.u32  }
0x4: {  	s18 =	simm.s32 $0x4;
	s20 =	simm.s32 $0x3;
	s21 =	simm.s32 $0x80  }
0x5: {  	s22 =	simm.s32 $0x2000;
	s23 =	simm.s32 $0x6000;
	s24 =	simm.s32 $0x1  }
0x6: {  	s25 =	simm.s32 $0x2;
	s26 =	simm.s32 $0x0;
	[smem:$0x7FF] =	sst s2  }
0x7: {  	s3 =	sand.u32 $0x1, s3;
	s4 =	sadd.s32 $0x3E200, s0;
	s12 =	smul.u32 $0x13800, s16  }
0x8: {  	s5 =	sadd.s32 $0xD000, s0;
	s11 =	smul.u32 $0x4E000, s16;
	s14 =	sadd.s32 $0x65400, s0  }
0x9: {  	s30 =	sshll.u32 s16, $0x6;
	s19 =	sadd.s32 $0x138000, s1;
	p0 =	sne.s32 s16, $0xF  }
0xa: {  	_ =	strace $0x8000004D;
	s6 =	sshll.u32 s3, $0x4;
	s7 =	ssub.s32 $0x2, s3  }
0xb: {  	s3 =	smul.u32 $0x138800, s3;
	s19 =	sshrl.u32 @!p0 s19, $0x3;
	s13 =	sor.u32 s16, s6  }
0xc: {  	s6 =	sadd.s32 $0x3000, s0;
	s9 =	sshrl.u32 s12, $0x3;
	s10 =	sshrl.u32 s7, $0x1  }
0xd: {  	s29 =	sshrl.u32 s11, $0x2;
	s11 =	sadd.s32 $0x3E000, s0;
	s8 =	smul.u32 $0x500, s13  }
0xe: {  	s9 =	sadd.s32 s9, s0;
	s15 =	ssub.s32 s7, s10;
	s17 =	sadd.s32 s29, s1  }
.Ltmp0:
0xf: {  	s10 =	sor.u32 $0x1C04, s30;
	s31 =	sadd.s32 s12, s3;
	(pc) =	sbr.rel .LBB2_1-.Ltmp0, $4  }
0x10: {  	s3 =	sshrl.u32 s3, $0x3;
	s12 =	smul.u32 $0x2800, s13;
	s9 =	sadd.s32 $0x17000, s9  }
0x11: {  	s0 =	sshrl.u32 s31, $0x3;
	s3 =	sadd.s32 s14, s3;
	s15 =	smax.u32 s15, $0x1  }
0x12: {  	s17 =	sshrl.u32 s17, $0x3;
	s28 =	sadd.s32 s5, s8;
	s8 =	sadd.s32 s6, s8  }
0x13: {  	s13 =	sadd.s32 s14, s0;
	s14 =	sadd.s32 $0x27000, s3;
	[dreg:$0x3] =	wrdreg s28  }
.LBB2_8:
0x14: {  	[bflag:$0x0] =	sbarrier.arrive $0xFFFF  }
0x15: {  	[hbm:s13], [sflag:s10] =	dma.local [spmem:s17], $0x2700  }
0x16: {  	s26 =	sadd.s32 $0x1, s26;
	_ =	swait.ge [sflag:s18], $0x2700  }
0x17: {  	p1 =	sne.s32 s26, s15;
	[sflag:s18] =	ssyncset.done $0x0  }
.Ltmp1:
0x18: {  	s0 =	simm.s32 @!p0 $0x4;
	[sflag:s18] =	ssyncadd.s32 $0xFFFFD900;
	(pc) =	sbr.rel @!p1 .LBB2_9-.Ltmp1, $4  }
0x19: {  	[hbm:s14], [sflag:s10] =	dma.local @!p0 [spmem:s19], $0x100  }
0x1a: {  	_ =	swait.ge @!p0 [sflag:s0], $0x100  }
0x1b: {  	[sflag:s0] =	ssyncset.done @!p0 $0x0  }
0x1c: {  	[sflag:s0] =	ssyncadd.s32 @!p0 $0xFFFFFF00  }
.LBB2_1:
0x1d: {  	s0 =	rddreg [dreg:$0x3]  }
0x1e: {  	[tilespmem:s2], [sflag:$0x3] =	stream.linear.gather [hbm4b:s0+s2], $0x800, $0x38;
	[tilespmem:$0x1D900] =	vst v63  }
0x1f: {  	s31 =	simm.s32 $0x1000  }
0x20: {  	[tilespmem:s31], [sflag:$0x3] =	stream.linear.gather [hbm4b:s8+s2], $0x800, $0x38;
	[tilespmem:$0x1D900] =	vst v63  }
0x21: {  	[spmem:s17], [sflag:s10] =	dma.local [hbm:s9], $0x2700  }
0x22: {  	_ =	swait.ge [sflag:s18], $0x2700  }
0x23: {  	[sflag:s18] =	ssyncset.done $0x0  }
0x24: {  	s0 =	simm.s32 @!p0 $0x4;
	[sflag:s18] =	ssyncadd.s32 $0xFFFFD900  }
0x25: {  	[spmem:s19], [sflag:s10] =	dma.local @!p0 [hbm:s11], $0x100  }
0x26: {  	_ =	swait.ge @!p0 [sflag:s0], $0x100  }
0x27: {  	[sflag:s0] =	ssyncset.done @!p0 $0x0  }
0x28: {  	[sflag:s0] =	ssyncadd.s32 @!p0 $0xFFFFFF00  }
0x29: {  	_ =	swait.ge [sflag:s20], $0x800  }
0x2a: {  	[sflag:s20] =	ssyncset.done $0x0  }
0x2b: {  	[sflag:s20] =	ssyncadd.s32 $0xFFFFF800  }
0x2c: {  	_ =	swait.ge [sflag:s20], $0x800  }
.Ltmp2:
0x2d: {  	[sflag:s20] =	ssyncset.done $0x0;
	(pc) =	sbr.rel .LBB2_2-.Ltmp2, $4  }
0x2e: {  	[sflag:s20] =	ssyncadd.s32 $0xFFFFF800  }
0x2f: {  	[tilespmem:s22], [sflag:$0x1] =	stream.indirect.gather [hbm4b:s4+s21], $0x80, s2, s21, $0xb8;
	[tilespmem:$0x1D900] =	vst v63  }
0x30: {  	[bflag:$0x0] =	sbarrier.arrive $0xFFFF  }
0x31: {  	s28 =	simm.s32 $0x0;
	s29 =	simm.s32 $0x0  }
.LBB2_5:
0x32: {  	s0 =	sadd.s32 s3, s0  }
0x33: {  	s0 =	sadd.s32 $0x100, s0  }
.LBB2_6:
0x34: {  	[tilespmem:s22], [sflag:$0x1] =	stream.indirect.gather [hbm4b:s4+s21], $0x80, s0, s21, $0xb8;
	[tilespmem:$0x1D900] =	vst v63  }
.LBB2_7:
0x35: {  	_ =	swait.ge [sflag:s25], $0x4000;
	s29 =	sadd.s32 $0x1, s29  }
0x36: {  	[sflag:s25] =	ssyncset.done $0x0;
	p1 =	sne.s32 s29, $0x28  }
.Ltmp3:
0x37: {  	s0 =	sor.u32 $0x1000, s31;
	[sflag:s25] =	ssyncadd.s32 $0xFFFFC000;
	(pc) =	sbr.rel @!p1 .LBB2_8-.Ltmp3, $4  }
0x38: {  	[spmem:s1] =	stream.indirect.scatter.add.f32 [tilespmem:s23], [sflag:$0x4], $0x80, s0, s21, $0xb8;
	[tilespmem:$0x1D900] =	vst v63  }
0x39: {  	_ =	swait.ge [sflag:s18], $0x4000  }
0x3a: {  	[sflag:s18] =	ssyncset.done $0x0  }
0x3b: {  	s28 =	sadd.s32 $0x2, s28;
	[sflag:s18] =	ssyncadd.s32 $0xFFFFC000  }
.LBB2_2:
0x3c: {  	s0 =	sshrl.u32 s29, $0x3;
	s3 =	sand.u32 $0x27, s29  }
0x3d: {  	s30 =	sadd.s32 $0x1, s0;
	p1 =	sne.s32 s3, $0x0  }
0x3e: {  	s3 =	sshll.u32 @!p1 s30, $0xB  }
0x3f: {  	s3 =	sadd.s32 @!p1 s12, s3  }
0x40: {  	s30 =	sand.u32 $0x1, s30;
	s3 =	sshrl.u32 @!p1 s3, $0x3  }
0x41: {  	s7 =	simm.s32 @!p1 $0x0;
	s31 =	sshll.u32 @!p1 s30, $0xB;
	s16 =	sadd.s32 @!p1 s5, s3  }
0x42: {  	[tilespmem:s31], [sflag:$0x3] =	stream.linear.gather @!p1 [hbm4b:s16+s7], $0x800, $0x38;
	[tilespmem:$0x1D900] =	vst v63  }
0x43: {  	s3 =	sadd.s32 @!p1 s6, s3;
	s16 =	sor.u32 @!p1 $0x1000, s31  }
0x44: {  	[tilespmem:s16], [sflag:$0x3] =	stream.linear.gather @!p1 [hbm4b:s3+s7], $0x800, $0x38;
	[tilespmem:$0x1D900] =	vst v63  }
0x45: {  	s0 =	sshll.u32 s0, $0xB;
	s3 =	sand.u32 $0xE, s28  }
0x46: {  	s0 =	sand.u32 $0x800, s0;
	s16 =	sshll.u32 s3, $0x7;
	s3 =	sshll.u32 s3, $0x9  }
0x47: {  	s7 =	sor.u32 s0, s16;
	s3 =	sshrl.u32 s3, $0x2  }
0x48: {  	s31 =	sor.u32 $0x80, s7;
	s16 =	sor.u32 s3, s0  }
0x49: {  	[tilespmem:s23], [sflag:$0x2] =	stream.indirect.gather [hbm4b:s4+s21], $0x80, s31, s21, $0xb8;
	[tilespmem:$0x1D900] =	vst v63  }
0x4a: {  	s7 =	sor.u32 $0x1000, s16;
	s16 =	sand.u32 $0x7, s29;
	_ =	swait.ge [sflag:s24], $0x4000  }
0x4b: {  	p1 =	sne.s32 s16, $0x7;
	[sflag:s24] =	ssyncset.done $0x0  }
.Ltmp4:
0x4c: {  	[sflag:s24] =	ssyncadd.s32 $0xFFFFC000;
	(pc) =	sbr.rel @p1 .LBB2_5-.Ltmp4, $4  }
0x4d: {  	[spmem:s1] =	stream.indirect.scatter.add.f32 [tilespmem:s22], [sflag:$0x4], $0x80, s7, s21, $0xb8;
	[tilespmem:$0x1D900] =	vst v63  }
0x4e: {  	_ =	swait.ge [sflag:s18], $0x4000  }
0x4f: {  	[sflag:s18] =	ssyncset.done $0x0  }
0x50: {  	[sflag:s18] =	ssyncadd.s32 $0xFFFFC000  }
0x51: {  	p1 =	sgt.u32 s29, $0x1F  }
.Ltmp5:
0x52: {  	_ = 	snop;
	(pc) =	sbr.rel @p1 .LBB2_7-.Ltmp5, $1  }
0x53: {  	_ =	sdelay $0x3  }
0x54: {  	_ =	swait.ge [sflag:s20], $0x800  }
.Ltmp6:
0x55: {  	[sflag:s20] =	ssyncset.done $0x0;
	(pc) =	sbr.rel .LBB2_6-.Ltmp6, $4  }
0x56: {  	[sflag:s20] =	ssyncadd.s32 $0xFFFFF800  }
0x57: {  	_ =	swait.ge [sflag:s20], $0x800  }
0x58: {  	[sflag:s20] =	ssyncset.done $0x0  }
0x59: {  	s0 =	sshll.u32 s30, $0xB;
	[sflag:s20] =	ssyncadd.s32 $0xFFFFF800  }
.LBB2_9:
0x5a: {  	_ =	sfence.sel $0x180000  }
0x5b: {  	[bflag:$0x0] =	sbarrier.arrive $0xFFFF  }
0x5c: {  	_ =	strace $0x9000004D  }
0x5d: {  	s0 =	stileid.u32;
	[bflag:$0x2] =	sbarrier.arrive $0xFFFF  }
0x5e: {  	p0 =	sne.s32 s0, $0x0;
	s0 =	rddreg [dreg:$0x2]  }
0x5f: {  	s0 =	sadd.s32 @!p0 $0x100000, s0  }
0x60: {  	[sflag:s0] =	ssyncadd.tile.s32 @!p0 $0x1;
	_ =	shalt  }
.Lfunc_end2:
_tile_overlayer_lowered:
.L_overlay_start_2:
0x61: {  	(tag) =	ssettag $0x2  }
0x62: {  	s0 =	rddreg [dreg:$0x0];
	s2 =	stileid.u32  }
0x63: {  	s1 =	rddreg [dreg:$0x1];
	p0 =	sne.s32 s2, $0x0  }
0x64: {  	s3 =	rddreg [dreg:$0x2];
	[bflag:$0x3] =	sbarrier.arrive $0xFFFF;
	s2 =	simm.s32 @!p0 $0x1C04  }
0x65: {  	[timem:s3], [sflag:s2] =	dma.local @!p0 [hbm:s0], s1  }
0x66: {  	s0 =	simm.s32 @!p0 $0x4  }
0x67: {  	_ =	swait.ge @!p0 [sflag:s0], s1  }
0x68: {  	s1 =	ssub.s32 @!p0 $0x0, s1;
	[sflag:s0] =	ssyncset.done @!p0 $0x0  }
0x69: {  	[sflag:s0] =	ssyncadd.s32 @!p0 s1  }
0x6a: {  	[bflag:$0x3] =	sbarrier.arrive $0xFFFF  }
0x6b: {  	_ =	shalt  }

// kernel: kernel.8.cloned.1.call-start
scs
__scs_entry_jumppad:
0x0: {  	(pc) =	sbr.rel $0x88, $3  }
0x1: {  	(tag) =	ssettag $0x0;
	lr =	simm.s32 $0x1  }
0x2: {  	[smem:$0x3F91] =	sst lr;
	_ =	strace $0xD0000000  }
0x3: {  	_ = 	snop  }
0x4: {  	_ = 	snop  }
0x5: {  	_ = 	snop  }
0x6: {  	_ = 	snop  }
0x7: {  	_ = 	snop  }
__scs_overlays_trampoline_lowered:
0x8: {  	[smem:$0x3FA0] =	sst s0  }
0x9: {  	[smem:$0x3FA1] =	sst s1  }
0xa: {  	[smem:$0x3FA2] =	sst s2  }
0xb: {  	[smem:$0x3FA3] =	sst s3  }
0xc: {  	[smem:$0x3FA4] =	sst s4  }
0xd: {  	[smem:$0x3FA5] =	sst s5  }
0xe: {  	[smem:$0x3FA6] =	sst s6  }
0xf: {  	[smem:$0x3FA7] =	sst s7  }
0x10: {  	[smem:$0x3FA8] =	sst s8  }
0x11: {  	[smem:$0x3FA9] =	sst s9;
	s0 =	simm.s32 @!p0 $0x0  }
0x12: {  	s1 =	sld [smem:$0x3F8F];
	s0 =	simm.s32 @p0 $0x1  }
0x13: {  	[smem:$0x3FAA] =	sst s0;
	s0 =	simm.s32 @!p1 $0x0  }
0x14: {  	s2 =	sld [smem:$0x3F8E];
	s0 =	simm.s32 @p1 $0x1  }
0x15: {  	[smem:$0x3FAB] =	sst s0;
	s0 =	simm.s32 @!p2 $0x0  }
0x16: {  	s3 =	sld [smem:$0x3FDB];
	s0 =	simm.s32 @p2 $0x1  }
0x17: {  	s4 =	simm.s32 $0x1BF5;
	[smem:$0x3FAD] =	sst s0  }
0x18: {  	s0 =	sld [smem:$0x3F90];
	_ =	swait.ge [sflag:s4], $0x0  }
0x19: {  	s7 =	sld [smem:$0x3F91]  }
0x1a: {  	s8 =	sadd.s32 $0xFFFFE003, lr  }
0x1b: {  	s9 =	sadd.s32 $0xFFFFFEF7, lr;
	s5 =	simm.s32 $0xFFFFFFFF;
	p2 =	slt.u32 s8, $0xFFFFF086  }
0x1c: {  	p1 =	slt.u32 s9, $0xF7A;
	s5 =	simm.s32 @!p2 $0x0  }
0x1d: {  	s5 =	simm.s32 @p1 $0x1;
	p0 =	seq.s32 s7, s2  }
0x1e: {  	s7 =	smul.u32 @!p0 $0xF7A, s2;
	p2 =	seq.s32 @!p0 s5, $0x0  }
0x1f: {  	s9 =	smul.u32 $0xF7A, s1;
	s8 =	simm.s32 @!p0 $0x1BF5;
	p2 =	por !p2, p0  }
0x20: {  	[sflag:s8] =	ssyncset.s32 @!p0 $0xFFFFF086;
	s6 =	sadd.s32 @!p0 s3, s7;
	s7 =	simm.s32 @!p0 $0x108  }
0x21: {  	s3 =	sadd.s32 s3, s9;
	s6 =	sadd.s32 @!p0 $0x88, s6;
	s7 =	simm.s32 @p2 $0x1082  }
0x22: {  	[simem:s7], [sflag:s8] =	dma.local @!p0 [hbm:s6], $0xF7A  }
0x23: {  	s9 =	sor.u32 $0xD0000000, s2;
	s6 =	simm.s32 $0x108;
	_ =	swait.ge @!p0 [sflag:s8], $0x0  }
0x24: {  	s3 =	sadd.s32 $0x88, s3;
	s6 =	simm.s32 @!p1 $0x1082;
	[sflag:s4] =	ssyncset.s32 $0xFFFFF086  }
0x25: {  	[simem:s6], [sflag:s4] =	dma.local [hbm:s3], $0xF7A  }
0x26: {  	[smem:$0x3F91] =	sst s1;
	(tag) =	ssettag s2;
	_ =	strace s9  }
0x27: {  	s1 =	sld [smem:$0x3FA1]  }
0x28: {  	s2 =	sld [smem:$0x3FA2]  }
0x29: {  	s4 =	sld [smem:$0x3FA4]  }
0x2a: {  	p0 =	seq.s32 s5, $0x0;
	s5 =	sld [smem:$0x3FA5]  }
0x2b: {  	s6 =	sld [smem:$0x3FA6]  }
0x2c: {  	s7 =	sld [smem:$0x3FA7]  }
0x2d: {  	s3 =	simm.s32 $0x108;
	s8 =	sld [smem:$0x3FA8]  }
0x2e: {  	s3 =	simm.s32 @!p0 $0x1082;
	s9 =	sld [smem:$0x3FA9]  }
0x2f: {  	lr =	sadd.s32 s0, s3;
	s0 =	sld [smem:$0x3FA0]  }
0x30: {  	s3 =	sld [smem:$0x3FA3]  }
0x31: {  	[smem:$0x3FAC] =	sst s10  }
0x32: {  	s10 =	sld [smem:$0x3FAA];
	_ =	sdelay $0x3  }
0x33: {  	p0 =	seq.s32 s10, $0x1;
	s10 =	sld [smem:$0x3FAC];
	_ =	sdelay $0x3  }
0x34: {  	[smem:$0x3FAC] =	sst s10  }
0x35: {  	s10 =	sld [smem:$0x3FAB];
	_ =	sdelay $0x3  }
0x36: {  	p1 =	seq.s32 s10, $0x1;
	s10 =	sld [smem:$0x3FAC];
	_ =	sdelay $0x3  }
0x37: {  	[smem:$0x3FAC] =	sst s10  }
0x38: {  	s10 =	sld [smem:$0x3FAD]  }
0x39: {  	_ = 	snop;
	(pc) =	sbr.ind lr, $3  }
0x3a: {  	_ = 	snop  }
0x3b: {  	_ = 	snop  }
0x3c: {  	p2 =	seq.s32 s10, $0x1;
	s10 =	sld [smem:$0x3FAC]  }
0x3d: {  	_ =	shalt  }
0x3e: {  	_ =	shalt  }
0x3f: {  	_ =	shalt  }
0x40: {  	_ =	shalt  }
0x41: {  	_ =	shalt  }
0x42: {  	_ =	shalt  }
0x43: {  	_ =	shalt  }
0x44: {  	_ =	shalt  }
0x45: {  	_ =	shalt  }
0x46: {  	_ =	shalt  }
0x47: {  	_ =	shalt  }
0x48: {  	_ =	shalt  }
0x49: {  	_ =	shalt  }
0x4a: {  	_ =	shalt  }
0x4b: {  	_ =	shalt  }
0x4c: {  	_ =	shalt  }
0x4d: {  	_ =	shalt  }
0x4e: {  	_ =	shalt  }
0x4f: {  	_ =	shalt  }
0x50: {  	_ =	shalt  }
0x51: {  	_ =	shalt  }
0x52: {  	_ =	shalt  }
0x53: {  	_ =	shalt  }
0x54: {  	_ =	shalt  }
0x55: {  	_ =	shalt  }
0x56: {  	_ =	shalt  }
0x57: {  	_ =	shalt  }
0x58: {  	_ =	shalt  }
0x59: {  	_ =	shalt  }
0x5a: {  	_ =	shalt  }
0x5b: {  	_ =	shalt  }
0x5c: {  	_ =	shalt  }
0x5d: {  	_ =	shalt  }
0x5e: {  	_ =	shalt  }
0x5f: {  	_ =	shalt  }
0x60: {  	_ =	shalt  }
0x61: {  	_ =	shalt  }
0x62: {  	_ =	shalt  }
0x63: {  	_ =	shalt  }
0x64: {  	_ =	shalt  }
0x65: {  	_ =	shalt  }
0x66: {  	_ =	shalt  }
0x67: {  	_ =	shalt  }
0x68: {  	_ =	shalt  }
0x69: {  	_ =	shalt  }
0x6a: {  	_ =	shalt  }
0x6b: {  	_ =	shalt  }
0x6c: {  	_ =	shalt  }
0x6d: {  	_ =	shalt  }
0x6e: {  	_ =	shalt  }
0x6f: {  	_ =	shalt  }
0x70: {  	_ =	shalt  }
0x71: {  	_ =	shalt  }
0x72: {  	_ =	shalt  }
0x73: {  	_ =	shalt  }
0x74: {  	_ =	shalt  }
0x75: {  	_ =	shalt  }
0x76: {  	_ =	shalt  }
0x77: {  	_ =	shalt  }
0x78: {  	_ =	shalt  }
0x79: {  	_ =	shalt  }
0x7a: {  	_ =	shalt  }
0x7b: {  	_ =	shalt  }
0x7c: {  	_ =	shalt  }
0x7d: {  	_ =	shalt  }
0x7e: {  	_ =	shalt  }
0x7f: {  	_ =	shalt  }
0x80: {  	_ =	shalt  }
0x81: {  	_ =	shalt  }
0x82: {  	_ =	shalt  }
0x83: {  	_ =	shalt  }
0x84: {  	_ =	shalt  }
0x85: {  	_ =	shalt  }
0x86: {  	_ =	shalt  }
0x87: {  	_ =	shalt  }
.Lfunc_end0:
.L_simem_size_0:
called_computation_lowered:
.L_overlay_start_0:
0x88: {  	s2 =	sld [smem:$0x3FD9]  }
0x89: {  	s3 =	sld [smem:$0x3FFE];
	_ =	sdelay $0x1  }
0x8a: {  	s1 =	srdreg.scid  }
0x8b: {  	s0 =	sand.u32 $0x1, s1  }
0x8c: {  	s17 =	sshll.u32 s0, $0xA;
	s2 =	sadd.s32 s3, s2  }
0x8d: {  	s2 =	sadd.s32 s2, s17  }
0x8e: {  	[smem:$0x3FB8] =	sst s2  }
0x8f: {  	_ = 	snop  }
0x90: {  	s2 =	sld [smem:$0x3FC9];
	(tm) =	ssettm $0x1  }
0x91: {  	s18 =	sld [smem:$0x3FFB];
	_ =	sdelay $0x3  }
0x92: {  	_ =	strace s18  }
0x93: {  	s3 =	sld [smem:$0x3FFC];
	_ =	sdelay $0x3  }
0x94: {  	_ =	strace s3  }
0x95: {  	s3 =	sld [smem:$0x3FFD];
	_ =	sdelay $0x3  }
0x96: {  	_ =	strace s3  }
0x97: {  	_ =	strace $0x8FFFFFFF  }
0x98: {  	s19 =	sld [smem:$0x3FDB];
	_ =	sdelay $0x1  }
0x99: {  	s4 =	simm.s32 $_scs_section_size  }
0x9a: {  	s5 =	simm.s32 $_size__tile_overlayer_lowered;
	s6 =	simm.s32 $_tile_overlayer_lowered  }
0x9b: {  	s22 =	simm.s32 $0x1BFF;
	s21 =	sshll.u32 s6, $0x1;
	s3 =	sadd.s32 s4, s19  }
0x9c: {  	s7 =	simm.s32 $0x0;
	s20 =	sshll.u32 s5, $0x1;
	s5 =	sadd.s32 s21, s3  }
0x9d: {  	[timem:s7], [sflag:s22] =	dma.local [hbm:s5], s20  }
0x9e: {  	_ =	swait.ge [sflag:s22], s20  }
0x9f: {  	s4 =	ssub.s32 $0x0, s20;
	[sflag:s22] =	ssyncset.done $0x0  }
0xa0: {  	[sflag:s22] =	ssyncadd.s32 s4;
	_ =	sdelay $0x1  }
0xa1: {  	s23 =	simm.s32 $0x1B8B  }
0xa2: {  	_ =	swait.ge [sflag:s23], $0x1  }
0xa3: {  	[sflag:s23] =	ssyncset.done $0x0  }
0xa4: {  	s25 =	simm.s32 $0x1B8E;
	s24 =	sld [smem:$0x3FFE];
	[sflag:s23] =	ssyncadd.s32 $0xFFFFFFFF  }
0xa5: {  	s26 =	simm.s32 $execute0_lowered;
	[smem:$0x3FD2] =	sst s25  }
0xa6: {  	s5 =	sshll.u32 s26, $0x1;
	_ =	strace $0x80000046;
	[dreg:$0x1] =	wrdreg $0xFFFFFFFF  }
0xa7: {  	s28 =	simm.s32 $_size_execute0_lowered;
	s3 =	sadd.s32 s3, s5;
	[dreg:$0x0] =	wrdreg $0x0  }
0xa8: {  	s5 =	sshll.u32 s28, $0x1;
	[dreg:$0x2] =	wrdreg s3  }
0xa9: {  	[dreg:$0x3] =	wrdreg s5  }
0xaa: {  	[dreg:$0x4] =	wrdreg $0xC0  }
0xab: {  	_ =	task [dreg:s7], $0x5FFFF  }
0xac: {  	[dreg:$0x1] =	wrdreg $0xFFFFFFFF  }
0xad: {  	[dreg:$0x0] =	wrdreg $0x60  }
0xae: {  	[dreg:$0x2] =	wrdreg s2  }
0xaf: {  	[dreg:$0x3] =	wrdreg s24  }
0xb0: {  	[dreg:$0x4] =	wrdreg $0xA0000  }
0xb1: {  	[dreg:$0x5] =	wrdreg $0x9  }
0xb2: {  	_ =	task.clear_ibuf [dreg:s7], $0x6FFFF;
	_ =	strace $0x90000046  }
0xb3: {  	s29 =	simm.s32 $0x9;
	_ =	strace $0x80000048  }
0xb4: {  	_ =	swait.ge [sflag:s29], $0x1  }
0xb5: {  	[sflag:s29] =	ssyncadd.s32 $0xFFFFFFFF  }
0xb6: {  	_ =	strace $0x90000048  }
0xb7: {  	_ =	sfence  }
0xb8: {  	s30 =	sld [smem:$0x0];
	_ =	sdelay $0x2  }
0xb9: {  	s31 =	sshll.u32 s1, $0xD;
	s1 =	sshrl.u32 s1, $0x2  }
0xba: {  	s3 =	sand.u32 $0x4000, s31;
	s1 =	sadd.s32 s1, s30  }
0xbb: {  	s0 =	sor.u32 s3, s0;
	s1 =	sshll.u32 s1, $0x11  }
0xbc: {  	s0 =	sor.u32 s1, s0  }
0xbd: {  	s0 =	sadd.s32 $0x8F2B, s0  }
0xbe: {  	[sflag:s0] =	ssyncadd.remote.s32 $0x1  }
0xbf: {  	_ =	sfence.sel $0xFFFF  }
0xc0: {  	[dreg:$0x0] =	wrdreg $0xFFFFFFFF;
	(pc) =	sbr.abs _section_cstart, $3  }
0xc1: {  	[dreg:$0x1] =	wrdreg $0xFFFFFFFF  }
0xc2: {  	_ =	task.clear_ibuf [dreg:s7], $0x2FFFF;
	_ =	strace $0x9FFFFFFF  }
0xc3: {  	(tm) =	ssettm $0x7FFFFFFF  }
tec
execute0_lowered:
.L_overlay_start_1:
0x0: {  	(tag) =	ssettag $0x1  }
0x1: {  	s1 =	rddreg [dreg:$0x0]  }
0x2: {  	s0 =	rddreg [dreg:$0x1]  }
0x3: {  	s2 =	rddreg [dreg:$0x2];
	s3 =	simm.s32 $0x0;
	s4 =	srdreg.scid  }
0x4: {  	s16 =	stileid.u32;
	s18 =	simm.s32 $0x4;
	s20 =	simm.s32 $0x3  }
0x5: {  	s21 =	simm.s32 $0x80;
	s22 =	simm.s32 $0x2000;
	s23 =	simm.s32 $0x6000  }
0x6: {  	s24 =	simm.s32 $0x1;
	s25 =	simm.s32 $0x2;
	s26 =	simm.s32 $0x0  }
0x7: {  	[smem:$0x7FF] =	sst s3;
	s4 =	sand.u32 $0x1, s4;
	s12 =	smul.u32 $0x13800, s16  }
0x8: {  	s5 =	sadd.s32 $0xD000, s0;
	s11 =	smul.u32 $0x4E000, s16;
	s14 =	sadd.s32 $0x3E200, s0  }
0x9: {  	s30 =	sshll.u32 s16, $0x6;
	s19 =	sadd.s32 $0x138000, s2;
	p0 =	sne.s32 s16, $0xF  }
0xa: {  	_ =	strace $0x80000047;
	s6 =	sshll.u32 s4, $0x4;
	s7 =	ssub.s32 $0x2, s4  }
0xb: {  	s4 =	smul.u32 $0x138800, s4;
	s19 =	sshrl.u32 @!p0 s19, $0x3;
	s13 =	sor.u32 s16, s6  }
0xc: {  	s6 =	sadd.s32 $0x3000, s0;
	s9 =	sshrl.u32 s12, $0x3;
	s10 =	sshrl.u32 s7, $0x1  }
0xd: {  	s29 =	sshrl.u32 s11, $0x2;
	s11 =	sadd.s32 $0x3E000, s0;
	s8 =	smul.u32 $0x500, s13  }
0xe: {  	s9 =	sadd.s32 s9, s0;
	s15 =	ssub.s32 s7, s10;
	s17 =	sadd.s32 s29, s2  }
.Ltmp0:
0xf: {  	s10 =	sor.u32 $0x1C04, s30;
	s31 =	sadd.s32 s12, s4;
	(pc) =	sbr.rel .LBB2_1-.Ltmp0, $4  }
0x10: {  	s4 =	sshrl.u32 s4, $0x3;
	s12 =	smul.u32 $0x2800, s13;
	s9 =	sadd.s32 $0x17000, s9  }
0x11: {  	s0 =	sshrl.u32 s31, $0x3;
	s4 =	sadd.s32 s14, s4;
	s15 =	smax.u32 s15, $0x1  }
0x12: {  	s17 =	sshrl.u32 s17, $0x3;
	s28 =	sadd.s32 s5, s8;
	s8 =	sadd.s32 s6, s8  }
0x13: {  	s13 =	sadd.s32 s14, s0;
	s14 =	sadd.s32 $0x27000, s4;
	[dreg:$0x4] =	wrdreg s28  }
.LBB2_8:
0x14: {  	[bflag:$0x0] =	sbarrier.arrive $0xFFFF  }
0x15: {  	[hbm:s13], [sflag:s10] =	dma.local [spmem:s17], $0x2700  }
0x16: {  	s26 =	sadd.s32 $0x1, s26;
	_ =	swait.ge [sflag:s18], $0x2700  }
0x17: {  	p1 =	sne.s32 s26, s15;
	[sflag:s18] =	ssyncset.done $0x0  }
.Ltmp1:
0x18: {  	s0 =	simm.s32 @!p0 $0x4;
	[sflag:s18] =	ssyncadd.s32 $0xFFFFD900;
	(pc) =	sbr.rel @!p1 .LBB2_9-.Ltmp1, $4  }
0x19: {  	[hbm:s14], [sflag:s10] =	dma.local @!p0 [spmem:s19], $0x100  }
0x1a: {  	_ =	swait.ge @!p0 [sflag:s0], $0x100  }
0x1b: {  	[sflag:s0] =	ssyncset.done @!p0 $0x0  }
0x1c: {  	[sflag:s0] =	ssyncadd.s32 @!p0 $0xFFFFFF00  }
.LBB2_1:
0x1d: {  	s0 =	rddreg [dreg:$0x4]  }
0x1e: {  	[tilespmem:s3], [sflag:$0x3] =	stream.linear.gather [hbm4b:s0+s3], $0x800, $0x38;
	[tilespmem:$0x1D900] =	vst v63  }
0x1f: {  	s31 =	simm.s32 $0x1000  }
0x20: {  	[tilespmem:s31], [sflag:$0x3] =	stream.linear.gather [hbm4b:s8+s3], $0x800, $0x38;
	[tilespmem:$0x1D900] =	vst v63  }
0x21: {  	[spmem:s17], [sflag:s10] =	dma.local [hbm:s9], $0x2700  }
0x22: {  	_ =	swait.ge [sflag:s18], $0x2700  }
0x23: {  	[sflag:s18] =	ssyncset.done $0x0  }
0x24: {  	s0 =	simm.s32 @!p0 $0x4;
	[sflag:s18] =	ssyncadd.s32 $0xFFFFD900  }
0x25: {  	[spmem:s19], [sflag:s10] =	dma.local @!p0 [hbm:s11], $0x100  }
0x26: {  	_ =	swait.ge @!p0 [sflag:s0], $0x100  }
0x27: {  	[sflag:s0] =	ssyncset.done @!p0 $0x0  }
0x28: {  	[sflag:s0] =	ssyncadd.s32 @!p0 $0xFFFFFF00  }
0x29: {  	_ =	swait.ge [sflag:s20], $0x800  }
0x2a: {  	[sflag:s20] =	ssyncset.done $0x0  }
0x2b: {  	[sflag:s20] =	ssyncadd.s32 $0xFFFFF800  }
0x2c: {  	_ =	swait.ge [sflag:s20], $0x800  }
.Ltmp2:
0x2d: {  	[sflag:s20] =	ssyncset.done $0x0;
	(pc) =	sbr.rel .LBB2_2-.Ltmp2, $4  }
0x2e: {  	[sflag:s20] =	ssyncadd.s32 $0xFFFFF800  }
0x2f: {  	[tilespmem:s22], [sflag:$0x1] =	stream.indirect.gather [hbm4b:s1+s21], $0x80, s3, s21, $0xb8;
	[tilespmem:$0x1D900] =	vst v63  }
0x30: {  	[bflag:$0x0] =	sbarrier.arrive $0xFFFF  }
0x31: {  	s28 =	simm.s32 $0x0;
	s29 =	simm.s32 $0x0  }
.LBB2_5:
0x32: {  	s0 =	sadd.s32 s4, s0  }
0x33: {  	s0 =	sadd.s32 $0x100, s0  }
.LBB2_6:
0x34: {  	[tilespmem:s22], [sflag:$0x1] =	stream.indirect.gather [hbm4b:s1+s21], $0x80, s0, s21, $0xb8;
	[tilespmem:$0x1D900] =	vst v63  }
.LBB2_7:
0x35: {  	_ =	swait.ge [sflag:s25], $0x4000;
	s29 =	sadd.s32 $0x1, s29  }
0x36: {  	[sflag:s25] =	ssyncset.done $0x0;
	p1 =	sne.s32 s29, $0x28  }
.Ltmp3:
0x37: {  	s0 =	sor.u32 $0x1000, s31;
	[sflag:s25] =	ssyncadd.s32 $0xFFFFC000;
	(pc) =	sbr.rel @!p1 .LBB2_8-.Ltmp3, $4  }
0x38: {  	[spmem:s2] =	stream.indirect.scatter.add.f32 [tilespmem:s23], [sflag:$0x4], $0x80, s0, s21, $0xb8;
	[tilespmem:$0x1D900] =	vst v63  }
0x39: {  	_ =	swait.ge [sflag:s18], $0x4000  }
0x3a: {  	[sflag:s18] =	ssyncset.done $0x0  }
0x3b: {  	s28 =	sadd.s32 $0x2, s28;
	[sflag:s18] =	ssyncadd.s32 $0xFFFFC000  }
.LBB2_2:
0x3c: {  	s0 =	sshrl.u32 s29, $0x3;
	s4 =	sand.u32 $0x27, s29  }
0x3d: {  	s30 =	sadd.s32 $0x1, s0;
	p1 =	sne.s32 s4, $0x0  }
0x3e: {  	s4 =	sshll.u32 @!p1 s30, $0xB  }
0x3f: {  	s4 =	sadd.s32 @!p1 s12, s4  }
0x40: {  	s30 =	sand.u32 $0x1, s30;
	s4 =	sshrl.u32 @!p1 s4, $0x3  }
0x41: {  	s7 =	simm.s32 @!p1 $0x0;
	s31 =	sshll.u32 @!p1 s30, $0xB;
	s16 =	sadd.s32 @!p1 s5, s4  }
0x42: {  	[tilespmem:s31], [sflag:$0x3] =	stream.linear.gather @!p1 [hbm4b:s16+s7], $0x800, $0x38;
	[tilespmem:$0x1D900] =	vst v63  }
0x43: {  	s4 =	sadd.s32 @!p1 s6, s4;
	s16 =	sor.u32 @!p1 $0x1000, s31  }
0x44: {  	[tilespmem:s16], [sflag:$0x3] =	stream.linear.gather @!p1 [hbm4b:s4+s7], $0x800, $0x38;
	[tilespmem:$0x1D900] =	vst v63  }
0x45: {  	s0 =	sshll.u32 s0, $0xB;
	s4 =	sand.u32 $0xE, s28  }
0x46: {  	s0 =	sand.u32 $0x800, s0;
	s16 =	sshll.u32 s4, $0x7;
	s4 =	sshll.u32 s4, $0x9  }
0x47: {  	s7 =	sor.u32 s0, s16;
	s4 =	sshrl.u32 s4, $0x2  }
0x48: {  	s31 =	sor.u32 $0x80, s7;
	s16 =	sor.u32 s4, s0  }
0x49: {  	[tilespmem:s23], [sflag:$0x2] =	stream.indirect.gather [hbm4b:s1+s21], $0x80, s31, s21, $0xb8;
	[tilespmem:$0x1D900] =	vst v63  }
0x4a: {  	s7 =	sor.u32 $0x1000, s16;
	s16 =	sand.u32 $0x7, s29;
	_ =	swait.ge [sflag:s24], $0x4000  }
0x4b: {  	p1 =	sne.s32 s16, $0x7;
	[sflag:s24] =	ssyncset.done $0x0  }
.Ltmp4:
0x4c: {  	[sflag:s24] =	ssyncadd.s32 $0xFFFFC000;
	(pc) =	sbr.rel @p1 .LBB2_5-.Ltmp4, $4  }
0x4d: {  	[spmem:s2] =	stream.indirect.scatter.add.f32 [tilespmem:s22], [sflag:$0x4], $0x80, s7, s21, $0xb8;
	[tilespmem:$0x1D900] =	vst v63  }
0x4e: {  	_ =	swait.ge [sflag:s18], $0x4000  }
0x4f: {  	[sflag:s18] =	ssyncset.done $0x0  }
0x50: {  	[sflag:s18] =	ssyncadd.s32 $0xFFFFC000  }
0x51: {  	p1 =	sgt.u32 s29, $0x1F  }
.Ltmp5:
0x52: {  	_ = 	snop;
	(pc) =	sbr.rel @p1 .LBB2_7-.Ltmp5, $1  }
0x53: {  	_ =	sdelay $0x3  }
0x54: {  	_ =	swait.ge [sflag:s20], $0x800  }
.Ltmp6:
0x55: {  	[sflag:s20] =	ssyncset.done $0x0;
	(pc) =	sbr.rel .LBB2_6-.Ltmp6, $4  }
0x56: {  	[sflag:s20] =	ssyncadd.s32 $0xFFFFF800  }
0x57: {  	_ =	swait.ge [sflag:s20], $0x800  }
0x58: {  	[sflag:s20] =	ssyncset.done $0x0  }
0x59: {  	s0 =	sshll.u32 s30, $0xB;
	[sflag:s20] =	ssyncadd.s32 $0xFFFFF800  }
.LBB2_9:
0x5a: {  	_ =	sfence.sel $0x180000  }
0x5b: {  	[bflag:$0x0] =	sbarrier.arrive $0xFFFF  }
0x5c: {  	_ =	strace $0x90000047  }
0x5d: {  	s0 =	stileid.u32;
	[bflag:$0x2] =	sbarrier.arrive $0xFFFF  }
0x5e: {  	p0 =	sne.s32 s0, $0x0;
	s0 =	rddreg [dreg:$0x3]  }
0x5f: {  	s0 =	sadd.s32 @!p0 $0x100000, s0  }
0x60: {  	[sflag:s0] =	ssyncadd.tile.s32 @!p0 $0x1;
	_ =	shalt  }
.Lfunc_end2:
_tile_overlayer_lowered:
.L_overlay_start_2:
0x61: {  	(tag) =	ssettag $0x2  }
0x62: {  	s0 =	rddreg [dreg:$0x0];
	s2 =	stileid.u32  }
0x63: {  	s1 =	rddreg [dreg:$0x1];
	p0 =	sne.s32 s2, $0x0  }
0x64: {  	s3 =	rddreg [dreg:$0x2];
	[bflag:$0x3] =	sbarrier.arrive $0xFFFF;
	s2 =	simm.s32 @!p0 $0x1C04  }
0x65: {  	[timem:s3], [sflag:s2] =	dma.local @!p0 [hbm:s0], s1  }
0x66: {  	s0 =	simm.s32 @!p0 $0x4  }
0x67: {  	_ =	swait.ge @!p0 [sflag:s0], s1  }
0x68: {  	s1 =	ssub.s32 @!p0 $0x0, s1;
	[sflag:s0] =	ssyncset.done @!p0 $0x0  }
0x69: {  	[sflag:s0] =	ssyncadd.s32 @!p0 s1  }
0x6a: {  	[bflag:$0x3] =	sbarrier.arrive $0xFFFF  }
0x6b: {  	_ =	shalt  }

</sc_bundles>
